<compile_context>
chip_gen: v7x
topology: tpu7x:2x2x1
jax: 0.10.2.dev20260603
libtpu: 0.0.44.dev20260713+nightly
codegen_flags: <defaults>
</compile_context>

<pallas_src>
import functools
import math

import jax
import jax.numpy as jnp
from jax import lax
from jax.experimental import pallas as pl
from jax.experimental.pallas import tpu as pltpu
from jax.experimental.pallas import tpu_sc as plsc

_S = 64.0
_M2 = 0.5
_COS_M = math.cos(_M2)
_SIN_M = math.sin(_M2)
_THETA = math.cos(math.pi - _M2)
_SINMM = math.sin(math.pi - _M2) * _M2

_B = 1024
_N = 100000
_NC = 2
_NS = 16
_L = 16
_NW = _NC * _NS
_RPW = _B // _NW
_BAND = 8
_NBANDS = _RPW // _BAND
_CW = 1408
_WINS = 71
_TAILOFF = _WINS * _CW
_TAIL = _N - _TAILOFF
_NCH = _NBANDS * _WINS


def _fix_band(in_buf, out_buf, labels_v, band, off, width):
    lane = lax.broadcasted_iota(jnp.int32, (_L,), 0)
    row8 = jnp.minimum(lane, 7)
    lbl = plsc.load_gather(labels_v, [band * _BAND + row8])
    local = lbl - off
    inwin = (local >= 0) & (local < width) & (lane < 8)
    safe = jnp.where(inwin, local, 0)
    t = plsc.load_gather(in_buf, [row8, safe])
    s2 = jnp.maximum(1.0 - t * t, 1e-20)
    seed = plsc.bitcast(
        jnp.int32(0x1FBD1DF5) + (plsc.bitcast(s2, jnp.int32) >> 1), jnp.float32)
    y = 0.5 * (seed + s2 / seed)
    y = 0.5 * (y + s2 / y)
    y = 0.5 * (y + s2 / y)
    cos_theta_m = t * _COS_M - y * _SIN_M
    fixed = jnp.where(t > _THETA, cos_theta_m, t - _SINMM)
    plsc.store_scatter(out_buf, [row8, safe], fixed * _S, mask=inwin)


def _make_kernel():
    mesh = plsc.VectorSubcoreMesh(core_axis_name="c", subcore_axis_name="s")

    @functools.partial(
        pl.kernel,
        mesh=mesh,
        out_type=jax.ShapeDtypeStruct((_B, _N), jnp.float32),
        compiler_params=pltpu.CompilerParams(needs_layout_passes=False),
        scratch_types=[
            pltpu.VMEM((_BAND, _CW), jnp.float32),
            pltpu.VMEM((_BAND, _CW), jnp.float32),
            pltpu.VMEM((_BAND, _CW), jnp.float32),
            pltpu.VMEM((_BAND, _CW), jnp.float32),
            pltpu.VMEM((_BAND, _TAIL), jnp.float32),
            pltpu.VMEM((_BAND, _TAIL), jnp.float32),
            pltpu.VMEM((_RPW,), jnp.int32),
            pltpu.SemaphoreType.DMA,
            pltpu.SemaphoreType.DMA,
            pltpu.SemaphoreType.DMA,
            pltpu.SemaphoreType.DMA,
        ],
    )
    def k(logits_hbm, labels_hbm, out_hbm, in0, in1, o0, o1, tin, tout,
          labels_v, isem0, isem1, osem0, osem1):
        in_bufs, out_bufs = (in0, in1), (o0, o1)
        in_sems, out_sems = (isem0, isem1), (osem0, osem1)
        wid = lax.axis_index("s") * _NC + lax.axis_index("c")
        rbase = wid * _RPW
        pltpu.sync_copy(labels_hbm.at[pl.ds(rbase, _RPW)], labels_v)

        def in_slice(g):
            band, win = g // _WINS, g % _WINS
            return logits_hbm.at[
                pl.ds(rbase + band * _BAND, _BAND), pl.ds(win * _CW, _CW)]

        def out_slice(g):
            band, win = g // _WINS, g % _WINS
            return out_hbm.at[
                pl.ds(rbase + band * _BAND, _BAND), pl.ds(win * _CW, _CW)]

        for b in range(2):
            pltpu.async_copy(in_slice(b), in_bufs[b], in_sems[b])

        @pl.loop(0, _NCH, step=2)
        def _pipeline(g0):
            for b in range(2):
                g = g0 + b
                band, win = g // _WINS, g % _WINS
                pltpu.make_async_copy(in_slice(g), in_bufs[b], in_sems[b]).wait()

                @pl.when(g >= 2)
                def _wait_prev_out():
                    pltpu.make_async_copy(
                        out_bufs[b], out_slice(g - 2), out_sems[b]).wait()

                @plsc.parallel_loop(0, _CW, step=_L, unroll=4)
                def _scale(i):
                    for r in range(_BAND):
                        out_bufs[b][r, pl.ds(i, _L)] = (
                            in_bufs[b][r, pl.ds(i, _L)] * _S)

                _fix_band(in_bufs[b], out_bufs[b], labels_v, band, win * _CW,
                          _CW)
                pltpu.async_copy(out_bufs[b], out_slice(g), out_sems[b])

                @pl.when(g + 2 < _NCH)
                def _prefetch():
                    pltpu.async_copy(in_slice(g + 2), in_bufs[b], in_sems[b])

        for b in range(2):
            pltpu.make_async_copy(
                out_bufs[b], out_slice(_NCH - 2 + b), out_sems[b]).wait()

        for band in range(_NBANDS):
            rs = pl.ds(rbase + band * _BAND, _BAND)
            cs = pl.ds(_TAILOFF, _TAIL)
            pltpu.sync_copy(logits_hbm.at[rs, cs], tin)
            for r in range(_BAND):
                for i in range(_TAIL // _L):
                    tout[r, pl.ds(i * _L, _L)] = tin[r, pl.ds(i * _L, _L)] * _S
            _fix_band(tin, tout, labels_v, band, _TAILOFF, _TAIL)
            pltpu.sync_copy(tout, out_hbm.at[rs, cs])

    return k


_sc_kernel = _make_kernel()


def kernel(logits, labels):
    return _sc_kernel(logits, labels)

# --- scband reference (transcript-rebuilt; emitter-appended) ---
"""Pipeline reference for scband-combined-margin-loss-30039001268428 (READ-ONLY COPY).

The authoritative reference and input builder live on the scoring server;
editing this copy changes nothing except your own understanding.
"""

import jax, jax.numpy as jnp
import numpy as np
import math

S = 64.0
M1, M2, M3 = 1.0, 0.5, 0.0
INTER_THRESH = 0.0
COS_M = math.cos(M2)
SIN_M = math.sin(M2)
THETA = math.cos(math.pi - M2)
SINMM = math.sin(math.pi - M2) * M2
EASY_MARGIN = False

B = 1024
NUM_CLASSES = 100000

def setup_inputs(seed: int = 0) -> dict:
    key = jax.random.key(seed)
    k1, k2 = jax.random.split(key)
    # logits are cosine similarities, keep in [0, 1) so sqrt(1 - t^2) is valid
    logits = jax.random.uniform(k1, (B, NUM_CLASSES), dtype=jnp.float32)
    labels = jax.random.randint(k2, (B,), 0, NUM_CLASSES, dtype=jnp.int32)
    return {"logits": logits, "labels": labels}

def reference(logits, labels):
    # CombinedMarginLoss with m1=1.0, m3=0.0 -> ArcFace branch; inter_thresh=0 skips interclass filtering.
    rows = jnp.arange(logits.shape[0])
    valid = labels != -1
    safe_labels = jnp.where(valid, labels, 0)
    # gather target logit per row
    tgt = logits[rows, safe_labels]
    # ArcFace additive angular margin
    sin_theta = jnp.sqrt(1.0 - tgt * tgt)
    cos_theta_m = tgt * COS_M - sin_theta * SIN_M
    if EASY_MARGIN:
        final_tgt = jnp.where(tgt > 0.0, cos_theta_m, tgt)
    else:
        final_tgt = jnp.where(tgt > THETA, cos_theta_m, tgt - SINMM)
    # rows with label == -1 keep their original target logit (no-op)
    final_tgt = jnp.where(valid, final_tgt, tgt)
    out = logits.at[rows, safe_labels].set(final_tgt)
    out = out * S
    return out

if __name__ == "__main__":
    import jax
    _d = setup_inputs()
    print(jax.jit(kernel)(*tuple(_d.values())))

</pallas_src>

<mosaic_0001>
#map = affine_map<(d0, d1) -> (0, 0)>
#map1 = affine_map<(d0, d1) -> (0)>
module attributes {stable_mosaic.version = 14 : i64} {
  func.func @k(%arg0: i32, %arg1: i32, %arg2: memref<1024x100000xf32, #tpu.memory_space<hbm>>, %arg3: memref<1024xi32, #tpu.memory_space<hbm>>, %arg4: memref<1024x100000xf32, #tpu.memory_space<hbm>>, %arg5: memref<8x1408xf32, #tpu.memory_space<vmem>>, %arg6: memref<8x1408xf32, #tpu.memory_space<vmem>>, %arg7: memref<8x1408xf32, #tpu.memory_space<vmem>>, %arg8: memref<8x1408xf32, #tpu.memory_space<vmem>>, %arg9: memref<8x32xf32, #tpu.memory_space<vmem>>, %arg10: memref<8x32xf32, #tpu.memory_space<vmem>>, %arg11: memref<32xi32, #tpu.memory_space<vmem>>, %arg12: memref<!tpu.dma_semaphore, #tpu.memory_space<semaphore_mem>>, %arg13: memref<!tpu.dma_semaphore, #tpu.memory_space<semaphore_mem>>, %arg14: memref<!tpu.dma_semaphore, #tpu.memory_space<semaphore_mem>>, %arg15: memref<!tpu.dma_semaphore, #tpu.memory_space<semaphore_mem>>) attributes {dimension_semantics = [#tpu.dimension_semantics<core_parallel>, #tpu.dimension_semantics<subcore_parallel>], iteration_bounds = array<i64: 2, 16>, scalar_prefetch = 0 : i64, scratch_operands = 11 : i64, tpu.core_type = #tpu.core_type<sc_vector_subcore>, window_params = [{transform_indices = #map}, {transform_indices = #map1}, {transform_indices = #map}]} {
    %mul3A = arith.constant 2 : i32
    %mul3A_0 = arith.muli %arg1, %mul3A : i32
    %add3A = arith.addi %mul3A_0, %arg0 : i32
    %mul3A_1 = arith.constant 32 : i32
    %mul3A_2 = arith.muli %add3A, %mul3A_1 : i32
    "tpu.region"() ({
      %run_scoped3A = tpu.sem_alloc : memref<!tpu.dma_semaphore, #tpu.memory_space<semaphore_mem>>
      %dma_start3A_1016 = tpu.memref_slice %arg3[%mul3A_2] : memref<1024xi32, #tpu.memory_space<hbm>> -> memref<32xi32, #tpu.memory_space<hbm>>
      %dma_start3A_1017 = tpu.memref_slice %arg3[%mul3A_2] : memref<1024xi32, #tpu.memory_space<hbm>> -> memref<32xi32, #tpu.memory_space<hbm>>
      tpu.enqueue_dma source(%dma_start3A_1017 : memref<32xi32, #tpu.memory_space<hbm>>) target(%arg11 : memref<32xi32, #tpu.memory_space<vmem>>) target_semaphore(%run_scoped3A : memref<!tpu.dma_semaphore, #tpu.memory_space<semaphore_mem>>)
      %dma_wait3A_1018 = tpu.memref_slice %arg3[%mul3A_2] : memref<1024xi32, #tpu.memory_space<hbm>> -> memref<32xi32, #tpu.memory_space<hbm>>
      %dma_wait3A_1019 = tpu.memref_slice %arg3[%mul3A_2] : memref<1024xi32, #tpu.memory_space<hbm>> -> memref<32xi32, #tpu.memory_space<hbm>>
      tpu.wait_dma2 semaphore(%run_scoped3A : memref<!tpu.dma_semaphore, #tpu.memory_space<semaphore_mem>>) src(%dma_wait3A_1019 : memref<32xi32, #tpu.memory_space<hbm>>) dst(%arg11 : memref<32xi32, #tpu.memory_space<vmem>>)
      tpu.yield
    }) : () -> ()
    %add3A_3 = arith.constant 0 : i32
    %add3A_4 = arith.addi %mul3A_2, %add3A_3 : i32
    %dma_start3A = arith.constant 0 : i32
    %dma_start3A_5 = tpu.memref_slice %arg2[%add3A_4, %dma_start3A] : memref<1024x100000xf32, #tpu.memory_space<hbm>> -> memref<8x1408xf32, #tpu.memory_space<hbm>>
    %dma_start3A_6 = arith.constant 0 : i32
    %dma_start3A_7 = tpu.memref_slice %arg2[%add3A_4, %dma_start3A_6] : memref<1024x100000xf32, #tpu.memory_space<hbm>> -> memref<8x1408xf32, #tpu.memory_space<hbm>>
    tpu.enqueue_dma source(%dma_start3A_7 : memref<8x1408xf32, #tpu.memory_space<hbm>>) target(%arg5 : memref<8x1408xf32, #tpu.memory_space<vmem>>) target_semaphore(%arg12 : memref<!tpu.dma_semaphore, #tpu.memory_space<semaphore_mem>>)
    %add3A_8 = arith.constant 0 : i32
    %add3A_9 = arith.addi %mul3A_2, %add3A_8 : i32
    %dma_start3A_10 = arith.constant 1408 : i32
    %dma_start3A_11 = tpu.memref_slice %arg2[%add3A_9, %dma_start3A_10] : memref<1024x100000xf32, #tpu.memory_space<hbm>> -> memref<8x1408xf32, #tpu.memory_space<hbm>>
    %dma_start3A_12 = arith.constant 1408 : i32
    %dma_start3A_13 = tpu.memref_slice %arg2[%add3A_9, %dma_start3A_12] : memref<1024x100000xf32, #tpu.memory_space<hbm>> -> memref<8x1408xf32, #tpu.memory_space<hbm>>
    tpu.enqueue_dma source(%dma_start3A_13 : memref<8x1408xf32, #tpu.memory_space<hbm>>) target(%arg6 : memref<8x1408xf32, #tpu.memory_space<vmem>>) target_semaphore(%arg13 : memref<!tpu.dma_semaphore, #tpu.memory_space<semaphore_mem>>)
    %scan3A = arith.constant 0 : i32
    %scan3A_14 = arith.constant 142 : i32
    %scan3A_15 = arith.addi %scan3A, %scan3A_14 : i32
    %scan3A_16 = arith.constant 1 : i32
    scf.for %scan3A_1016 = %scan3A to %scan3A_15 step %scan3A_16  : i32 {
      %mul3A_1017 = arith.constant 2 : i32
      %mul3A_1018 = arith.muli %scan3A_1016, %mul3A_1017 : i32
      %add3A_1019 = arith.constant 0 : i32
      %add3A_1020 = arith.addi %add3A_1019, %mul3A_1018 : i32
      %add3A_1021 = arith.constant 0 : i32
      %add3A_1022 = arith.addi %add3A_1020, %add3A_1021 : i32
      %jit3A_1023 = arith.constant 71 : i32
      %div3A_1024 = arith.divsi %add3A_1022, %jit3A_1023 : i32
      %sign3A = arith.constant 0 : i32
      %sign3A_1025 = arith.cmpi sgt, %add3A_1022, %sign3A : i32
      %sign3A_1026 = arith.extui %sign3A_1025 : i1 to i32
      %sign3A_1027 = arith.constant 0 : i32
      %sign3A_1028 = arith.cmpi slt, %add3A_1022, %sign3A_1027 : i32
      %sign3A_1029 = arith.extui %sign3A_1028 : i1 to i32
      %sign3A_1030 = arith.subi %sign3A_1026, %sign3A_1029 : i32
      %sign3A_1031 = arith.constant 0 : i32
      %sign3A_1032 = arith.cmpi sgt, %jit3A_1023, %sign3A_1031 : i32
      %sign3A_1033 = arith.extui %sign3A_1032 : i1 to i32
      %sign3A_1034 = arith.constant 0 : i32
      %sign3A_1035 = arith.cmpi slt, %jit3A_1023, %sign3A_1034 : i32
      %sign3A_1036 = arith.extui %sign3A_1035 : i1 to i32
      %sign3A_1037 = arith.subi %sign3A_1033, %sign3A_1036 : i32
      %ne3A = arith.cmpi ne, %sign3A_1030, %sign3A_1037 : i32
      %rem3A = arith.remsi %add3A_1022, %jit3A_1023 : i32
      %ne3A_1038 = arith.constant 0 : i32
      %ne3A_1039 = arith.cmpi ne, %rem3A, %ne3A_1038 : i32
      %and3A_1040 = arith.andi %ne3A, %ne3A_1039 : i1
      %sub3A_1041 = arith.constant 1 : i32
      %sub3A_1042 = arith.subi %div3A_1024, %sub3A_1041 : i32
      %select_n3A_1043 = arith.select %and3A_1040, %sub3A_1042, %div3A_1024 : i32
      %jit3A_1044 = arith.constant 71 : i32
      %eq3A = arith.constant 0 : i32
      %eq3A_1045 = arith.cmpi eq, %jit3A_1044, %eq3A : i32
      %jit3A_1046 = arith.constant 1 : i32
      %select_n3A_1047 = arith.select %eq3A_1045, %jit3A_1046, %jit3A_1044 : i32
      %rem3A_1048 = arith.remsi %add3A_1022, %select_n3A_1047 : i32
      %ne3A_1049 = arith.constant 0 : i32
      %ne3A_1050 = arith.cmpi ne, %rem3A_1048, %ne3A_1049 : i32
      %lt3A_1051 = arith.constant 0 : i32
      %lt3A_1052 = arith.cmpi slt, %rem3A_1048, %lt3A_1051 : i32
      %lt3A_1053 = arith.constant 0 : i32
      %lt3A_1054 = arith.cmpi slt, %select_n3A_1047, %lt3A_1053 : i32
      %ne3A_1055 = arith.xori %lt3A_1052, %lt3A_1054 : i1
      %and3A_1056 = arith.andi %ne3A_1055, %ne3A_1050 : i1
      %add3A_1057 = arith.addi %rem3A_1048, %select_n3A_1047 : i32
      %select_n3A_1058 = arith.select %and3A_1056, %add3A_1057, %rem3A_1048 : i32
      %jit3A_1059 = arith.constant 71 : i32
      %div3A_1060 = arith.divsi %add3A_1022, %jit3A_1059 : i32
      %sign3A_1061 = arith.constant 0 : i32
      %sign3A_1062 = arith.cmpi sgt, %add3A_1022, %sign3A_1061 : i32
      %sign3A_1063 = arith.extui %sign3A_1062 : i1 to i32
      %sign3A_1064 = arith.constant 0 : i32
      %sign3A_1065 = arith.cmpi slt, %add3A_1022, %sign3A_1064 : i32
      %sign3A_1066 = arith.extui %sign3A_1065 : i1 to i32
      %sign3A_1067 = arith.subi %sign3A_1063, %sign3A_1066 : i32
      %sign3A_1068 = arith.constant 0 : i32
      %sign3A_1069 = arith.cmpi sgt, %jit3A_1059, %sign3A_1068 : i32
      %sign3A_1070 = arith.extui %sign3A_1069 : i1 to i32
      %sign3A_1071 = arith.constant 0 : i32
      %sign3A_1072 = arith.cmpi slt, %jit3A_1059, %sign3A_1071 : i32
      %sign3A_1073 = arith.extui %sign3A_1072 : i1 to i32
      %sign3A_1074 = arith.subi %sign3A_1070, %sign3A_1073 : i32
      %ne3A_1075 = arith.cmpi ne, %sign3A_1067, %sign3A_1074 : i32
      %rem3A_1076 = arith.remsi %add3A_1022, %jit3A_1059 : i32
      %ne3A_1077 = arith.constant 0 : i32
      %ne3A_1078 = arith.cmpi ne, %rem3A_1076, %ne3A_1077 : i32
      %and3A_1079 = arith.andi %ne3A_1075, %ne3A_1078 : i1
      %sub3A_1080 = arith.constant 1 : i32
      %sub3A_1081 = arith.subi %div3A_1060, %sub3A_1080 : i32
      %select_n3A_1082 = arith.select %and3A_1079, %sub3A_1081, %div3A_1060 : i32
      %jit3A_1083 = arith.constant 71 : i32
      %eq3A_1084 = arith.constant 0 : i32
      %eq3A_1085 = arith.cmpi eq, %jit3A_1083, %eq3A_1084 : i32
      %jit3A_1086 = arith.constant 1 : i32
      %select_n3A_1087 = arith.select %eq3A_1085, %jit3A_1086, %jit3A_1083 : i32
      %rem3A_1088 = arith.remsi %add3A_1022, %select_n3A_1087 : i32
      %ne3A_1089 = arith.constant 0 : i32
      %ne3A_1090 = arith.cmpi ne, %rem3A_1088, %ne3A_1089 : i32
      %lt3A_1091 = arith.constant 0 : i32
      %lt3A_1092 = arith.cmpi slt, %rem3A_1088, %lt3A_1091 : i32
      %lt3A_1093 = arith.constant 0 : i32
      %lt3A_1094 = arith.cmpi slt, %select_n3A_1087, %lt3A_1093 : i32
      %ne3A_1095 = arith.xori %lt3A_1092, %lt3A_1094 : i1
      %and3A_1096 = arith.andi %ne3A_1095, %ne3A_1090 : i1
      %add3A_1097 = arith.addi %rem3A_1088, %select_n3A_1087 : i32
      %select_n3A_1098 = arith.select %and3A_1096, %add3A_1097, %rem3A_1088 : i32
      %mul3A_1099 = arith.constant 8 : i32
      %mul3A_1100 = arith.muli %select_n3A_1082, %mul3A_1099 : i32
      %add3A_1101 = arith.addi %mul3A_2, %mul3A_1100 : i32
      %mul3A_1102 = arith.constant 1408 : i32
      %mul3A_1103 = arith.muli %select_n3A_1098, %mul3A_1102 : i32
      %dma_wait3A_1104 = tpu.memref_slice %arg2[%add3A_1101, %mul3A_1103] : memref<1024x100000xf32, #tpu.memory_space<hbm>> -> memref<8x1408xf32, #tpu.memory_space<hbm>>
      %dma_wait3A_1105 = tpu.memref_slice %arg2[%add3A_1101, %mul3A_1103] : memref<1024x100000xf32, #tpu.memory_space<hbm>> -> memref<8x1408xf32, #tpu.memory_space<hbm>>
      tpu.wait_dma2 semaphore(%arg12 : memref<!tpu.dma_semaphore, #tpu.memory_space<semaphore_mem>>) src(%dma_wait3A_1105 : memref<8x1408xf32, #tpu.memory_space<hbm>>) dst(%arg5 : memref<8x1408xf32, #tpu.memory_space<vmem>>)
      %ge3A_1106 = arith.constant 2 : i32
      %ge3A_1107 = arith.cmpi sge, %add3A_1022, %ge3A_1106 : i32
      %convert_element_type3A = arith.extui %ge3A_1107 : i1 to i32
      %cond3A = arith.constant 0 : i32
      %cond3A_1108 = arith.cmpi ne, %convert_element_type3A, %cond3A : i32
      scf.if %cond3A_1108 {
        %sub3A_1466 = arith.constant 2 : i32
        %sub3A_1467 = arith.subi %add3A_1022, %sub3A_1466 : i32
        %jit3A_1468 = arith.constant 71 : i32
        %div3A_1469 = arith.divsi %sub3A_1467, %jit3A_1468 : i32
        %sign3A_1470 = arith.constant 0 : i32
        %sign3A_1471 = arith.cmpi sgt, %sub3A_1467, %sign3A_1470 : i32
        %sign3A_1472 = arith.extui %sign3A_1471 : i1 to i32
        %sign3A_1473 = arith.constant 0 : i32
        %sign3A_1474 = arith.cmpi slt, %sub3A_1467, %sign3A_1473 : i32
        %sign3A_1475 = arith.extui %sign3A_1474 : i1 to i32
        %sign3A_1476 = arith.subi %sign3A_1472, %sign3A_1475 : i32
        %sign3A_1477 = arith.constant 0 : i32
        %sign3A_1478 = arith.cmpi sgt, %jit3A_1468, %sign3A_1477 : i32
        %sign3A_1479 = arith.extui %sign3A_1478 : i1 to i32
        %sign3A_1480 = arith.constant 0 : i32
        %sign3A_1481 = arith.cmpi slt, %jit3A_1468, %sign3A_1480 : i32
        %sign3A_1482 = arith.extui %sign3A_1481 : i1 to i32
        %sign3A_1483 = arith.subi %sign3A_1479, %sign3A_1482 : i32
        %ne3A_1484 = arith.cmpi ne, %sign3A_1476, %sign3A_1483 : i32
        %rem3A_1485 = arith.remsi %sub3A_1467, %jit3A_1468 : i32
        %ne3A_1486 = arith.constant 0 : i32
        %ne3A_1487 = arith.cmpi ne, %rem3A_1485, %ne3A_1486 : i32
        %and3A_1488 = arith.andi %ne3A_1484, %ne3A_1487 : i1
        %sub3A_1489 = arith.constant 1 : i32
        %sub3A_1490 = arith.subi %div3A_1469, %sub3A_1489 : i32
        %select_n3A_1491 = arith.select %and3A_1488, %sub3A_1490, %div3A_1469 : i32
        %jit3A_1492 = arith.constant 71 : i32
        %eq3A_1493 = arith.constant 0 : i32
        %eq3A_1494 = arith.cmpi eq, %jit3A_1492, %eq3A_1493 : i32
        %jit3A_1495 = arith.constant 1 : i32
        %select_n3A_1496 = arith.select %eq3A_1494, %jit3A_1495, %jit3A_1492 : i32
        %rem3A_1497 = arith.remsi %sub3A_1467, %select_n3A_1496 : i32
        %ne3A_1498 = arith.constant 0 : i32
        %ne3A_1499 = arith.cmpi ne, %rem3A_1497, %ne3A_1498 : i32
        %lt3A_1500 = arith.constant 0 : i32
        %lt3A_1501 = arith.cmpi slt, %rem3A_1497, %lt3A_1500 : i32
        %lt3A_1502 = arith.constant 0 : i32
        %lt3A_1503 = arith.cmpi slt, %select_n3A_1496, %lt3A_1502 : i32
        %ne3A_1504 = arith.xori %lt3A_1501, %lt3A_1503 : i1
        %and3A_1505 = arith.andi %ne3A_1504, %ne3A_1499 : i1
        %add3A_1506 = arith.addi %rem3A_1497, %select_n3A_1496 : i32
        %select_n3A_1507 = arith.select %and3A_1505, %add3A_1506, %rem3A_1497 : i32
        %mul3A_1508 = arith.constant 8 : i32
        %mul3A_1509 = arith.muli %select_n3A_1491, %mul3A_1508 : i32
        %add3A_1510 = arith.addi %mul3A_2, %mul3A_1509 : i32
        %mul3A_1511 = arith.constant 1408 : i32
        %mul3A_1512 = arith.muli %select_n3A_1507, %mul3A_1511 : i32
        %dma_wait3A_1513 = tpu.memref_slice %arg4[%add3A_1510, %mul3A_1512] : memref<1024x100000xf32, #tpu.memory_space<hbm>> -> memref<8x1408xf32, #tpu.memory_space<hbm>>
        %dma_wait3A_1514 = tpu.memref_slice %arg4[%add3A_1510, %mul3A_1512] : memref<1024x100000xf32, #tpu.memory_space<hbm>> -> memref<8x1408xf32, #tpu.memory_space<hbm>>
        tpu.wait_dma2 semaphore(%arg14 : memref<!tpu.dma_semaphore, #tpu.memory_space<semaphore_mem>>) src(%arg7 : memref<8x1408xf32, #tpu.memory_space<vmem>>) dst(%dma_wait3A_1514 : memref<8x1408xf32, #tpu.memory_space<hbm>>)
      } else {
      }
      %parallel_loop3A = arith.constant 0 : i32
      %parallel_loop3A_1109 = arith.constant 1408 : i32
      %parallel_loop3A_1110 = arith.constant 16 : i32
      scf.for %parallel_loop3A_1466 = %parallel_loop3A to %parallel_loop3A_1109 step %parallel_loop3A_1110  : i32 {
        %parallel_loop3A_1467 = arith.constant 0 : i32
        %parallel_loop3A_1468 = arith.index_cast %parallel_loop3A_1467 : i32 to index
        %parallel_loop3A_1469 = arith.index_cast %parallel_loop3A_1466 : i32 to index
        %parallel_loop3A_1470 = tpu.vector_load %arg5[%parallel_loop3A_1468, %parallel_loop3A_1469] {strides = array<i32>} : memref<8x1408xf32, #tpu.memory_space<vmem>>, vector<16xf32>,
        %parallel_loop3A_1471 = arith.constant 6.400000e+01 : f32
        %parallel_loop3A_1472 = vector.broadcast %parallel_loop3A_1471 : f32 to vector<16xf32>
        %parallel_loop3A_1473 = arith.mulf %parallel_loop3A_1470, %parallel_loop3A_1472 : vector<16xf32>
        %parallel_loop3A_1474 = arith.constant 0 : i32
        %parallel_loop3A_1475 = arith.index_cast %parallel_loop3A_1474 : i32 to index
        %parallel_loop3A_1476 = arith.index_cast %parallel_loop3A_1466 : i32 to index
        %parallel_loop3A_1477 = tpu.vector_load %arg7[%parallel_loop3A_1475, %parallel_loop3A_1476] {strides = array<i32>} : memref<8x1408xf32, #tpu.memory_space<vmem>>, vector<16xf32>,
        tpu.vector_store %arg7[%parallel_loop3A_1475, %parallel_loop3A_1476], %parallel_loop3A_1473 {strides = array<i32>} : memref<8x1408xf32, #tpu.memory_space<vmem>>, vector<16xf32>,
        %parallel_loop3A_1478 = arith.constant 1 : i32
        %parallel_loop3A_1479 = arith.index_cast %parallel_loop3A_1478 : i32 to index
        %parallel_loop3A_1480 = arith.index_cast %parallel_loop3A_1466 : i32 to index
        %parallel_loop3A_1481 = tpu.vector_load %arg5[%parallel_loop3A_1479, %parallel_loop3A_1480] {strides = array<i32>} : memref<8x1408xf32, #tpu.memory_space<vmem>>, vector<16xf32>,
        %parallel_loop3A_1482 = arith.constant 6.400000e+01 : f32
        %parallel_loop3A_1483 = vector.broadcast %parallel_loop3A_1482 : f32 to vector<16xf32>
        %parallel_loop3A_1484 = arith.mulf %parallel_loop3A_1481, %parallel_loop3A_1483 : vector<16xf32>
        %parallel_loop3A_1485 = arith.constant 1 : i32
        %parallel_loop3A_1486 = arith.index_cast %parallel_loop3A_1485 : i32 to index
        %parallel_loop3A_1487 = arith.index_cast %parallel_loop3A_1466 : i32 to index
        %parallel_loop3A_1488 = tpu.vector_load %arg7[%parallel_loop3A_1486, %parallel_loop3A_1487] {strides = array<i32>} : memref<8x1408xf32, #tpu.memory_space<vmem>>, vector<16xf32>,
        tpu.vector_store %arg7[%parallel_loop3A_1486, %parallel_loop3A_1487], %parallel_loop3A_1484 {strides = array<i32>} : memref<8x1408xf32, #tpu.memory_space<vmem>>, vector<16xf32>,
        %parallel_loop3A_1489 = arith.constant 2 : i32
        %parallel_loop3A_1490 = arith.index_cast %parallel_loop3A_1489 : i32 to index
        %parallel_loop3A_1491 = arith.index_cast %parallel_loop3A_1466 : i32 to index
        %parallel_loop3A_1492 = tpu.vector_load %arg5[%parallel_loop3A_1490, %parallel_loop3A_1491] {strides = array<i32>} : memref<8x1408xf32, #tpu.memory_space<vmem>>, vector<16xf32>,
        %parallel_loop3A_1493 = arith.constant 6.400000e+01 : f32
        %parallel_loop3A_1494 = vector.broadcast %parallel_loop3A_1493 : f32 to vector<16xf32>
        %parallel_loop3A_1495 = arith.mulf %parallel_loop3A_1492, %parallel_loop3A_1494 : vector<16xf32>
        %parallel_loop3A_1496 = arith.constant 2 : i32
        %parallel_loop3A_1497 = arith.index_cast %parallel_loop3A_1496 : i32 to index
        %parallel_loop3A_1498 = arith.index_cast %parallel_loop3A_1466 : i32 to index
        %parallel_loop3A_1499 = tpu.vector_load %arg7[%parallel_loop3A_1497, %parallel_loop3A_1498] {strides = array<i32>} : memref<8x1408xf32, #tpu.memory_space<vmem>>, vector<16xf32>,
        tpu.vector_store %arg7[%parallel_loop3A_1497, %parallel_loop3A_1498], %parallel_loop3A_1495 {strides = array<i32>} : memref<8x1408xf32, #tpu.memory_space<vmem>>, vector<16xf32>,
        %parallel_loop3A_1500 = arith.constant 3 : i32
        %parallel_loop3A_1501 = arith.index_cast %parallel_loop3A_1500 : i32 to index
        %parallel_loop3A_1502 = arith.index_cast %parallel_loop3A_1466 : i32 to index
        %parallel_loop3A_1503 = tpu.vector_load %arg5[%parallel_loop3A_1501, %parallel_loop3A_1502] {strides = array<i32>} : memref<8x1408xf32, #tpu.memory_space<vmem>>, vector<16xf32>,
        %parallel_loop3A_1504 = arith.constant 6.400000e+01 : f32
        %parallel_loop3A_1505 = vector.broadcast %parallel_loop3A_1504 : f32 to vector<16xf32>
        %parallel_loop3A_1506 = arith.mulf %parallel_loop3A_1503, %parallel_loop3A_1505 : vector<16xf32>
        %parallel_loop3A_1507 = arith.constant 3 : i32
        %parallel_loop3A_1508 = arith.index_cast %parallel_loop3A_1507 : i32 to index
        %parallel_loop3A_1509 = arith.index_cast %parallel_loop3A_1466 : i32 to index
        %parallel_loop3A_1510 = tpu.vector_load %arg7[%parallel_loop3A_1508, %parallel_loop3A_1509] {strides = array<i32>} : memref<8x1408xf32, #tpu.memory_space<vmem>>, vector<16xf32>,
        tpu.vector_store %arg7[%parallel_loop3A_1508, %parallel_loop3A_1509], %parallel_loop3A_1506 {strides = array<i32>} : memref<8x1408xf32, #tpu.memory_space<vmem>>, vector<16xf32>,
        %parallel_loop3A_1511 = arith.constant 4 : i32
        %parallel_loop3A_1512 = arith.index_cast %parallel_loop3A_1511 : i32 to index
        %parallel_loop3A_1513 = arith.index_cast %parallel_loop3A_1466 : i32 to index
        %parallel_loop3A_1514 = tpu.vector_load %arg5[%parallel_loop3A_1512, %parallel_loop3A_1513] {strides = array<i32>} : memref<8x1408xf32, #tpu.memory_space<vmem>>, vector<16xf32>,
        %parallel_loop3A_1515 = arith.constant 6.400000e+01 : f32
        %parallel_loop3A_1516 = vector.broadcast %parallel_loop3A_1515 : f32 to vector<16xf32>
        %parallel_loop3A_1517 = arith.mulf %parallel_loop3A_1514, %parallel_loop3A_1516 : vector<16xf32>
        %parallel_loop3A_1518 = arith.constant 4 : i32
        %parallel_loop3A_1519 = arith.index_cast %parallel_loop3A_1518 : i32 to index
        %parallel_loop3A_1520 = arith.index_cast %parallel_loop3A_1466 : i32 to index
        %parallel_loop3A_1521 = tpu.vector_load %arg7[%parallel_loop3A_1519, %parallel_loop3A_1520] {strides = array<i32>} : memref<8x1408xf32, #tpu.memory_space<vmem>>, vector<16xf32>,
        tpu.vector_store %arg7[%parallel_loop3A_1519, %parallel_loop3A_1520], %parallel_loop3A_1517 {strides = array<i32>} : memref<8x1408xf32, #tpu.memory_space<vmem>>, vector<16xf32>,
        %parallel_loop3A_1522 = arith.constant 5 : i32
        %parallel_loop3A_1523 = arith.index_cast %parallel_loop3A_1522 : i32 to index
        %parallel_loop3A_1524 = arith.index_cast %parallel_loop3A_1466 : i32 to index
        %parallel_loop3A_1525 = tpu.vector_load %arg5[%parallel_loop3A_1523, %parallel_loop3A_1524] {strides = array<i32>} : memref<8x1408xf32, #tpu.memory_space<vmem>>, vector<16xf32>,
        %parallel_loop3A_1526 = arith.constant 6.400000e+01 : f32
        %parallel_loop3A_1527 = vector.broadcast %parallel_loop3A_1526 : f32 to vector<16xf32>
        %parallel_loop3A_1528 = arith.mulf %parallel_loop3A_1525, %parallel_loop3A_1527 : vector<16xf32>
        %parallel_loop3A_1529 = arith.constant 5 : i32
        %parallel_loop3A_1530 = arith.index_cast %parallel_loop3A_1529 : i32 to index
        %parallel_loop3A_1531 = arith.index_cast %parallel_loop3A_1466 : i32 to index
        %parallel_loop3A_1532 = tpu.vector_load %arg7[%parallel_loop3A_1530, %parallel_loop3A_1531] {strides = array<i32>} : memref<8x1408xf32, #tpu.memory_space<vmem>>, vector<16xf32>,
        tpu.vector_store %arg7[%parallel_loop3A_1530, %parallel_loop3A_1531], %parallel_loop3A_1528 {strides = array<i32>} : memref<8x1408xf32, #tpu.memory_space<vmem>>, vector<16xf32>,
        %parallel_loop3A_1533 = arith.constant 6 : i32
        %parallel_loop3A_1534 = arith.index_cast %parallel_loop3A_1533 : i32 to index
        %parallel_loop3A_1535 = arith.index_cast %parallel_loop3A_1466 : i32 to index
        %parallel_loop3A_1536 = tpu.vector_load %arg5[%parallel_loop3A_1534, %parallel_loop3A_1535] {strides = array<i32>} : memref<8x1408xf32, #tpu.memory_space<vmem>>, vector<16xf32>,
        %parallel_loop3A_1537 = arith.constant 6.400000e+01 : f32
        %parallel_loop3A_1538 = vector.broadcast %parallel_loop3A_1537 : f32 to vector<16xf32>
        %parallel_loop3A_1539 = arith.mulf %parallel_loop3A_1536, %parallel_loop3A_1538 : vector<16xf32>
        %parallel_loop3A_1540 = arith.constant 6 : i32
        %parallel_loop3A_1541 = arith.index_cast %parallel_loop3A_1540 : i32 to index
        %parallel_loop3A_1542 = arith.index_cast %parallel_loop3A_1466 : i32 to index
        %parallel_loop3A_1543 = tpu.vector_load %arg7[%parallel_loop3A_1541, %parallel_loop3A_1542] {strides = array<i32>} : memref<8x1408xf32, #tpu.memory_space<vmem>>, vector<16xf32>,
        tpu.vector_store %arg7[%parallel_loop3A_1541, %parallel_loop3A_1542], %parallel_loop3A_1539 {strides = array<i32>} : memref<8x1408xf32, #tpu.memory_space<vmem>>, vector<16xf32>,
        %parallel_loop3A_1544 = arith.constant 7 : i32
        %parallel_loop3A_1545 = arith.index_cast %parallel_loop3A_1544 : i32 to index
        %parallel_loop3A_1546 = arith.index_cast %parallel_loop3A_1466 : i32 to index
        %parallel_loop3A_1547 = tpu.vector_load %arg5[%parallel_loop3A_1545, %parallel_loop3A_1546] {strides = array<i32>} : memref<8x1408xf32, #tpu.memory_space<vmem>>, vector<16xf32>,
        %parallel_loop3A_1548 = arith.constant 6.400000e+01 : f32
        %parallel_loop3A_1549 = vector.broadcast %parallel_loop3A_1548 : f32 to vector<16xf32>
        %parallel_loop3A_1550 = arith.mulf %parallel_loop3A_1547, %parallel_loop3A_1549 : vector<16xf32>
        %parallel_loop3A_1551 = arith.constant 7 : i32
        %parallel_loop3A_1552 = arith.index_cast %parallel_loop3A_1551 : i32 to index
        %parallel_loop3A_1553 = arith.index_cast %parallel_loop3A_1466 : i32 to index
        %parallel_loop3A_1554 = tpu.vector_load %arg7[%parallel_loop3A_1552, %parallel_loop3A_1553] {strides = array<i32>} : memref<8x1408xf32, #tpu.memory_space<vmem>>, vector<16xf32>,
        tpu.vector_store %arg7[%parallel_loop3A_1552, %parallel_loop3A_1553], %parallel_loop3A_1550 {strides = array<i32>} : memref<8x1408xf32, #tpu.memory_space<vmem>>, vector<16xf32>,
      } {sc.loop_unroll_factor = 4 : i64, sc.parallel_access}
      %mul3A_1111 = arith.constant 1408 : i32
      %mul3A_1112 = arith.muli %select_n3A_1058, %mul3A_1111 : i32
      %iota3A_1113 = tpu.iota {dimensions = array<i32: 0>} : vector<16xi32>
      %min3A_1114 = arith.constant 7 : i32
      %min3A_1115 = vector.broadcast %min3A_1114 : i32 to vector<16xi32>
      %min3A_1116 = arith.minsi %iota3A_1113, %min3A_1115 : vector<16xi32>
      %mul3A_1117 = arith.constant 8 : i32
      %mul3A_1118 = arith.muli %select_n3A_1043, %mul3A_1117 : i32
      %add3A_1119 = vector.broadcast %mul3A_1118 : i32 to vector<16xi32>
      %add3A_1120 = arith.addi %add3A_1119, %min3A_1116 : vector<16xi32>
      %gather3A_1121 = tpu.vector_load_idx %arg11[%add3A_1120] : memref<32xi32, #tpu.memory_space<vmem>>[vector<16xi32>], vector<16xi32>,
      %sub3A_1122 = vector.broadcast %mul3A_1112 : i32 to vector<16xi32>
      %sub3A_1123 = arith.subi %gather3A_1121, %sub3A_1122 : vector<16xi32>
      %ge3A_1124 = arith.constant 0 : i32
      %ge3A_1125 = vector.broadcast %ge3A_1124 : i32 to vector<16xi32>
      %ge3A_1126 = arith.cmpi sge, %sub3A_1123, %ge3A_1125 : vector<16xi32>
      %lt3A_1127 = arith.constant 1408 : i32
      %lt3A_1128 = vector.broadcast %lt3A_1127 : i32 to vector<16xi32>
      %lt3A_1129 = arith.cmpi slt, %sub3A_1123, %lt3A_1128 : vector<16xi32>
      %and3A_1130 = arith.andi %ge3A_1126, %lt3A_1129 : vector<16xi1>
      %lt3A_1131 = arith.constant 8 : i32
      %lt3A_1132 = vector.broadcast %lt3A_1131 : i32 to vector<16xi32>
      %lt3A_1133 = arith.cmpi slt, %iota3A_1113, %lt3A_1132 : vector<16xi32>
      %and3A_1134 = arith.andi %and3A_1130, %lt3A_1133 : vector<16xi1>
      %jit3A_1135 = arith.constant 0 : i32
      %broadcast_in_dim3A_1136 = vector.broadcast %jit3A_1135 : i32 to vector<16xi32>
      %select_n3A_1137 = arith.select %and3A_1134, %sub3A_1123, %broadcast_in_dim3A_1136 : vector<16xi1>, vector<16xi32>
      %gather3A_1138 = tpu.vector_load_idx %arg5[%min3A_1116, %select_n3A_1137] : memref<8x1408xf32, #tpu.memory_space<vmem>>[vector<16xi32>, vector<16xi32>], vector<16xf32>,
      %mul3A_1139 = arith.mulf %gather3A_1138, %gather3A_1138 : vector<16xf32>
      %sub3A_1140 = arith.constant 1.000000e+00 : f32
      %sub3A_1141 = vector.broadcast %sub3A_1140 : f32 to vector<16xf32>
      %sub3A_1142 = arith.subf %sub3A_1141, %mul3A_1139 : vector<16xf32>
      %max3A_1143 = arith.constant 9.99999968E-21 : f32
      %max3A_1144 = vector.broadcast %max3A_1143 : f32 to vector<16xf32>
      %max3A_1145 = arith.maximumf %sub3A_1142, %max3A_1144 : vector<16xf32>
      %bitcast3A_1146 = vector.bitcast %max3A_1145 : vector<16xf32> to vector<16xi32>
      %shift_right_arithmetic3A_1147 = arith.constant 1 : i32
      %shift_right_arithmetic3A_1148 = vector.broadcast %shift_right_arithmetic3A_1147 : i32 to vector<16xi32>
      %shift_right_arithmetic3A_1149 = arith.shrsi %bitcast3A_1146, %shift_right_arithmetic3A_1148 : vector<16xi32>
      %add3A_1150 = arith.constant 532487669 : i32
      %add3A_1151 = vector.broadcast %add3A_1150 : i32 to vector<16xi32>
      %add3A_1152 = arith.addi %add3A_1151, %shift_right_arithmetic3A_1149 : vector<16xi32>
      %bitcast3A_1153 = vector.bitcast %add3A_1152 : vector<16xi32> to vector<16xf32>
      %div3A_1154 = arith.divf %max3A_1145, %bitcast3A_1153 : vector<16xf32>
      %add3A_1155 = arith.addf %bitcast3A_1153, %div3A_1154 : vector<16xf32>
      %mul3A_1156 = arith.constant 5.000000e-01 : f32
      %mul3A_1157 = vector.broadcast %mul3A_1156 : f32 to vector<16xf32>
      %mul3A_1158 = arith.mulf %mul3A_1157, %add3A_1155 : vector<16xf32>
      %div3A_1159 = arith.divf %max3A_1145, %mul3A_1158 : vector<16xf32>
      %add3A_1160 = arith.addf %mul3A_1158, %div3A_1159 : vector<16xf32>
      %mul3A_1161 = arith.constant 5.000000e-01 : f32
      %mul3A_1162 = vector.broadcast %mul3A_1161 : f32 to vector<16xf32>
      %mul3A_1163 = arith.mulf %mul3A_1162, %add3A_1160 : vector<16xf32>
      %div3A_1164 = arith.divf %max3A_1145, %mul3A_1163 : vector<16xf32>
      %add3A_1165 = arith.addf %mul3A_1163, %div3A_1164 : vector<16xf32>
      %mul3A_1166 = arith.constant 5.000000e-01 : f32
      %mul3A_1167 = vector.broadcast %mul3A_1166 : f32 to vector<16xf32>
      %mul3A_1168 = arith.mulf %mul3A_1167, %add3A_1165 : vector<16xf32>
      %mul3A_1169 = arith.constant 0.87758255 : f32
      %mul3A_1170 = vector.broadcast %mul3A_1169 : f32 to vector<16xf32>
      %mul3A_1171 = arith.mulf %gather3A_1138, %mul3A_1170 : vector<16xf32>
      %mul3A_1172 = arith.constant 0.47942555 : f32
      %mul3A_1173 = vector.broadcast %mul3A_1172 : f32 to vector<16xf32>
      %mul3A_1174 = arith.mulf %mul3A_1168, %mul3A_1173 : vector<16xf32>
      %sub3A_1175 = arith.subf %mul3A_1171, %mul3A_1174 : vector<16xf32>
      %gt3A_1176 = arith.constant -0.87758255 : f32
      %gt3A_1177 = vector.broadcast %gt3A_1176 : f32 to vector<16xf32>
      %gt3A_1178 = arith.cmpf ogt, %gather3A_1138, %gt3A_1177 : vector<16xf32>
      %sub3A_1179 = arith.constant 0.239712775 : f32
      %sub3A_1180 = vector.broadcast %sub3A_1179 : f32 to vector<16xf32>
      %sub3A_1181 = arith.subf %gather3A_1138, %sub3A_1180 : vector<16xf32>
      %select_n3A_1182 = arith.select %gt3A_1178, %sub3A_1175, %sub3A_1181 : vector<16xi1>, vector<16xf32>
      %mul3A_1183 = arith.constant 6.400000e+01 : f32
      %mul3A_1184 = vector.broadcast %mul3A_1183 : f32 to vector<16xf32>
      %mul3A_1185 = arith.mulf %select_n3A_1182, %mul3A_1184 : vector<16xf32>
      tpu.vector_store_idx %arg7[%min3A_1116, %select_n3A_1137], %mul3A_1185 masked %and3A_1134 : memref<8x1408xf32, #tpu.memory_space<vmem>>[vector<16xi32>, vector<16xi32>], vector<16xf32>, vector<16xi1>
      %jit3A_1186 = arith.constant 71 : i32
      %div3A_1187 = arith.divsi %add3A_1022, %jit3A_1186 : i32
      %sign3A_1188 = arith.constant 0 : i32
      %sign3A_1189 = arith.cmpi sgt, %add3A_1022, %sign3A_1188 : i32
      %sign3A_1190 = arith.extui %sign3A_1189 : i1 to i32
      %sign3A_1191 = arith.constant 0 : i32
      %sign3A_1192 = arith.cmpi slt, %add3A_1022, %sign3A_1191 : i32
      %sign3A_1193 = arith.extui %sign3A_1192 : i1 to i32
      %sign3A_1194 = arith.subi %sign3A_1190, %sign3A_1193 : i32
      %sign3A_1195 = arith.constant 0 : i32
      %sign3A_1196 = arith.cmpi sgt, %jit3A_1186, %sign3A_1195 : i32
      %sign3A_1197 = arith.extui %sign3A_1196 : i1 to i32
      %sign3A_1198 = arith.constant 0 : i32
      %sign3A_1199 = arith.cmpi slt, %jit3A_1186, %sign3A_1198 : i32
      %sign3A_1200 = arith.extui %sign3A_1199 : i1 to i32
      %sign3A_1201 = arith.subi %sign3A_1197, %sign3A_1200 : i32
      %ne3A_1202 = arith.cmpi ne, %sign3A_1194, %sign3A_1201 : i32
      %rem3A_1203 = arith.remsi %add3A_1022, %jit3A_1186 : i32
      %ne3A_1204 = arith.constant 0 : i32
      %ne3A_1205 = arith.cmpi ne, %rem3A_1203, %ne3A_1204 : i32
      %and3A_1206 = arith.andi %ne3A_1202, %ne3A_1205 : i1
      %sub3A_1207 = arith.constant 1 : i32
      %sub3A_1208 = arith.subi %div3A_1187, %sub3A_1207 : i32
      %select_n3A_1209 = arith.select %and3A_1206, %sub3A_1208, %div3A_1187 : i32
      %jit3A_1210 = arith.constant 71 : i32
      %eq3A_1211 = arith.constant 0 : i32
      %eq3A_1212 = arith.cmpi eq, %jit3A_1210, %eq3A_1211 : i32
      %jit3A_1213 = arith.constant 1 : i32
      %select_n3A_1214 = arith.select %eq3A_1212, %jit3A_1213, %jit3A_1210 : i32
      %rem3A_1215 = arith.remsi %add3A_1022, %select_n3A_1214 : i32
      %ne3A_1216 = arith.constant 0 : i32
      %ne3A_1217 = arith.cmpi ne, %rem3A_1215, %ne3A_1216 : i32
      %lt3A_1218 = arith.constant 0 : i32
      %lt3A_1219 = arith.cmpi slt, %rem3A_1215, %lt3A_1218 : i32
      %lt3A_1220 = arith.constant 0 : i32
      %lt3A_1221 = arith.cmpi slt, %select_n3A_1214, %lt3A_1220 : i32
      %ne3A_1222 = arith.xori %lt3A_1219, %lt3A_1221 : i1
      %and3A_1223 = arith.andi %ne3A_1222, %ne3A_1217 : i1
      %add3A_1224 = arith.addi %rem3A_1215, %select_n3A_1214 : i32
      %select_n3A_1225 = arith.select %and3A_1223, %add3A_1224, %rem3A_1215 : i32
      %mul3A_1226 = arith.constant 8 : i32
      %mul3A_1227 = arith.muli %select_n3A_1209, %mul3A_1226 : i32
      %add3A_1228 = arith.addi %mul3A_2, %mul3A_1227 : i32
      %mul3A_1229 = arith.constant 1408 : i32
      %mul3A_1230 = arith.muli %select_n3A_1225, %mul3A_1229 : i32
      %dma_start3A_1231 = tpu.memref_slice %arg4[%add3A_1228, %mul3A_1230] : memref<1024x100000xf32, #tpu.memory_space<hbm>> -> memref<8x1408xf32, #tpu.memory_space<hbm>>
      %dma_start3A_1232 = tpu.memref_slice %arg4[%add3A_1228, %mul3A_1230] : memref<1024x100000xf32, #tpu.memory_space<hbm>> -> memref<8x1408xf32, #tpu.memory_space<hbm>>
      tpu.enqueue_dma source(%arg7 : memref<8x1408xf32, #tpu.memory_space<vmem>>) target(%dma_start3A_1232 : memref<8x1408xf32, #tpu.memory_space<hbm>>) target_semaphore(%arg14 : memref<!tpu.dma_semaphore, #tpu.memory_space<semaphore_mem>>)
      %add3A_1233 = arith.constant 2 : i32
      %add3A_1234 = arith.addi %add3A_1022, %add3A_1233 : i32
      %lt3A_1235 = arith.constant 284 : i32
      %lt3A_1236 = arith.cmpi slt, %add3A_1234, %lt3A_1235 : i32
      %convert_element_type3A_1237 = arith.extui %lt3A_1236 : i1 to i32
      %cond3A_1238 = arith.constant 0 : i32
      %cond3A_1239 = arith.cmpi ne, %convert_element_type3A_1237, %cond3A_1238 : i32
      scf.if %cond3A_1239 {
        %add3A_1466 = arith.constant 2 : i32
        %add3A_1467 = arith.addi %add3A_1022, %add3A_1466 : i32
        %jit3A_1468 = arith.constant 71 : i32
        %div3A_1469 = arith.divsi %add3A_1467, %jit3A_1468 : i32
        %sign3A_1470 = arith.constant 0 : i32
        %sign3A_1471 = arith.cmpi sgt, %add3A_1467, %sign3A_1470 : i32
        %sign3A_1472 = arith.extui %sign3A_1471 : i1 to i32
        %sign3A_1473 = arith.constant 0 : i32
        %sign3A_1474 = arith.cmpi slt, %add3A_1467, %sign3A_1473 : i32
        %sign3A_1475 = arith.extui %sign3A_1474 : i1 to i32
        %sign3A_1476 = arith.subi %sign3A_1472, %sign3A_1475 : i32
        %sign3A_1477 = arith.constant 0 : i32
        %sign3A_1478 = arith.cmpi sgt, %jit3A_1468, %sign3A_1477 : i32
        %sign3A_1479 = arith.extui %sign3A_1478 : i1 to i32
        %sign3A_1480 = arith.constant 0 : i32
        %sign3A_1481 = arith.cmpi slt, %jit3A_1468, %sign3A_1480 : i32
        %sign3A_1482 = arith.extui %sign3A_1481 : i1 to i32
        %sign3A_1483 = arith.subi %sign3A_1479, %sign3A_1482 : i32
        %ne3A_1484 = arith.cmpi ne, %sign3A_1476, %sign3A_1483 : i32
        %rem3A_1485 = arith.remsi %add3A_1467, %jit3A_1468 : i32
        %ne3A_1486 = arith.constant 0 : i32
        %ne3A_1487 = arith.cmpi ne, %rem3A_1485, %ne3A_1486 : i32
        %and3A_1488 = arith.andi %ne3A_1484, %ne3A_1487 : i1
        %sub3A_1489 = arith.constant 1 : i32
        %sub3A_1490 = arith.subi %div3A_1469, %sub3A_1489 : i32
        %select_n3A_1491 = arith.select %and3A_1488, %sub3A_1490, %div3A_1469 : i32
        %jit3A_1492 = arith.constant 71 : i32
        %eq3A_1493 = arith.constant 0 : i32
        %eq3A_1494 = arith.cmpi eq, %jit3A_1492, %eq3A_1493 : i32
        %jit3A_1495 = arith.constant 1 : i32
        %select_n3A_1496 = arith.select %eq3A_1494, %jit3A_1495, %jit3A_1492 : i32
        %rem3A_1497 = arith.remsi %add3A_1467, %select_n3A_1496 : i32
        %ne3A_1498 = arith.constant 0 : i32
        %ne3A_1499 = arith.cmpi ne, %rem3A_1497, %ne3A_1498 : i32
        %lt3A_1500 = arith.constant 0 : i32
        %lt3A_1501 = arith.cmpi slt, %rem3A_1497, %lt3A_1500 : i32
        %lt3A_1502 = arith.constant 0 : i32
        %lt3A_1503 = arith.cmpi slt, %select_n3A_1496, %lt3A_1502 : i32
        %ne3A_1504 = arith.xori %lt3A_1501, %lt3A_1503 : i1
        %and3A_1505 = arith.andi %ne3A_1504, %ne3A_1499 : i1
        %add3A_1506 = arith.addi %rem3A_1497, %select_n3A_1496 : i32
        %select_n3A_1507 = arith.select %and3A_1505, %add3A_1506, %rem3A_1497 : i32
        %mul3A_1508 = arith.constant 8 : i32
        %mul3A_1509 = arith.muli %select_n3A_1491, %mul3A_1508 : i32
        %add3A_1510 = arith.addi %mul3A_2, %mul3A_1509 : i32
        %mul3A_1511 = arith.constant 1408 : i32
        %mul3A_1512 = arith.muli %select_n3A_1507, %mul3A_1511 : i32
        %dma_start3A_1513 = tpu.memref_slice %arg2[%add3A_1510, %mul3A_1512] : memref<1024x100000xf32, #tpu.memory_space<hbm>> -> memref<8x1408xf32, #tpu.memory_space<hbm>>
        %dma_start3A_1514 = tpu.memref_slice %arg2[%add3A_1510, %mul3A_1512] : memref<1024x100000xf32, #tpu.memory_space<hbm>> -> memref<8x1408xf32, #tpu.memory_space<hbm>>
        tpu.enqueue_dma source(%dma_start3A_1514 : memref<8x1408xf32, #tpu.memory_space<hbm>>) target(%arg5 : memref<8x1408xf32, #tpu.memory_space<vmem>>) target_semaphore(%arg12 : memref<!tpu.dma_semaphore, #tpu.memory_space<semaphore_mem>>)
      } else {
      }
      %add3A_1240 = arith.constant 1 : i32
      %add3A_1241 = arith.addi %add3A_1020, %add3A_1240 : i32
      %jit3A_1242 = arith.constant 71 : i32
      %div3A_1243 = arith.divsi %add3A_1241, %jit3A_1242 : i32
      %sign3A_1244 = arith.constant 0 : i32
      %sign3A_1245 = arith.cmpi sgt, %add3A_1241, %sign3A_1244 : i32
      %sign3A_1246 = arith.extui %sign3A_1245 : i1 to i32
      %sign3A_1247 = arith.constant 0 : i32
      %sign3A_1248 = arith.cmpi slt, %add3A_1241, %sign3A_1247 : i32
      %sign3A_1249 = arith.extui %sign3A_1248 : i1 to i32
      %sign3A_1250 = arith.subi %sign3A_1246, %sign3A_1249 : i32
      %sign3A_1251 = arith.constant 0 : i32
      %sign3A_1252 = arith.cmpi sgt, %jit3A_1242, %sign3A_1251 : i32
      %sign3A_1253 = arith.extui %sign3A_1252 : i1 to i32
      %sign3A_1254 = arith.constant 0 : i32
      %sign3A_1255 = arith.cmpi slt, %jit3A_1242, %sign3A_1254 : i32
      %sign3A_1256 = arith.extui %sign3A_1255 : i1 to i32
      %sign3A_1257 = arith.subi %sign3A_1253, %sign3A_1256 : i32
      %ne3A_1258 = arith.cmpi ne, %sign3A_1250, %sign3A_1257 : i32
      %rem3A_1259 = arith.remsi %add3A_1241, %jit3A_1242 : i32
      %ne3A_1260 = arith.constant 0 : i32
      %ne3A_1261 = arith.cmpi ne, %rem3A_1259, %ne3A_1260 : i32
      %and3A_1262 = arith.andi %ne3A_1258, %ne3A_1261 : i1
      %sub3A_1263 = arith.constant 1 : i32
      %sub3A_1264 = arith.subi %div3A_1243, %sub3A_1263 : i32
      %select_n3A_1265 = arith.select %and3A_1262, %sub3A_1264, %div3A_1243 : i32
      %jit3A_1266 = arith.constant 71 : i32
      %eq3A_1267 = arith.constant 0 : i32
      %eq3A_1268 = arith.cmpi eq, %jit3A_1266, %eq3A_1267 : i32
      %jit3A_1269 = arith.constant 1 : i32
      %select_n3A_1270 = arith.select %eq3A_1268, %jit3A_1269, %jit3A_1266 : i32
      %rem3A_1271 = arith.remsi %add3A_1241, %select_n3A_1270 : i32
      %ne3A_1272 = arith.constant 0 : i32
      %ne3A_1273 = arith.cmpi ne, %rem3A_1271, %ne3A_1272 : i32
      %lt3A_1274 = arith.constant 0 : i32
      %lt3A_1275 = arith.cmpi slt, %rem3A_1271, %lt3A_1274 : i32
      %lt3A_1276 = arith.constant 0 : i32
      %lt3A_1277 = arith.cmpi slt, %select_n3A_1270, %lt3A_1276 : i32
      %ne3A_1278 = arith.xori %lt3A_1275, %lt3A_1277 : i1
      %and3A_1279 = arith.andi %ne3A_1278, %ne3A_1273 : i1
      %add3A_1280 = arith.addi %rem3A_1271, %select_n3A_1270 : i32
      %select_n3A_1281 = arith.select %and3A_1279, %add3A_1280, %rem3A_1271 : i32
      %jit3A_1282 = arith.constant 71 : i32
      %div3A_1283 = arith.divsi %add3A_1241, %jit3A_1282 : i32
      %sign3A_1284 = arith.constant 0 : i32
      %sign3A_1285 = arith.cmpi sgt, %add3A_1241, %sign3A_1284 : i32
      %sign3A_1286 = arith.extui %sign3A_1285 : i1 to i32
      %sign3A_1287 = arith.constant 0 : i32
      %sign3A_1288 = arith.cmpi slt, %add3A_1241, %sign3A_1287 : i32
      %sign3A_1289 = arith.extui %sign3A_1288 : i1 to i32
      %sign3A_1290 = arith.subi %sign3A_1286, %sign3A_1289 : i32
      %sign3A_1291 = arith.constant 0 : i32
      %sign3A_1292 = arith.cmpi sgt, %jit3A_1282, %sign3A_1291 : i32
      %sign3A_1293 = arith.extui %sign3A_1292 : i1 to i32
      %sign3A_1294 = arith.constant 0 : i32
      %sign3A_1295 = arith.cmpi slt, %jit3A_1282, %sign3A_1294 : i32
      %sign3A_1296 = arith.extui %sign3A_1295 : i1 to i32
      %sign3A_1297 = arith.subi %sign3A_1293, %sign3A_1296 : i32
      %ne3A_1298 = arith.cmpi ne, %sign3A_1290, %sign3A_1297 : i32
      %rem3A_1299 = arith.remsi %add3A_1241, %jit3A_1282 : i32
      %ne3A_1300 = arith.constant 0 : i32
      %ne3A_1301 = arith.cmpi ne, %rem3A_1299, %ne3A_1300 : i32
      %and3A_1302 = arith.andi %ne3A_1298, %ne3A_1301 : i1
      %sub3A_1303 = arith.constant 1 : i32
      %sub3A_1304 = arith.subi %div3A_1283, %sub3A_1303 : i32
      %select_n3A_1305 = arith.select %and3A_1302, %sub3A_1304, %div3A_1283 : i32
      %jit3A_1306 = arith.constant 71 : i32
      %eq3A_1307 = arith.constant 0 : i32
      %eq3A_1308 = arith.cmpi eq, %jit3A_1306, %eq3A_1307 : i32
      %jit3A_1309 = arith.constant 1 : i32
      %select_n3A_1310 = arith.select %eq3A_1308, %jit3A_1309, %jit3A_1306 : i32
      %rem3A_1311 = arith.remsi %add3A_1241, %select_n3A_1310 : i32
      %ne3A_1312 = arith.constant 0 : i32
      %ne3A_1313 = arith.cmpi ne, %rem3A_1311, %ne3A_1312 : i32
      %lt3A_1314 = arith.constant 0 : i32
      %lt3A_1315 = arith.cmpi slt, %rem3A_1311, %lt3A_1314 : i32
      %lt3A_1316 = arith.constant 0 : i32
      %lt3A_1317 = arith.cmpi slt, %select_n3A_1310, %lt3A_1316 : i32
      %ne3A_1318 = arith.xori %lt3A_1315, %lt3A_1317 : i1
      %and3A_1319 = arith.andi %ne3A_1318, %ne3A_1313 : i1
      %add3A_1320 = arith.addi %rem3A_1311, %select_n3A_1310 : i32
      %select_n3A_1321 = arith.select %and3A_1319, %add3A_1320, %rem3A_1311 : i32
      %mul3A_1322 = arith.constant 8 : i32
      %mul3A_1323 = arith.muli %select_n3A_1305, %mul3A_1322 : i32
      %add3A_1324 = arith.addi %mul3A_2, %mul3A_1323 : i32
      %mul3A_1325 = arith.constant 1408 : i32
      %mul3A_1326 = arith.muli %select_n3A_1321, %mul3A_1325 : i32
      %dma_wait3A_1327 = tpu.memref_slice %arg2[%add3A_1324, %mul3A_1326] : memref<1024x100000xf32, #tpu.memory_space<hbm>> -> memref<8x1408xf32, #tpu.memory_space<hbm>>
      %dma_wait3A_1328 = tpu.memref_slice %arg2[%add3A_1324, %mul3A_1326] : memref<1024x100000xf32, #tpu.memory_space<hbm>> -> memref<8x1408xf32, #tpu.memory_space<hbm>>
      tpu.wait_dma2 semaphore(%arg13 : memref<!tpu.dma_semaphore, #tpu.memory_space<semaphore_mem>>) src(%dma_wait3A_1328 : memref<8x1408xf32, #tpu.memory_space<hbm>>) dst(%arg6 : memref<8x1408xf32, #tpu.memory_space<vmem>>)
      %ge3A_1329 = arith.constant 2 : i32
      %ge3A_1330 = arith.cmpi sge, %add3A_1241, %ge3A_1329 : i32
      %convert_element_type3A_1331 = arith.extui %ge3A_1330 : i1 to i32
      %cond3A_1332 = arith.constant 0 : i32
      %cond3A_1333 = arith.cmpi ne, %convert_element_type3A_1331, %cond3A_1332 : i32
      scf.if %cond3A_1333 {
        %sub3A_1466 = arith.constant 2 : i32
        %sub3A_1467 = arith.subi %add3A_1241, %sub3A_1466 : i32
        %jit3A_1468 = arith.constant 71 : i32
        %div3A_1469 = arith.divsi %sub3A_1467, %jit3A_1468 : i32
        %sign3A_1470 = arith.constant 0 : i32
        %sign3A_1471 = arith.cmpi sgt, %sub3A_1467, %sign3A_1470 : i32
        %sign3A_1472 = arith.extui %sign3A_1471 : i1 to i32
        %sign3A_1473 = arith.constant 0 : i32
        %sign3A_1474 = arith.cmpi slt, %sub3A_1467, %sign3A_1473 : i32
        %sign3A_1475 = arith.extui %sign3A_1474 : i1 to i32
        %sign3A_1476 = arith.subi %sign3A_1472, %sign3A_1475 : i32
        %sign3A_1477 = arith.constant 0 : i32
        %sign3A_1478 = arith.cmpi sgt, %jit3A_1468, %sign3A_1477 : i32
        %sign3A_1479 = arith.extui %sign3A_1478 : i1 to i32
        %sign3A_1480 = arith.constant 0 : i32
        %sign3A_1481 = arith.cmpi slt, %jit3A_1468, %sign3A_1480 : i32
        %sign3A_1482 = arith.extui %sign3A_1481 : i1 to i32
        %sign3A_1483 = arith.subi %sign3A_1479, %sign3A_1482 : i32
        %ne3A_1484 = arith.cmpi ne, %sign3A_1476, %sign3A_1483 : i32
        %rem3A_1485 = arith.remsi %sub3A_1467, %jit3A_1468 : i32
        %ne3A_1486 = arith.constant 0 : i32
        %ne3A_1487 = arith.cmpi ne, %rem3A_1485, %ne3A_1486 : i32
        %and3A_1488 = arith.andi %ne3A_1484, %ne3A_1487 : i1
        %sub3A_1489 = arith.constant 1 : i32
        %sub3A_1490 = arith.subi %div3A_1469, %sub3A_1489 : i32
        %select_n3A_1491 = arith.select %and3A_1488, %sub3A_1490, %div3A_1469 : i32
        %jit3A_1492 = arith.constant 71 : i32
        %eq3A_1493 = arith.constant 0 : i32
        %eq3A_1494 = arith.cmpi eq, %jit3A_1492, %eq3A_1493 : i32
        %jit3A_1495 = arith.constant 1 : i32
        %select_n3A_1496 = arith.select %eq3A_1494, %jit3A_1495, %jit3A_1492 : i32
        %rem3A_1497 = arith.remsi %sub3A_1467, %select_n3A_1496 : i32
        %ne3A_1498 = arith.constant 0 : i32
        %ne3A_1499 = arith.cmpi ne, %rem3A_1497, %ne3A_1498 : i32
        %lt3A_1500 = arith.constant 0 : i32
        %lt3A_1501 = arith.cmpi slt, %rem3A_1497, %lt3A_1500 : i32
        %lt3A_1502 = arith.constant 0 : i32
        %lt3A_1503 = arith.cmpi slt, %select_n3A_1496, %lt3A_1502 : i32
        %ne3A_1504 = arith.xori %lt3A_1501, %lt3A_1503 : i1
        %and3A_1505 = arith.andi %ne3A_1504, %ne3A_1499 : i1
        %add3A_1506 = arith.addi %rem3A_1497, %select_n3A_1496 : i32
        %select_n3A_1507 = arith.select %and3A_1505, %add3A_1506, %rem3A_1497 : i32
        %mul3A_1508 = arith.constant 8 : i32
        %mul3A_1509 = arith.muli %select_n3A_1491, %mul3A_1508 : i32
        %add3A_1510 = arith.addi %mul3A_2, %mul3A_1509 : i32
        %mul3A_1511 = arith.constant 1408 : i32
        %mul3A_1512 = arith.muli %select_n3A_1507, %mul3A_1511 : i32
        %dma_wait3A_1513 = tpu.memref_slice %arg4[%add3A_1510, %mul3A_1512] : memref<1024x100000xf32, #tpu.memory_space<hbm>> -> memref<8x1408xf32, #tpu.memory_space<hbm>>
        %dma_wait3A_1514 = tpu.memref_slice %arg4[%add3A_1510, %mul3A_1512] : memref<1024x100000xf32, #tpu.memory_space<hbm>> -> memref<8x1408xf32, #tpu.memory_space<hbm>>
        tpu.wait_dma2 semaphore(%arg15 : memref<!tpu.dma_semaphore, #tpu.memory_space<semaphore_mem>>) src(%arg8 : memref<8x1408xf32, #tpu.memory_space<vmem>>) dst(%dma_wait3A_1514 : memref<8x1408xf32, #tpu.memory_space<hbm>>)
      } else {
      }
      %parallel_loop3A_1334 = arith.constant 0 : i32
      %parallel_loop3A_1335 = arith.constant 1408 : i32
      %parallel_loop3A_1336 = arith.constant 16 : i32
      scf.for %parallel_loop3A_1466 = %parallel_loop3A_1334 to %parallel_loop3A_1335 step %parallel_loop3A_1336  : i32 {
        %parallel_loop3A_1467 = arith.constant 0 : i32
        %parallel_loop3A_1468 = arith.index_cast %parallel_loop3A_1467 : i32 to index
        %parallel_loop3A_1469 = arith.index_cast %parallel_loop3A_1466 : i32 to index
        %parallel_loop3A_1470 = tpu.vector_load %arg6[%parallel_loop3A_1468, %parallel_loop3A_1469] {strides = array<i32>} : memref<8x1408xf32, #tpu.memory_space<vmem>>, vector<16xf32>,
        %parallel_loop3A_1471 = arith.constant 6.400000e+01 : f32
        %parallel_loop3A_1472 = vector.broadcast %parallel_loop3A_1471 : f32 to vector<16xf32>
        %parallel_loop3A_1473 = arith.mulf %parallel_loop3A_1470, %parallel_loop3A_1472 : vector<16xf32>
        %parallel_loop3A_1474 = arith.constant 0 : i32
        %parallel_loop3A_1475 = arith.index_cast %parallel_loop3A_1474 : i32 to index
        %parallel_loop3A_1476 = arith.index_cast %parallel_loop3A_1466 : i32 to index
        %parallel_loop3A_1477 = tpu.vector_load %arg8[%parallel_loop3A_1475, %parallel_loop3A_1476] {strides = array<i32>} : memref<8x1408xf32, #tpu.memory_space<vmem>>, vector<16xf32>,
        tpu.vector_store %arg8[%parallel_loop3A_1475, %parallel_loop3A_1476], %parallel_loop3A_1473 {strides = array<i32>} : memref<8x1408xf32, #tpu.memory_space<vmem>>, vector<16xf32>,
        %parallel_loop3A_1478 = arith.constant 1 : i32
        %parallel_loop3A_1479 = arith.index_cast %parallel_loop3A_1478 : i32 to index
        %parallel_loop3A_1480 = arith.index_cast %parallel_loop3A_1466 : i32 to index
        %parallel_loop3A_1481 = tpu.vector_load %arg6[%parallel_loop3A_1479, %parallel_loop3A_1480] {strides = array<i32>} : memref<8x1408xf32, #tpu.memory_space<vmem>>, vector<16xf32>,
        %parallel_loop3A_1482 = arith.constant 6.400000e+01 : f32
        %parallel_loop3A_1483 = vector.broadcast %parallel_loop3A_1482 : f32 to vector<16xf32>
        %parallel_loop3A_1484 = arith.mulf %parallel_loop3A_1481, %parallel_loop3A_1483 : vector<16xf32>
        %parallel_loop3A_1485 = arith.constant 1 : i32
        %parallel_loop3A_1486 = arith.index_cast %parallel_loop3A_1485 : i32 to index
        %parallel_loop3A_1487 = arith.index_cast %parallel_loop3A_1466 : i32 to index
        %parallel_loop3A_1488 = tpu.vector_load %arg8[%parallel_loop3A_1486, %parallel_loop3A_1487] {strides = array<i32>} : memref<8x1408xf32, #tpu.memory_space<vmem>>, vector<16xf32>,
        tpu.vector_store %arg8[%parallel_loop3A_1486, %parallel_loop3A_1487], %parallel_loop3A_1484 {strides = array<i32>} : memref<8x1408xf32, #tpu.memory_space<vmem>>, vector<16xf32>,
        %parallel_loop3A_1489 = arith.constant 2 : i32
        %parallel_loop3A_1490 = arith.index_cast %parallel_loop3A_1489 : i32 to index
        %parallel_loop3A_1491 = arith.index_cast %parallel_loop3A_1466 : i32 to index
        %parallel_loop3A_1492 = tpu.vector_load %arg6[%parallel_loop3A_1490, %parallel_loop3A_1491] {strides = array<i32>} : memref<8x1408xf32, #tpu.memory_space<vmem>>, vector<16xf32>,
        %parallel_loop3A_1493 = arith.constant 6.400000e+01 : f32
        %parallel_loop3A_1494 = vector.broadcast %parallel_loop3A_1493 : f32 to vector<16xf32>
        %parallel_loop3A_1495 = arith.mulf %parallel_loop3A_1492, %parallel_loop3A_1494 : vector<16xf32>
        %parallel_loop3A_1496 = arith.constant 2 : i32
        %parallel_loop3A_1497 = arith.index_cast %parallel_loop3A_1496 : i32 to index
        %parallel_loop3A_1498 = arith.index_cast %parallel_loop3A_1466 : i32 to index
        %parallel_loop3A_1499 = tpu.vector_load %arg8[%parallel_loop3A_1497, %parallel_loop3A_1498] {strides = array<i32>} : memref<8x1408xf32, #tpu.memory_space<vmem>>, vector<16xf32>,
        tpu.vector_store %arg8[%parallel_loop3A_1497, %parallel_loop3A_1498], %parallel_loop3A_1495 {strides = array<i32>} : memref<8x1408xf32, #tpu.memory_space<vmem>>, vector<16xf32>,
        %parallel_loop3A_1500 = arith.constant 3 : i32
        %parallel_loop3A_1501 = arith.index_cast %parallel_loop3A_1500 : i32 to index
        %parallel_loop3A_1502 = arith.index_cast %parallel_loop3A_1466 : i32 to index
        %parallel_loop3A_1503 = tpu.vector_load %arg6[%parallel_loop3A_1501, %parallel_loop3A_1502] {strides = array<i32>} : memref<8x1408xf32, #tpu.memory_space<vmem>>, vector<16xf32>,
        %parallel_loop3A_1504 = arith.constant 6.400000e+01 : f32
        %parallel_loop3A_1505 = vector.broadcast %parallel_loop3A_1504 : f32 to vector<16xf32>
        %parallel_loop3A_1506 = arith.mulf %parallel_loop3A_1503, %parallel_loop3A_1505 : vector<16xf32>
        %parallel_loop3A_1507 = arith.constant 3 : i32
        %parallel_loop3A_1508 = arith.index_cast %parallel_loop3A_1507 : i32 to index
        %parallel_loop3A_1509 = arith.index_cast %parallel_loop3A_1466 : i32 to index
        %parallel_loop3A_1510 = tpu.vector_load %arg8[%parallel_loop3A_1508, %parallel_loop3A_1509] {strides = array<i32>} : memref<8x1408xf32, #tpu.memory_space<vmem>>, vector<16xf32>,
        tpu.vector_store %arg8[%parallel_loop3A_1508, %parallel_loop3A_1509], %parallel_loop3A_1506 {strides = array<i32>} : memref<8x1408xf32, #tpu.memory_space<vmem>>, vector<16xf32>,
        %parallel_loop3A_1511 = arith.constant 4 : i32
        %parallel_loop3A_1512 = arith.index_cast %parallel_loop3A_1511 : i32 to index
        %parallel_loop3A_1513 = arith.index_cast %parallel_loop3A_1466 : i32 to index
        %parallel_loop3A_1514 = tpu.vector_load %arg6[%parallel_loop3A_1512, %parallel_loop3A_1513] {strides = array<i32>} : memref<8x1408xf32, #tpu.memory_space<vmem>>, vector<16xf32>,
        %parallel_loop3A_1515 = arith.constant 6.400000e+01 : f32
        %parallel_loop3A_1516 = vector.broadcast %parallel_loop3A_1515 : f32 to vector<16xf32>
        %parallel_loop3A_1517 = arith.mulf %parallel_loop3A_1514, %parallel_loop3A_1516 : vector<16xf32>
        %parallel_loop3A_1518 = arith.constant 4 : i32
        %parallel_loop3A_1519 = arith.index_cast %parallel_loop3A_1518 : i32 to index
        %parallel_loop3A_1520 = arith.index_cast %parallel_loop3A_1466 : i32 to index
        %parallel_loop3A_1521 = tpu.vector_load %arg8[%parallel_loop3A_1519, %parallel_loop3A_1520] {strides = array<i32>} : memref<8x1408xf32, #tpu.memory_space<vmem>>, vector<16xf32>,
        tpu.vector_store %arg8[%parallel_loop3A_1519, %parallel_loop3A_1520], %parallel_loop3A_1517 {strides = array<i32>} : memref<8x1408xf32, #tpu.memory_space<vmem>>, vector<16xf32>,
        %parallel_loop3A_1522 = arith.constant 5 : i32
        %parallel_loop3A_1523 = arith.index_cast %parallel_loop3A_1522 : i32 to index
        %parallel_loop3A_1524 = arith.index_cast %parallel_loop3A_1466 : i32 to index
        %parallel_loop3A_1525 = tpu.vector_load %arg6[%parallel_loop3A_1523, %parallel_loop3A_1524] {strides = array<i32>} : memref<8x1408xf32, #tpu.memory_space<vmem>>, vector<16xf32>,
        %parallel_loop3A_1526 = arith.constant 6.400000e+01 : f32
        %parallel_loop3A_1527 = vector.broadcast %parallel_loop3A_1526 : f32 to vector<16xf32>
        %parallel_loop3A_1528 = arith.mulf %parallel_loop3A_1525, %parallel_loop3A_1527 : vector<16xf32>
        %parallel_loop3A_1529 = arith.constant 5 : i32
        %parallel_loop3A_1530 = arith.index_cast %parallel_loop3A_1529 : i32 to index
        %parallel_loop3A_1531 = arith.index_cast %parallel_loop3A_1466 : i32 to index
        %parallel_loop3A_1532 = tpu.vector_load %arg8[%parallel_loop3A_1530, %parallel_loop3A_1531] {strides = array<i32>} : memref<8x1408xf32, #tpu.memory_space<vmem>>, vector<16xf32>,
        tpu.vector_store %arg8[%parallel_loop3A_1530, %parallel_loop3A_1531], %parallel_loop3A_1528 {strides = array<i32>} : memref<8x1408xf32, #tpu.memory_space<vmem>>, vector<16xf32>,
        %parallel_loop3A_1533 = arith.constant 6 : i32
        %parallel_loop3A_1534 = arith.index_cast %parallel_loop3A_1533 : i32 to index
        %parallel_loop3A_1535 = arith.index_cast %parallel_loop3A_1466 : i32 to index
        %parallel_loop3A_1536 = tpu.vector_load %arg6[%parallel_loop3A_1534, %parallel_loop3A_1535] {strides = array<i32>} : memref<8x1408xf32, #tpu.memory_space<vmem>>, vector<16xf32>,
        %parallel_loop3A_1537 = arith.constant 6.400000e+01 : f32
        %parallel_loop3A_1538 = vector.broadcast %parallel_loop3A_1537 : f32 to vector<16xf32>
        %parallel_loop3A_1539 = arith.mulf %parallel_loop3A_1536, %parallel_loop3A_1538 : vector<16xf32>
        %parallel_loop3A_1540 = arith.constant 6 : i32
        %parallel_loop3A_1541 = arith.index_cast %parallel_loop3A_1540 : i32 to index
        %parallel_loop3A_1542 = arith.index_cast %parallel_loop3A_1466 : i32 to index
        %parallel_loop3A_1543 = tpu.vector_load %arg8[%parallel_loop3A_1541, %parallel_loop3A_1542] {strides = array<i32>} : memref<8x1408xf32, #tpu.memory_space<vmem>>, vector<16xf32>,
        tpu.vector_store %arg8[%parallel_loop3A_1541, %parallel_loop3A_1542], %parallel_loop3A_1539 {strides = array<i32>} : memref<8x1408xf32, #tpu.memory_space<vmem>>, vector<16xf32>,
        %parallel_loop3A_1544 = arith.constant 7 : i32
        %parallel_loop3A_1545 = arith.index_cast %parallel_loop3A_1544 : i32 to index
        %parallel_loop3A_1546 = arith.index_cast %parallel_loop3A_1466 : i32 to index
        %parallel_loop3A_1547 = tpu.vector_load %arg6[%parallel_loop3A_1545, %parallel_loop3A_1546] {strides = array<i32>} : memref<8x1408xf32, #tpu.memory_space<vmem>>, vector<16xf32>,
        %parallel_loop3A_1548 = arith.constant 6.400000e+01 : f32
        %parallel_loop3A_1549 = vector.broadcast %parallel_loop3A_1548 : f32 to vector<16xf32>
        %parallel_loop3A_1550 = arith.mulf %parallel_loop3A_1547, %parallel_loop3A_1549 : vector<16xf32>
        %parallel_loop3A_1551 = arith.constant 7 : i32
        %parallel_loop3A_1552 = arith.index_cast %parallel_loop3A_1551 : i32 to index
        %parallel_loop3A_1553 = arith.index_cast %parallel_loop3A_1466 : i32 to index
        %parallel_loop3A_1554 = tpu.vector_load %arg8[%parallel_loop3A_1552, %parallel_loop3A_1553] {strides = array<i32>} : memref<8x1408xf32, #tpu.memory_space<vmem>>, vector<16xf32>,
        tpu.vector_store %arg8[%parallel_loop3A_1552, %parallel_loop3A_1553], %parallel_loop3A_1550 {strides = array<i32>} : memref<8x1408xf32, #tpu.memory_space<vmem>>, vector<16xf32>,
      } {sc.loop_unroll_factor = 4 : i64, sc.parallel_access}
      %mul3A_1337 = arith.constant 1408 : i32
      %mul3A_1338 = arith.muli %select_n3A_1281, %mul3A_1337 : i32
      %iota3A_1339 = tpu.iota {dimensions = array<i32: 0>} : vector<16xi32>
      %min3A_1340 = arith.constant 7 : i32
      %min3A_1341 = vector.broadcast %min3A_1340 : i32 to vector<16xi32>
      %min3A_1342 = arith.minsi %iota3A_1339, %min3A_1341 : vector<16xi32>
      %mul3A_1343 = arith.constant 8 : i32
      %mul3A_1344 = arith.muli %select_n3A_1265, %mul3A_1343 : i32
      %add3A_1345 = vector.broadcast %mul3A_1344 : i32 to vector<16xi32>
      %add3A_1346 = arith.addi %add3A_1345, %min3A_1342 : vector<16xi32>
      %gather3A_1347 = tpu.vector_load_idx %arg11[%add3A_1346] : memref<32xi32, #tpu.memory_space<vmem>>[vector<16xi32>], vector<16xi32>,
      %sub3A_1348 = vector.broadcast %mul3A_1338 : i32 to vector<16xi32>
      %sub3A_1349 = arith.subi %gather3A_1347, %sub3A_1348 : vector<16xi32>
      %ge3A_1350 = arith.constant 0 : i32
      %ge3A_1351 = vector.broadcast %ge3A_1350 : i32 to vector<16xi32>
      %ge3A_1352 = arith.cmpi sge, %sub3A_1349, %ge3A_1351 : vector<16xi32>
      %lt3A_1353 = arith.constant 1408 : i32
      %lt3A_1354 = vector.broadcast %lt3A_1353 : i32 to vector<16xi32>
      %lt3A_1355 = arith.cmpi slt, %sub3A_1349, %lt3A_1354 : vector<16xi32>
      %and3A_1356 = arith.andi %ge3A_1352, %lt3A_1355 : vector<16xi1>
      %lt3A_1357 = arith.constant 8 : i32
      %lt3A_1358 = vector.broadcast %lt3A_1357 : i32 to vector<16xi32>
      %lt3A_1359 = arith.cmpi slt, %iota3A_1339, %lt3A_1358 : vector<16xi32>
      %and3A_1360 = arith.andi %and3A_1356, %lt3A_1359 : vector<16xi1>
      %jit3A_1361 = arith.constant 0 : i32
      %broadcast_in_dim3A_1362 = vector.broadcast %jit3A_1361 : i32 to vector<16xi32>
      %select_n3A_1363 = arith.select %and3A_1360, %sub3A_1349, %broadcast_in_dim3A_1362 : vector<16xi1>, vector<16xi32>
      %gather3A_1364 = tpu.vector_load_idx %arg6[%min3A_1342, %select_n3A_1363] : memref<8x1408xf32, #tpu.memory_space<vmem>>[vector<16xi32>, vector<16xi32>], vector<16xf32>,
      %mul3A_1365 = arith.mulf %gather3A_1364, %gather3A_1364 : vector<16xf32>
      %sub3A_1366 = arith.constant 1.000000e+00 : f32
      %sub3A_1367 = vector.broadcast %sub3A_1366 : f32 to vector<16xf32>
      %sub3A_1368 = arith.subf %sub3A_1367, %mul3A_1365 : vector<16xf32>
      %max3A_1369 = arith.constant 9.99999968E-21 : f32
      %max3A_1370 = vector.broadcast %max3A_1369 : f32 to vector<16xf32>
      %max3A_1371 = arith.maximumf %sub3A_1368, %max3A_1370 : vector<16xf32>
      %bitcast3A_1372 = vector.bitcast %max3A_1371 : vector<16xf32> to vector<16xi32>
      %shift_right_arithmetic3A_1373 = arith.constant 1 : i32
      %shift_right_arithmetic3A_1374 = vector.broadcast %shift_right_arithmetic3A_1373 : i32 to vector<16xi32>
      %shift_right_arithmetic3A_1375 = arith.shrsi %bitcast3A_1372, %shift_right_arithmetic3A_1374 : vector<16xi32>
      %add3A_1376 = arith.constant 532487669 : i32
      %add3A_1377 = vector.broadcast %add3A_1376 : i32 to vector<16xi32>
      %add3A_1378 = arith.addi %add3A_1377, %shift_right_arithmetic3A_1375 : vector<16xi32>
      %bitcast3A_1379 = vector.bitcast %add3A_1378 : vector<16xi32> to vector<16xf32>
      %div3A_1380 = arith.divf %max3A_1371, %bitcast3A_1379 : vector<16xf32>
      %add3A_1381 = arith.addf %bitcast3A_1379, %div3A_1380 : vector<16xf32>
      %mul3A_1382 = arith.constant 5.000000e-01 : f32
      %mul3A_1383 = vector.broadcast %mul3A_1382 : f32 to vector<16xf32>
      %mul3A_1384 = arith.mulf %mul3A_1383, %add3A_1381 : vector<16xf32>
      %div3A_1385 = arith.divf %max3A_1371, %mul3A_1384 : vector<16xf32>
      %add3A_1386 = arith.addf %mul3A_1384, %div3A_1385 : vector<16xf32>
      %mul3A_1387 = arith.constant 5.000000e-01 : f32
      %mul3A_1388 = vector.broadcast %mul3A_1387 : f32 to vector<16xf32>
      %mul3A_1389 = arith.mulf %mul3A_1388, %add3A_1386 : vector<16xf32>
      %div3A_1390 = arith.divf %max3A_1371, %mul3A_1389 : vector<16xf32>
      %add3A_1391 = arith.addf %mul3A_1389, %div3A_1390 : vector<16xf32>
      %mul3A_1392 = arith.constant 5.000000e-01 : f32
      %mul3A_1393 = vector.broadcast %mul3A_1392 : f32 to vector<16xf32>
      %mul3A_1394 = arith.mulf %mul3A_1393, %add3A_1391 : vector<16xf32>
      %mul3A_1395 = arith.constant 0.87758255 : f32
      %mul3A_1396 = vector.broadcast %mul3A_1395 : f32 to vector<16xf32>
      %mul3A_1397 = arith.mulf %gather3A_1364, %mul3A_1396 : vector<16xf32>
      %mul3A_1398 = arith.constant 0.47942555 : f32
      %mul3A_1399 = vector.broadcast %mul3A_1398 : f32 to vector<16xf32>
      %mul3A_1400 = arith.mulf %mul3A_1394, %mul3A_1399 : vector<16xf32>
      %sub3A_1401 = arith.subf %mul3A_1397, %mul3A_1400 : vector<16xf32>
      %gt3A_1402 = arith.constant -0.87758255 : f32
      %gt3A_1403 = vector.broadcast %gt3A_1402 : f32 to vector<16xf32>
      %gt3A_1404 = arith.cmpf ogt, %gather3A_1364, %gt3A_1403 : vector<16xf32>
      %sub3A_1405 = arith.constant 0.239712775 : f32
      %sub3A_1406 = vector.broadcast %sub3A_1405 : f32 to vector<16xf32>
      %sub3A_1407 = arith.subf %gather3A_1364, %sub3A_1406 : vector<16xf32>
      %select_n3A_1408 = arith.select %gt3A_1404, %sub3A_1401, %sub3A_1407 : vector<16xi1>, vector<16xf32>
      %mul3A_1409 = arith.constant 6.400000e+01 : f32
      %mul3A_1410 = vector.broadcast %mul3A_1409 : f32 to vector<16xf32>
      %mul3A_1411 = arith.mulf %select_n3A_1408, %mul3A_1410 : vector<16xf32>
      tpu.vector_store_idx %arg8[%min3A_1342, %select_n3A_1363], %mul3A_1411 masked %and3A_1360 : memref<8x1408xf32, #tpu.memory_space<vmem>>[vector<16xi32>, vector<16xi32>], vector<16xf32>, vector<16xi1>
      %jit3A_1412 = arith.constant 71 : i32
      %div3A_1413 = arith.divsi %add3A_1241, %jit3A_1412 : i32
      %sign3A_1414 = arith.constant 0 : i32
      %sign3A_1415 = arith.cmpi sgt, %add3A_1241, %sign3A_1414 : i32
      %sign3A_1416 = arith.extui %sign3A_1415 : i1 to i32
      %sign3A_1417 = arith.constant 0 : i32
      %sign3A_1418 = arith.cmpi slt, %add3A_1241, %sign3A_1417 : i32
      %sign3A_1419 = arith.extui %sign3A_1418 : i1 to i32
      %sign3A_1420 = arith.subi %sign3A_1416, %sign3A_1419 : i32
      %sign3A_1421 = arith.constant 0 : i32
      %sign3A_1422 = arith.cmpi sgt, %jit3A_1412, %sign3A_1421 : i32
      %sign3A_1423 = arith.extui %sign3A_1422 : i1 to i32
      %sign3A_1424 = arith.constant 0 : i32
      %sign3A_1425 = arith.cmpi slt, %jit3A_1412, %sign3A_1424 : i32
      %sign3A_1426 = arith.extui %sign3A_1425 : i1 to i32
      %sign3A_1427 = arith.subi %sign3A_1423, %sign3A_1426 : i32
      %ne3A_1428 = arith.cmpi ne, %sign3A_1420, %sign3A_1427 : i32
      %rem3A_1429 = arith.remsi %add3A_1241, %jit3A_1412 : i32
      %ne3A_1430 = arith.constant 0 : i32
      %ne3A_1431 = arith.cmpi ne, %rem3A_1429, %ne3A_1430 : i32
      %and3A_1432 = arith.andi %ne3A_1428, %ne3A_1431 : i1
      %sub3A_1433 = arith.constant 1 : i32
      %sub3A_1434 = arith.subi %div3A_1413, %sub3A_1433 : i32
      %select_n3A_1435 = arith.select %and3A_1432, %sub3A_1434, %div3A_1413 : i32
      %jit3A_1436 = arith.constant 71 : i32
      %eq3A_1437 = arith.constant 0 : i32
      %eq3A_1438 = arith.cmpi eq, %jit3A_1436, %eq3A_1437 : i32
      %jit3A_1439 = arith.constant 1 : i32
      %select_n3A_1440 = arith.select %eq3A_1438, %jit3A_1439, %jit3A_1436 : i32
      %rem3A_1441 = arith.remsi %add3A_1241, %select_n3A_1440 : i32
      %ne3A_1442 = arith.constant 0 : i32
      %ne3A_1443 = arith.cmpi ne, %rem3A_1441, %ne3A_1442 : i32
      %lt3A_1444 = arith.constant 0 : i32
      %lt3A_1445 = arith.cmpi slt, %rem3A_1441, %lt3A_1444 : i32
      %lt3A_1446 = arith.constant 0 : i32
      %lt3A_1447 = arith.cmpi slt, %select_n3A_1440, %lt3A_1446 : i32
      %ne3A_1448 = arith.xori %lt3A_1445, %lt3A_1447 : i1
      %and3A_1449 = arith.andi %ne3A_1448, %ne3A_1443 : i1
      %add3A_1450 = arith.addi %rem3A_1441, %select_n3A_1440 : i32
      %select_n3A_1451 = arith.select %and3A_1449, %add3A_1450, %rem3A_1441 : i32
      %mul3A_1452 = arith.constant 8 : i32
      %mul3A_1453 = arith.muli %select_n3A_1435, %mul3A_1452 : i32
      %add3A_1454 = arith.addi %mul3A_2, %mul3A_1453 : i32
      %mul3A_1455 = arith.constant 1408 : i32
      %mul3A_1456 = arith.muli %select_n3A_1451, %mul3A_1455 : i32
      %dma_start3A_1457 = tpu.memref_slice %arg4[%add3A_1454, %mul3A_1456] : memref<1024x100000xf32, #tpu.memory_space<hbm>> -> memref<8x1408xf32, #tpu.memory_space<hbm>>
      %dma_start3A_1458 = tpu.memref_slice %arg4[%add3A_1454, %mul3A_1456] : memref<1024x100000xf32, #tpu.memory_space<hbm>> -> memref<8x1408xf32, #tpu.memory_space<hbm>>
      tpu.enqueue_dma source(%arg8 : memref<8x1408xf32, #tpu.memory_space<vmem>>) target(%dma_start3A_1458 : memref<8x1408xf32, #tpu.memory_space<hbm>>) target_semaphore(%arg15 : memref<!tpu.dma_semaphore, #tpu.memory_space<semaphore_mem>>)
      %add3A_1459 = arith.constant 2 : i32
      %add3A_1460 = arith.addi %add3A_1241, %add3A_1459 : i32
      %lt3A_1461 = arith.constant 284 : i32
      %lt3A_1462 = arith.cmpi slt, %add3A_1460, %lt3A_1461 : i32
      %convert_element_type3A_1463 = arith.extui %lt3A_1462 : i1 to i32
      %cond3A_1464 = arith.constant 0 : i32
      %cond3A_1465 = arith.cmpi ne, %convert_element_type3A_1463, %cond3A_1464 : i32
      scf.if %cond3A_1465 {
        %add3A_1466 = arith.constant 2 : i32
        %add3A_1467 = arith.addi %add3A_1241, %add3A_1466 : i32
        %jit3A_1468 = arith.constant 71 : i32
        %div3A_1469 = arith.divsi %add3A_1467, %jit3A_1468 : i32
        %sign3A_1470 = arith.constant 0 : i32
        %sign3A_1471 = arith.cmpi sgt, %add3A_1467, %sign3A_1470 : i32
        %sign3A_1472 = arith.extui %sign3A_1471 : i1 to i32
        %sign3A_1473 = arith.constant 0 : i32
        %sign3A_1474 = arith.cmpi slt, %add3A_1467, %sign3A_1473 : i32
        %sign3A_1475 = arith.extui %sign3A_1474 : i1 to i32
        %sign3A_1476 = arith.subi %sign3A_1472, %sign3A_1475 : i32
        %sign3A_1477 = arith.constant 0 : i32
        %sign3A_1478 = arith.cmpi sgt, %jit3A_1468, %sign3A_1477 : i32
        %sign3A_1479 = arith.extui %sign3A_1478 : i1 to i32
        %sign3A_1480 = arith.constant 0 : i32
        %sign3A_1481 = arith.cmpi slt, %jit3A_1468, %sign3A_1480 : i32
        %sign3A_1482 = arith.extui %sign3A_1481 : i1 to i32
        %sign3A_1483 = arith.subi %sign3A_1479, %sign3A_1482 : i32
        %ne3A_1484 = arith.cmpi ne, %sign3A_1476, %sign3A_1483 : i32
        %rem3A_1485 = arith.remsi %add3A_1467, %jit3A_1468 : i32
        %ne3A_1486 = arith.constant 0 : i32
        %ne3A_1487 = arith.cmpi ne, %rem3A_1485, %ne3A_1486 : i32
        %and3A_1488 = arith.andi %ne3A_1484, %ne3A_1487 : i1
        %sub3A_1489 = arith.constant 1 : i32
        %sub3A_1490 = arith.subi %div3A_1469, %sub3A_1489 : i32
        %select_n3A_1491 = arith.select %and3A_1488, %sub3A_1490, %div3A_1469 : i32
        %jit3A_1492 = arith.constant 71 : i32
        %eq3A_1493 = arith.constant 0 : i32
        %eq3A_1494 = arith.cmpi eq, %jit3A_1492, %eq3A_1493 : i32
        %jit3A_1495 = arith.constant 1 : i32
        %select_n3A_1496 = arith.select %eq3A_1494, %jit3A_1495, %jit3A_1492 : i32
        %rem3A_1497 = arith.remsi %add3A_1467, %select_n3A_1496 : i32
        %ne3A_1498 = arith.constant 0 : i32
        %ne3A_1499 = arith.cmpi ne, %rem3A_1497, %ne3A_1498 : i32
        %lt3A_1500 = arith.constant 0 : i32
        %lt3A_1501 = arith.cmpi slt, %rem3A_1497, %lt3A_1500 : i32
        %lt3A_1502 = arith.constant 0 : i32
        %lt3A_1503 = arith.cmpi slt, %select_n3A_1496, %lt3A_1502 : i32
        %ne3A_1504 = arith.xori %lt3A_1501, %lt3A_1503 : i1
        %and3A_1505 = arith.andi %ne3A_1504, %ne3A_1499 : i1
        %add3A_1506 = arith.addi %rem3A_1497, %select_n3A_1496 : i32
        %select_n3A_1507 = arith.select %and3A_1505, %add3A_1506, %rem3A_1497 : i32
        %mul3A_1508 = arith.constant 8 : i32
        %mul3A_1509 = arith.muli %select_n3A_1491, %mul3A_1508 : i32
        %add3A_1510 = arith.addi %mul3A_2, %mul3A_1509 : i32
        %mul3A_1511 = arith.constant 1408 : i32
        %mul3A_1512 = arith.muli %select_n3A_1507, %mul3A_1511 : i32
        %dma_start3A_1513 = tpu.memref_slice %arg2[%add3A_1510, %mul3A_1512] : memref<1024x100000xf32, #tpu.memory_space<hbm>> -> memref<8x1408xf32, #tpu.memory_space<hbm>>
        %dma_start3A_1514 = tpu.memref_slice %arg2[%add3A_1510, %mul3A_1512] : memref<1024x100000xf32, #tpu.memory_space<hbm>> -> memref<8x1408xf32, #tpu.memory_space<hbm>>
        tpu.enqueue_dma source(%dma_start3A_1514 : memref<8x1408xf32, #tpu.memory_space<hbm>>) target(%arg6 : memref<8x1408xf32, #tpu.memory_space<vmem>>) target_semaphore(%arg13 : memref<!tpu.dma_semaphore, #tpu.memory_space<semaphore_mem>>)
      } else {
      }
    }
    %scan3A_17 = arith.constant 142 : i32
    %add3A_18 = arith.constant 24 : i32
    %add3A_19 = arith.addi %mul3A_2, %add3A_18 : i32
    %dma_wait3A = arith.constant 97152 : i32
    %dma_wait3A_20 = tpu.memref_slice %arg4[%add3A_19, %dma_wait3A] : memref<1024x100000xf32, #tpu.memory_space<hbm>> -> memref<8x1408xf32, #tpu.memory_space<hbm>>
    %dma_wait3A_21 = arith.constant 97152 : i32
    %dma_wait3A_22 = tpu.memref_slice %arg4[%add3A_19, %dma_wait3A_21] : memref<1024x100000xf32, #tpu.memory_space<hbm>> -> memref<8x1408xf32, #tpu.memory_space<hbm>>
    tpu.wait_dma2 semaphore(%arg14 : memref<!tpu.dma_semaphore, #tpu.memory_space<semaphore_mem>>) src(%arg7 : memref<8x1408xf32, #tpu.memory_space<vmem>>) dst(%dma_wait3A_22 : memref<8x1408xf32, #tpu.memory_space<hbm>>)
    %add3A_23 = arith.constant 24 : i32
    %add3A_24 = arith.addi %mul3A_2, %add3A_23 : i32
    %dma_wait3A_25 = arith.constant 98560 : i32
    %dma_wait3A_26 = tpu.memref_slice %arg4[%add3A_24, %dma_wait3A_25] : memref<1024x100000xf32, #tpu.memory_space<hbm>> -> memref<8x1408xf32, #tpu.memory_space<hbm>>
    %dma_wait3A_27 = arith.constant 98560 : i32
    %dma_wait3A_28 = tpu.memref_slice %arg4[%add3A_24, %dma_wait3A_27] : memref<1024x100000xf32, #tpu.memory_space<hbm>> -> memref<8x1408xf32, #tpu.memory_space<hbm>>
    tpu.wait_dma2 semaphore(%arg15 : memref<!tpu.dma_semaphore, #tpu.memory_space<semaphore_mem>>) src(%arg8 : memref<8x1408xf32, #tpu.memory_space<vmem>>) dst(%dma_wait3A_28 : memref<8x1408xf32, #tpu.memory_space<hbm>>)
    %add3A_29 = arith.constant 0 : i32
    %add3A_30 = arith.addi %mul3A_2, %add3A_29 : i32
    "tpu.region"() ({
      %run_scoped3A = tpu.sem_alloc : memref<!tpu.dma_semaphore, #tpu.memory_space<semaphore_mem>>
      %dma_start3A_1016 = arith.constant 99968 : i32
      %dma_start3A_1017 = tpu.memref_slice %arg2[%add3A_30, %dma_start3A_1016] : memref<1024x100000xf32, #tpu.memory_space<hbm>> -> memref<8x32xf32, #tpu.memory_space<hbm>>
      %dma_start3A_1018 = arith.constant 99968 : i32
      %dma_start3A_1019 = tpu.memref_slice %arg2[%add3A_30, %dma_start3A_1018] : memref<1024x100000xf32, #tpu.memory_space<hbm>> -> memref<8x32xf32, #tpu.memory_space<hbm>>
      tpu.enqueue_dma source(%dma_start3A_1019 : memref<8x32xf32, #tpu.memory_space<hbm>>) target(%arg9 : memref<8x32xf32, #tpu.memory_space<vmem>>) target_semaphore(%run_scoped3A : memref<!tpu.dma_semaphore, #tpu.memory_space<semaphore_mem>>)
      %dma_wait3A_1020 = arith.constant 99968 : i32
      %dma_wait3A_1021 = tpu.memref_slice %arg2[%add3A_30, %dma_wait3A_1020] : memref<1024x100000xf32, #tpu.memory_space<hbm>> -> memref<8x32xf32, #tpu.memory_space<hbm>>
      %dma_wait3A_1022 = arith.constant 99968 : i32
      %dma_wait3A_1023 = tpu.memref_slice %arg2[%add3A_30, %dma_wait3A_1022] : memref<1024x100000xf32, #tpu.memory_space<hbm>> -> memref<8x32xf32, #tpu.memory_space<hbm>>
      tpu.wait_dma2 semaphore(%run_scoped3A : memref<!tpu.dma_semaphore, #tpu.memory_space<semaphore_mem>>) src(%dma_wait3A_1023 : memref<8x32xf32, #tpu.memory_space<hbm>>) dst(%arg9 : memref<8x32xf32, #tpu.memory_space<vmem>>)
      tpu.yield
    }) : () -> ()
    %get3A = arith.constant 0 : i32
    %get3A_31 = arith.index_cast %get3A : i32 to index
    %get3A_32 = arith.constant 0 : index
    %get3A_33 = tpu.vector_load %arg9[%get3A_31, %get3A_32] {strides = array<i32>} : memref<8x32xf32, #tpu.memory_space<vmem>>, vector<16xf32>,
    %mul3A_34 = arith.constant 6.400000e+01 : f32
    %mul3A_35 = vector.broadcast %mul3A_34 : f32 to vector<16xf32>
    %mul3A_36 = arith.mulf %get3A_33, %mul3A_35 : vector<16xf32>
    %swap3A = arith.constant 0 : i32
    %swap3A_37 = arith.index_cast %swap3A : i32 to index
    %swap3A_38 = arith.constant 0 : index
    %swap3A_39 = tpu.vector_load %arg10[%swap3A_37, %swap3A_38] {strides = array<i32>} : memref<8x32xf32, #tpu.memory_space<vmem>>, vector<16xf32>,
    tpu.vector_store %arg10[%swap3A_37, %swap3A_38], %mul3A_36 {strides = array<i32>} : memref<8x32xf32, #tpu.memory_space<vmem>>, vector<16xf32>,
    %get3A_40 = arith.constant 0 : i32
    %get3A_41 = arith.index_cast %get3A_40 : i32 to index
    %get3A_42 = arith.constant 16 : index
    %get3A_43 = tpu.vector_load %arg9[%get3A_41, %get3A_42] {strides = array<i32>} : memref<8x32xf32, #tpu.memory_space<vmem>>, vector<16xf32>,
    %mul3A_44 = arith.constant 6.400000e+01 : f32
    %mul3A_45 = vector.broadcast %mul3A_44 : f32 to vector<16xf32>
    %mul3A_46 = arith.mulf %get3A_43, %mul3A_45 : vector<16xf32>
    %swap3A_47 = arith.constant 0 : i32
    %swap3A_48 = arith.index_cast %swap3A_47 : i32 to index
    %swap3A_49 = arith.constant 16 : index
    %swap3A_50 = tpu.vector_load %arg10[%swap3A_48, %swap3A_49] {strides = array<i32>} : memref<8x32xf32, #tpu.memory_space<vmem>>, vector<16xf32>,
    tpu.vector_store %arg10[%swap3A_48, %swap3A_49], %mul3A_46 {strides = array<i32>} : memref<8x32xf32, #tpu.memory_space<vmem>>, vector<16xf32>,
    %get3A_51 = arith.constant 1 : i32
    %get3A_52 = arith.index_cast %get3A_51 : i32 to index
    %get3A_53 = arith.constant 0 : index
    %get3A_54 = tpu.vector_load %arg9[%get3A_52, %get3A_53] {strides = array<i32>} : memref<8x32xf32, #tpu.memory_space<vmem>>, vector<16xf32>,
    %mul3A_55 = arith.constant 6.400000e+01 : f32
    %mul3A_56 = vector.broadcast %mul3A_55 : f32 to vector<16xf32>
    %mul3A_57 = arith.mulf %get3A_54, %mul3A_56 : vector<16xf32>
    %swap3A_58 = arith.constant 1 : i32
    %swap3A_59 = arith.index_cast %swap3A_58 : i32 to index
    %swap3A_60 = arith.constant 0 : index
    %swap3A_61 = tpu.vector_load %arg10[%swap3A_59, %swap3A_60] {strides = array<i32>} : memref<8x32xf32, #tpu.memory_space<vmem>>, vector<16xf32>,
    tpu.vector_store %arg10[%swap3A_59, %swap3A_60], %mul3A_57 {strides = array<i32>} : memref<8x32xf32, #tpu.memory_space<vmem>>, vector<16xf32>,
    %get3A_62 = arith.constant 1 : i32
    %get3A_63 = arith.index_cast %get3A_62 : i32 to index
    %get3A_64 = arith.constant 16 : index
    %get3A_65 = tpu.vector_load %arg9[%get3A_63, %get3A_64] {strides = array<i32>} : memref<8x32xf32, #tpu.memory_space<vmem>>, vector<16xf32>,
    %mul3A_66 = arith.constant 6.400000e+01 : f32
    %mul3A_67 = vector.broadcast %mul3A_66 : f32 to vector<16xf32>
    %mul3A_68 = arith.mulf %get3A_65, %mul3A_67 : vector<16xf32>
    %swap3A_69 = arith.constant 1 : i32
    %swap3A_70 = arith.index_cast %swap3A_69 : i32 to index
    %swap3A_71 = arith.constant 16 : index
    %swap3A_72 = tpu.vector_load %arg10[%swap3A_70, %swap3A_71] {strides = array<i32>} : memref<8x32xf32, #tpu.memory_space<vmem>>, vector<16xf32>,
    tpu.vector_store %arg10[%swap3A_70, %swap3A_71], %mul3A_68 {strides = array<i32>} : memref<8x32xf32, #tpu.memory_space<vmem>>, vector<16xf32>,
    %get3A_73 = arith.constant 2 : i32
    %get3A_74 = arith.index_cast %get3A_73 : i32 to index
    %get3A_75 = arith.constant 0 : index
    %get3A_76 = tpu.vector_load %arg9[%get3A_74, %get3A_75] {strides = array<i32>} : memref<8x32xf32, #tpu.memory_space<vmem>>, vector<16xf32>,
    %mul3A_77 = arith.constant 6.400000e+01 : f32
    %mul3A_78 = vector.broadcast %mul3A_77 : f32 to vector<16xf32>
    %mul3A_79 = arith.mulf %get3A_76, %mul3A_78 : vector<16xf32>
    %swap3A_80 = arith.constant 2 : i32
    %swap3A_81 = arith.index_cast %swap3A_80 : i32 to index
    %swap3A_82 = arith.constant 0 : index
    %swap3A_83 = tpu.vector_load %arg10[%swap3A_81, %swap3A_82] {strides = array<i32>} : memref<8x32xf32, #tpu.memory_space<vmem>>, vector<16xf32>,
    tpu.vector_store %arg10[%swap3A_81, %swap3A_82], %mul3A_79 {strides = array<i32>} : memref<8x32xf32, #tpu.memory_space<vmem>>, vector<16xf32>,
    %get3A_84 = arith.constant 2 : i32
    %get3A_85 = arith.index_cast %get3A_84 : i32 to index
    %get3A_86 = arith.constant 16 : index
    %get3A_87 = tpu.vector_load %arg9[%get3A_85, %get3A_86] {strides = array<i32>} : memref<8x32xf32, #tpu.memory_space<vmem>>, vector<16xf32>,
    %mul3A_88 = arith.constant 6.400000e+01 : f32
    %mul3A_89 = vector.broadcast %mul3A_88 : f32 to vector<16xf32>
    %mul3A_90 = arith.mulf %get3A_87, %mul3A_89 : vector<16xf32>
    %swap3A_91 = arith.constant 2 : i32
    %swap3A_92 = arith.index_cast %swap3A_91 : i32 to index
    %swap3A_93 = arith.constant 16 : index
    %swap3A_94 = tpu.vector_load %arg10[%swap3A_92, %swap3A_93] {strides = array<i32>} : memref<8x32xf32, #tpu.memory_space<vmem>>, vector<16xf32>,
    tpu.vector_store %arg10[%swap3A_92, %swap3A_93], %mul3A_90 {strides = array<i32>} : memref<8x32xf32, #tpu.memory_space<vmem>>, vector<16xf32>,
    %get3A_95 = arith.constant 3 : i32
    %get3A_96 = arith.index_cast %get3A_95 : i32 to index
    %get3A_97 = arith.constant 0 : index
    %get3A_98 = tpu.vector_load %arg9[%get3A_96, %get3A_97] {strides = array<i32>} : memref<8x32xf32, #tpu.memory_space<vmem>>, vector<16xf32>,
    %mul3A_99 = arith.constant 6.400000e+01 : f32
    %mul3A_100 = vector.broadcast %mul3A_99 : f32 to vector<16xf32>
    %mul3A_101 = arith.mulf %get3A_98, %mul3A_100 : vector<16xf32>
    %swap3A_102 = arith.constant 3 : i32
    %swap3A_103 = arith.index_cast %swap3A_102 : i32 to index
    %swap3A_104 = arith.constant 0 : index
    %swap3A_105 = tpu.vector_load %arg10[%swap3A_103, %swap3A_104] {strides = array<i32>} : memref<8x32xf32, #tpu.memory_space<vmem>>, vector<16xf32>,
    tpu.vector_store %arg10[%swap3A_103, %swap3A_104], %mul3A_101 {strides = array<i32>} : memref<8x32xf32, #tpu.memory_space<vmem>>, vector<16xf32>,
    %get3A_106 = arith.constant 3 : i32
    %get3A_107 = arith.index_cast %get3A_106 : i32 to index
    %get3A_108 = arith.constant 16 : index
    %get3A_109 = tpu.vector_load %arg9[%get3A_107, %get3A_108] {strides = array<i32>} : memref<8x32xf32, #tpu.memory_space<vmem>>, vector<16xf32>,
    %mul3A_110 = arith.constant 6.400000e+01 : f32
    %mul3A_111 = vector.broadcast %mul3A_110 : f32 to vector<16xf32>
    %mul3A_112 = arith.mulf %get3A_109, %mul3A_111 : vector<16xf32>
    %swap3A_113 = arith.constant 3 : i32
    %swap3A_114 = arith.index_cast %swap3A_113 : i32 to index
    %swap3A_115 = arith.constant 16 : index
    %swap3A_116 = tpu.vector_load %arg10[%swap3A_114, %swap3A_115] {strides = array<i32>} : memref<8x32xf32, #tpu.memory_space<vmem>>, vector<16xf32>,
    tpu.vector_store %arg10[%swap3A_114, %swap3A_115], %mul3A_112 {strides = array<i32>} : memref<8x32xf32, #tpu.memory_space<vmem>>, vector<16xf32>,
    %get3A_117 = arith.constant 4 : i32
    %get3A_118 = arith.index_cast %get3A_117 : i32 to index
    %get3A_119 = arith.constant 0 : index
    %get3A_120 = tpu.vector_load %arg9[%get3A_118, %get3A_119] {strides = array<i32>} : memref<8x32xf32, #tpu.memory_space<vmem>>, vector<16xf32>,
    %mul3A_121 = arith.constant 6.400000e+01 : f32
    %mul3A_122 = vector.broadcast %mul3A_121 : f32 to vector<16xf32>
    %mul3A_123 = arith.mulf %get3A_120, %mul3A_122 : vector<16xf32>
    %swap3A_124 = arith.constant 4 : i32
    %swap3A_125 = arith.index_cast %swap3A_124 : i32 to index
    %swap3A_126 = arith.constant 0 : index
    %swap3A_127 = tpu.vector_load %arg10[%swap3A_125, %swap3A_126] {strides = array<i32>} : memref<8x32xf32, #tpu.memory_space<vmem>>, vector<16xf32>,
    tpu.vector_store %arg10[%swap3A_125, %swap3A_126], %mul3A_123 {strides = array<i32>} : memref<8x32xf32, #tpu.memory_space<vmem>>, vector<16xf32>,
    %get3A_128 = arith.constant 4 : i32
    %get3A_129 = arith.index_cast %get3A_128 : i32 to index
    %get3A_130 = arith.constant 16 : index
    %get3A_131 = tpu.vector_load %arg9[%get3A_129, %get3A_130] {strides = array<i32>} : memref<8x32xf32, #tpu.memory_space<vmem>>, vector<16xf32>,
    %mul3A_132 = arith.constant 6.400000e+01 : f32
    %mul3A_133 = vector.broadcast %mul3A_132 : f32 to vector<16xf32>
    %mul3A_134 = arith.mulf %get3A_131, %mul3A_133 : vector<16xf32>
    %swap3A_135 = arith.constant 4 : i32
    %swap3A_136 = arith.index_cast %swap3A_135 : i32 to index
    %swap3A_137 = arith.constant 16 : index
    %swap3A_138 = tpu.vector_load %arg10[%swap3A_136, %swap3A_137] {strides = array<i32>} : memref<8x32xf32, #tpu.memory_space<vmem>>, vector<16xf32>,
    tpu.vector_store %arg10[%swap3A_136, %swap3A_137], %mul3A_134 {strides = array<i32>} : memref<8x32xf32, #tpu.memory_space<vmem>>, vector<16xf32>,
    %get3A_139 = arith.constant 5 : i32
    %get3A_140 = arith.index_cast %get3A_139 : i32 to index
    %get3A_141 = arith.constant 0 : index
    %get3A_142 = tpu.vector_load %arg9[%get3A_140, %get3A_141] {strides = array<i32>} : memref<8x32xf32, #tpu.memory_space<vmem>>, vector<16xf32>,
    %mul3A_143 = arith.constant 6.400000e+01 : f32
    %mul3A_144 = vector.broadcast %mul3A_143 : f32 to vector<16xf32>
    %mul3A_145 = arith.mulf %get3A_142, %mul3A_144 : vector<16xf32>
    %swap3A_146 = arith.constant 5 : i32
    %swap3A_147 = arith.index_cast %swap3A_146 : i32 to index
    %swap3A_148 = arith.constant 0 : index
    %swap3A_149 = tpu.vector_load %arg10[%swap3A_147, %swap3A_148] {strides = array<i32>} : memref<8x32xf32, #tpu.memory_space<vmem>>, vector<16xf32>,
    tpu.vector_store %arg10[%swap3A_147, %swap3A_148], %mul3A_145 {strides = array<i32>} : memref<8x32xf32, #tpu.memory_space<vmem>>, vector<16xf32>,
    %get3A_150 = arith.constant 5 : i32
    %get3A_151 = arith.index_cast %get3A_150 : i32 to index
    %get3A_152 = arith.constant 16 : index
    %get3A_153 = tpu.vector_load %arg9[%get3A_151, %get3A_152] {strides = array<i32>} : memref<8x32xf32, #tpu.memory_space<vmem>>, vector<16xf32>,
    %mul3A_154 = arith.constant 6.400000e+01 : f32
    %mul3A_155 = vector.broadcast %mul3A_154 : f32 to vector<16xf32>
    %mul3A_156 = arith.mulf %get3A_153, %mul3A_155 : vector<16xf32>
    %swap3A_157 = arith.constant 5 : i32
    %swap3A_158 = arith.index_cast %swap3A_157 : i32 to index
    %swap3A_159 = arith.constant 16 : index
    %swap3A_160 = tpu.vector_load %arg10[%swap3A_158, %swap3A_159] {strides = array<i32>} : memref<8x32xf32, #tpu.memory_space<vmem>>, vector<16xf32>,
    tpu.vector_store %arg10[%swap3A_158, %swap3A_159], %mul3A_156 {strides = array<i32>} : memref<8x32xf32, #tpu.memory_space<vmem>>, vector<16xf32>,
    %get3A_161 = arith.constant 6 : i32
    %get3A_162 = arith.index_cast %get3A_161 : i32 to index
    %get3A_163 = arith.constant 0 : index
    %get3A_164 = tpu.vector_load %arg9[%get3A_162, %get3A_163] {strides = array<i32>} : memref<8x32xf32, #tpu.memory_space<vmem>>, vector<16xf32>,
    %mul3A_165 = arith.constant 6.400000e+01 : f32
    %mul3A_166 = vector.broadcast %mul3A_165 : f32 to vector<16xf32>
    %mul3A_167 = arith.mulf %get3A_164, %mul3A_166 : vector<16xf32>
    %swap3A_168 = arith.constant 6 : i32
    %swap3A_169 = arith.index_cast %swap3A_168 : i32 to index
    %swap3A_170 = arith.constant 0 : index
    %swap3A_171 = tpu.vector_load %arg10[%swap3A_169, %swap3A_170] {strides = array<i32>} : memref<8x32xf32, #tpu.memory_space<vmem>>, vector<16xf32>,
    tpu.vector_store %arg10[%swap3A_169, %swap3A_170], %mul3A_167 {strides = array<i32>} : memref<8x32xf32, #tpu.memory_space<vmem>>, vector<16xf32>,
    %get3A_172 = arith.constant 6 : i32
    %get3A_173 = arith.index_cast %get3A_172 : i32 to index
    %get3A_174 = arith.constant 16 : index
    %get3A_175 = tpu.vector_load %arg9[%get3A_173, %get3A_174] {strides = array<i32>} : memref<8x32xf32, #tpu.memory_space<vmem>>, vector<16xf32>,
    %mul3A_176 = arith.constant 6.400000e+01 : f32
    %mul3A_177 = vector.broadcast %mul3A_176 : f32 to vector<16xf32>
    %mul3A_178 = arith.mulf %get3A_175, %mul3A_177 : vector<16xf32>
    %swap3A_179 = arith.constant 6 : i32
    %swap3A_180 = arith.index_cast %swap3A_179 : i32 to index
    %swap3A_181 = arith.constant 16 : index
    %swap3A_182 = tpu.vector_load %arg10[%swap3A_180, %swap3A_181] {strides = array<i32>} : memref<8x32xf32, #tpu.memory_space<vmem>>, vector<16xf32>,
    tpu.vector_store %arg10[%swap3A_180, %swap3A_181], %mul3A_178 {strides = array<i32>} : memref<8x32xf32, #tpu.memory_space<vmem>>, vector<16xf32>,
    %get3A_183 = arith.constant 7 : i32
    %get3A_184 = arith.index_cast %get3A_183 : i32 to index
    %get3A_185 = arith.constant 0 : index
    %get3A_186 = tpu.vector_load %arg9[%get3A_184, %get3A_185] {strides = array<i32>} : memref<8x32xf32, #tpu.memory_space<vmem>>, vector<16xf32>,
    %mul3A_187 = arith.constant 6.400000e+01 : f32
    %mul3A_188 = vector.broadcast %mul3A_187 : f32 to vector<16xf32>
    %mul3A_189 = arith.mulf %get3A_186, %mul3A_188 : vector<16xf32>
    %swap3A_190 = arith.constant 7 : i32
    %swap3A_191 = arith.index_cast %swap3A_190 : i32 to index
    %swap3A_192 = arith.constant 0 : index
    %swap3A_193 = tpu.vector_load %arg10[%swap3A_191, %swap3A_192] {strides = array<i32>} : memref<8x32xf32, #tpu.memory_space<vmem>>, vector<16xf32>,
    tpu.vector_store %arg10[%swap3A_191, %swap3A_192], %mul3A_189 {strides = array<i32>} : memref<8x32xf32, #tpu.memory_space<vmem>>, vector<16xf32>,
    %get3A_194 = arith.constant 7 : i32
    %get3A_195 = arith.index_cast %get3A_194 : i32 to index
    %get3A_196 = arith.constant 16 : index
    %get3A_197 = tpu.vector_load %arg9[%get3A_195, %get3A_196] {strides = array<i32>} : memref<8x32xf32, #tpu.memory_space<vmem>>, vector<16xf32>,
    %mul3A_198 = arith.constant 6.400000e+01 : f32
    %mul3A_199 = vector.broadcast %mul3A_198 : f32 to vector<16xf32>
    %mul3A_200 = arith.mulf %get3A_197, %mul3A_199 : vector<16xf32>
    %swap3A_201 = arith.constant 7 : i32
    %swap3A_202 = arith.index_cast %swap3A_201 : i32 to index
    %swap3A_203 = arith.constant 16 : index
    %swap3A_204 = tpu.vector_load %arg10[%swap3A_202, %swap3A_203] {strides = array<i32>} : memref<8x32xf32, #tpu.memory_space<vmem>>, vector<16xf32>,
    tpu.vector_store %arg10[%swap3A_202, %swap3A_203], %mul3A_200 {strides = array<i32>} : memref<8x32xf32, #tpu.memory_space<vmem>>, vector<16xf32>,
    %iota3A = tpu.iota {dimensions = array<i32: 0>} : vector<16xi32>
    %min3A = arith.constant 7 : i32
    %min3A_205 = vector.broadcast %min3A : i32 to vector<16xi32>
    %min3A_206 = arith.minsi %iota3A, %min3A_205 : vector<16xi32>
    %add3A_207 = arith.constant 0 : i32
    %add3A_208 = vector.broadcast %add3A_207 : i32 to vector<16xi32>
    %add3A_209 = arith.addi %add3A_208, %min3A_206 : vector<16xi32>
    %gather3A = tpu.vector_load_idx %arg11[%add3A_209] : memref<32xi32, #tpu.memory_space<vmem>>[vector<16xi32>], vector<16xi32>,
    %sub3A = arith.constant 99968 : i32
    %sub3A_210 = vector.broadcast %sub3A : i32 to vector<16xi32>
    %sub3A_211 = arith.subi %gather3A, %sub3A_210 : vector<16xi32>
    %ge3A = arith.constant 0 : i32
    %ge3A_212 = vector.broadcast %ge3A : i32 to vector<16xi32>
    %ge3A_213 = arith.cmpi sge, %sub3A_211, %ge3A_212 : vector<16xi32>
    %lt3A = arith.constant 32 : i32
    %lt3A_214 = vector.broadcast %lt3A : i32 to vector<16xi32>
    %lt3A_215 = arith.cmpi slt, %sub3A_211, %lt3A_214 : vector<16xi32>
    %and3A = arith.andi %ge3A_213, %lt3A_215 : vector<16xi1>
    %lt3A_216 = arith.constant 8 : i32
    %lt3A_217 = vector.broadcast %lt3A_216 : i32 to vector<16xi32>
    %lt3A_218 = arith.cmpi slt, %iota3A, %lt3A_217 : vector<16xi32>
    %and3A_219 = arith.andi %and3A, %lt3A_218 : vector<16xi1>
    %jit3A = arith.constant 0 : i32
    %broadcast_in_dim3A = vector.broadcast %jit3A : i32 to vector<16xi32>
    %select_n3A = arith.select %and3A_219, %sub3A_211, %broadcast_in_dim3A : vector<16xi1>, vector<16xi32>
    %gather3A_220 = tpu.vector_load_idx %arg9[%min3A_206, %select_n3A] : memref<8x32xf32, #tpu.memory_space<vmem>>[vector<16xi32>, vector<16xi32>], vector<16xf32>,
    %mul3A_221 = arith.mulf %gather3A_220, %gather3A_220 : vector<16xf32>
    %sub3A_222 = arith.constant 1.000000e+00 : f32
    %sub3A_223 = vector.broadcast %sub3A_222 : f32 to vector<16xf32>
    %sub3A_224 = arith.subf %sub3A_223, %mul3A_221 : vector<16xf32>
    %max3A = arith.constant 9.99999968E-21 : f32
    %max3A_225 = vector.broadcast %max3A : f32 to vector<16xf32>
    %max3A_226 = arith.maximumf %sub3A_224, %max3A_225 : vector<16xf32>
    %bitcast3A = vector.bitcast %max3A_226 : vector<16xf32> to vector<16xi32>
    %shift_right_arithmetic3A = arith.constant 1 : i32
    %shift_right_arithmetic3A_227 = vector.broadcast %shift_right_arithmetic3A : i32 to vector<16xi32>
    %shift_right_arithmetic3A_228 = arith.shrsi %bitcast3A, %shift_right_arithmetic3A_227 : vector<16xi32>
    %add3A_229 = arith.constant 532487669 : i32
    %add3A_230 = vector.broadcast %add3A_229 : i32 to vector<16xi32>
    %add3A_231 = arith.addi %add3A_230, %shift_right_arithmetic3A_228 : vector<16xi32>
    %bitcast3A_232 = vector.bitcast %add3A_231 : vector<16xi32> to vector<16xf32>
    %div3A = arith.divf %max3A_226, %bitcast3A_232 : vector<16xf32>
    %add3A_233 = arith.addf %bitcast3A_232, %div3A : vector<16xf32>
    %mul3A_234 = arith.constant 5.000000e-01 : f32
    %mul3A_235 = vector.broadcast %mul3A_234 : f32 to vector<16xf32>
    %mul3A_236 = arith.mulf %mul3A_235, %add3A_233 : vector<16xf32>
    %div3A_237 = arith.divf %max3A_226, %mul3A_236 : vector<16xf32>
    %add3A_238 = arith.addf %mul3A_236, %div3A_237 : vector<16xf32>
    %mul3A_239 = arith.constant 5.000000e-01 : f32
    %mul3A_240 = vector.broadcast %mul3A_239 : f32 to vector<16xf32>
    %mul3A_241 = arith.mulf %mul3A_240, %add3A_238 : vector<16xf32>
    %div3A_242 = arith.divf %max3A_226, %mul3A_241 : vector<16xf32>
    %add3A_243 = arith.addf %mul3A_241, %div3A_242 : vector<16xf32>
    %mul3A_244 = arith.constant 5.000000e-01 : f32
    %mul3A_245 = vector.broadcast %mul3A_244 : f32 to vector<16xf32>
    %mul3A_246 = arith.mulf %mul3A_245, %add3A_243 : vector<16xf32>
    %mul3A_247 = arith.constant 0.87758255 : f32
    %mul3A_248 = vector.broadcast %mul3A_247 : f32 to vector<16xf32>
    %mul3A_249 = arith.mulf %gather3A_220, %mul3A_248 : vector<16xf32>
    %mul3A_250 = arith.constant 0.47942555 : f32
    %mul3A_251 = vector.broadcast %mul3A_250 : f32 to vector<16xf32>
    %mul3A_252 = arith.mulf %mul3A_246, %mul3A_251 : vector<16xf32>
    %sub3A_253 = arith.subf %mul3A_249, %mul3A_252 : vector<16xf32>
    %gt3A = arith.constant -0.87758255 : f32
    %gt3A_254 = vector.broadcast %gt3A : f32 to vector<16xf32>
    %gt3A_255 = arith.cmpf ogt, %gather3A_220, %gt3A_254 : vector<16xf32>
    %sub3A_256 = arith.constant 0.239712775 : f32
    %sub3A_257 = vector.broadcast %sub3A_256 : f32 to vector<16xf32>
    %sub3A_258 = arith.subf %gather3A_220, %sub3A_257 : vector<16xf32>
    %select_n3A_259 = arith.select %gt3A_255, %sub3A_253, %sub3A_258 : vector<16xi1>, vector<16xf32>
    %mul3A_260 = arith.constant 6.400000e+01 : f32
    %mul3A_261 = vector.broadcast %mul3A_260 : f32 to vector<16xf32>
    %mul3A_262 = arith.mulf %select_n3A_259, %mul3A_261 : vector<16xf32>
    tpu.vector_store_idx %arg10[%min3A_206, %select_n3A], %mul3A_262 masked %and3A_219 : memref<8x32xf32, #tpu.memory_space<vmem>>[vector<16xi32>, vector<16xi32>], vector<16xf32>, vector<16xi1>
    "tpu.region"() ({
      %run_scoped3A = tpu.sem_alloc : memref<!tpu.dma_semaphore, #tpu.memory_space<semaphore_mem>>
      %dma_start3A_1016 = arith.constant 99968 : i32
      %dma_start3A_1017 = tpu.memref_slice %arg4[%add3A_30, %dma_start3A_1016] : memref<1024x100000xf32, #tpu.memory_space<hbm>> -> memref<8x32xf32, #tpu.memory_space<hbm>>
      %dma_start3A_1018 = arith.constant 99968 : i32
      %dma_start3A_1019 = tpu.memref_slice %arg4[%add3A_30, %dma_start3A_1018] : memref<1024x100000xf32, #tpu.memory_space<hbm>> -> memref<8x32xf32, #tpu.memory_space<hbm>>
      tpu.enqueue_dma source(%arg10 : memref<8x32xf32, #tpu.memory_space<vmem>>) target(%dma_start3A_1019 : memref<8x32xf32, #tpu.memory_space<hbm>>) target_semaphore(%run_scoped3A : memref<!tpu.dma_semaphore, #tpu.memory_space<semaphore_mem>>)
      %dma_wait3A_1020 = arith.constant 99968 : i32
      %dma_wait3A_1021 = tpu.memref_slice %arg4[%add3A_30, %dma_wait3A_1020] : memref<1024x100000xf32, #tpu.memory_space<hbm>> -> memref<8x32xf32, #tpu.memory_space<hbm>>
      %dma_wait3A_1022 = arith.constant 99968 : i32
      %dma_wait3A_1023 = tpu.memref_slice %arg4[%add3A_30, %dma_wait3A_1022] : memref<1024x100000xf32, #tpu.memory_space<hbm>> -> memref<8x32xf32, #tpu.memory_space<hbm>>
      tpu.wait_dma2 semaphore(%run_scoped3A : memref<!tpu.dma_semaphore, #tpu.memory_space<semaphore_mem>>) src(%arg10 : memref<8x32xf32, #tpu.memory_space<vmem>>) dst(%dma_wait3A_1023 : memref<8x32xf32, #tpu.memory_space<hbm>>)
      tpu.yield
    }) : () -> ()
    %add3A_263 = arith.constant 8 : i32
    %add3A_264 = arith.addi %mul3A_2, %add3A_263 : i32
    "tpu.region"() ({
      %run_scoped3A = tpu.sem_alloc : memref<!tpu.dma_semaphore, #tpu.memory_space<semaphore_mem>>
      %dma_start3A_1016 = arith.constant 99968 : i32
      %dma_start3A_1017 = tpu.memref_slice %arg2[%add3A_264, %dma_start3A_1016] : memref<1024x100000xf32, #tpu.memory_space<hbm>> -> memref<8x32xf32, #tpu.memory_space<hbm>>
      %dma_start3A_1018 = arith.constant 99968 : i32
      %dma_start3A_1019 = tpu.memref_slice %arg2[%add3A_264, %dma_start3A_1018] : memref<1024x100000xf32, #tpu.memory_space<hbm>> -> memref<8x32xf32, #tpu.memory_space<hbm>>
      tpu.enqueue_dma source(%dma_start3A_1019 : memref<8x32xf32, #tpu.memory_space<hbm>>) target(%arg9 : memref<8x32xf32, #tpu.memory_space<vmem>>) target_semaphore(%run_scoped3A : memref<!tpu.dma_semaphore, #tpu.memory_space<semaphore_mem>>)
      %dma_wait3A_1020 = arith.constant 99968 : i32
      %dma_wait3A_1021 = tpu.memref_slice %arg2[%add3A_264, %dma_wait3A_1020] : memref<1024x100000xf32, #tpu.memory_space<hbm>> -> memref<8x32xf32, #tpu.memory_space<hbm>>
      %dma_wait3A_1022 = arith.constant 99968 : i32
      %dma_wait3A_1023 = tpu.memref_slice %arg2[%add3A_264, %dma_wait3A_1022] : memref<1024x100000xf32, #tpu.memory_space<hbm>> -> memref<8x32xf32, #tpu.memory_space<hbm>>
      tpu.wait_dma2 semaphore(%run_scoped3A : memref<!tpu.dma_semaphore, #tpu.memory_space<semaphore_mem>>) src(%dma_wait3A_1023 : memref<8x32xf32, #tpu.memory_space<hbm>>) dst(%arg9 : memref<8x32xf32, #tpu.memory_space<vmem>>)
      tpu.yield
    }) : () -> ()
    %get3A_265 = arith.constant 0 : i32
    %get3A_266 = arith.index_cast %get3A_265 : i32 to index
    %get3A_267 = arith.constant 0 : index
    %get3A_268 = tpu.vector_load %arg9[%get3A_266, %get3A_267] {strides = array<i32>} : memref<8x32xf32, #tpu.memory_space<vmem>>, vector<16xf32>,
    %mul3A_269 = arith.constant 6.400000e+01 : f32
    %mul3A_270 = vector.broadcast %mul3A_269 : f32 to vector<16xf32>
    %mul3A_271 = arith.mulf %get3A_268, %mul3A_270 : vector<16xf32>
    %swap3A_272 = arith.constant 0 : i32
    %swap3A_273 = arith.index_cast %swap3A_272 : i32 to index
    %swap3A_274 = arith.constant 0 : index
    %swap3A_275 = tpu.vector_load %arg10[%swap3A_273, %swap3A_274] {strides = array<i32>} : memref<8x32xf32, #tpu.memory_space<vmem>>, vector<16xf32>,
    tpu.vector_store %arg10[%swap3A_273, %swap3A_274], %mul3A_271 {strides = array<i32>} : memref<8x32xf32, #tpu.memory_space<vmem>>, vector<16xf32>,
    %get3A_276 = arith.constant 0 : i32
    %get3A_277 = arith.index_cast %get3A_276 : i32 to index
    %get3A_278 = arith.constant 16 : index
    %get3A_279 = tpu.vector_load %arg9[%get3A_277, %get3A_278] {strides = array<i32>} : memref<8x32xf32, #tpu.memory_space<vmem>>, vector<16xf32>,
    %mul3A_280 = arith.constant 6.400000e+01 : f32
    %mul3A_281 = vector.broadcast %mul3A_280 : f32 to vector<16xf32>
    %mul3A_282 = arith.mulf %get3A_279, %mul3A_281 : vector<16xf32>
    %swap3A_283 = arith.constant 0 : i32
    %swap3A_284 = arith.index_cast %swap3A_283 : i32 to index
    %swap3A_285 = arith.constant 16 : index
    %swap3A_286 = tpu.vector_load %arg10[%swap3A_284, %swap3A_285] {strides = array<i32>} : memref<8x32xf32, #tpu.memory_space<vmem>>, vector<16xf32>,
    tpu.vector_store %arg10[%swap3A_284, %swap3A_285], %mul3A_282 {strides = array<i32>} : memref<8x32xf32, #tpu.memory_space<vmem>>, vector<16xf32>,
    %get3A_287 = arith.constant 1 : i32
    %get3A_288 = arith.index_cast %get3A_287 : i32 to index
    %get3A_289 = arith.constant 0 : index
    %get3A_290 = tpu.vector_load %arg9[%get3A_288, %get3A_289] {strides = array<i32>} : memref<8x32xf32, #tpu.memory_space<vmem>>, vector<16xf32>,
    %mul3A_291 = arith.constant 6.400000e+01 : f32
    %mul3A_292 = vector.broadcast %mul3A_291 : f32 to vector<16xf32>
    %mul3A_293 = arith.mulf %get3A_290, %mul3A_292 : vector<16xf32>
    %swap3A_294 = arith.constant 1 : i32
    %swap3A_295 = arith.index_cast %swap3A_294 : i32 to index
    %swap3A_296 = arith.constant 0 : index
    %swap3A_297 = tpu.vector_load %arg10[%swap3A_295, %swap3A_296] {strides = array<i32>} : memref<8x32xf32, #tpu.memory_space<vmem>>, vector<16xf32>,
    tpu.vector_store %arg10[%swap3A_295, %swap3A_296], %mul3A_293 {strides = array<i32>} : memref<8x32xf32, #tpu.memory_space<vmem>>, vector<16xf32>,
    %get3A_298 = arith.constant 1 : i32
    %get3A_299 = arith.index_cast %get3A_298 : i32 to index
    %get3A_300 = arith.constant 16 : index
    %get3A_301 = tpu.vector_load %arg9[%get3A_299, %get3A_300] {strides = array<i32>} : memref<8x32xf32, #tpu.memory_space<vmem>>, vector<16xf32>,
    %mul3A_302 = arith.constant 6.400000e+01 : f32
    %mul3A_303 = vector.broadcast %mul3A_302 : f32 to vector<16xf32>
    %mul3A_304 = arith.mulf %get3A_301, %mul3A_303 : vector<16xf32>
    %swap3A_305 = arith.constant 1 : i32
    %swap3A_306 = arith.index_cast %swap3A_305 : i32 to index
    %swap3A_307 = arith.constant 16 : index
    %swap3A_308 = tpu.vector_load %arg10[%swap3A_306, %swap3A_307] {strides = array<i32>} : memref<8x32xf32, #tpu.memory_space<vmem>>, vector<16xf32>,
    tpu.vector_store %arg10[%swap3A_306, %swap3A_307], %mul3A_304 {strides = array<i32>} : memref<8x32xf32, #tpu.memory_space<vmem>>, vector<16xf32>,
    %get3A_309 = arith.constant 2 : i32
    %get3A_310 = arith.index_cast %get3A_309 : i32 to index
    %get3A_311 = arith.constant 0 : index
    %get3A_312 = tpu.vector_load %arg9[%get3A_310, %get3A_311] {strides = array<i32>} : memref<8x32xf32, #tpu.memory_space<vmem>>, vector<16xf32>,
    %mul3A_313 = arith.constant 6.400000e+01 : f32
    %mul3A_314 = vector.broadcast %mul3A_313 : f32 to vector<16xf32>
    %mul3A_315 = arith.mulf %get3A_312, %mul3A_314 : vector<16xf32>
    %swap3A_316 = arith.constant 2 : i32
    %swap3A_317 = arith.index_cast %swap3A_316 : i32 to index
    %swap3A_318 = arith.constant 0 : index
    %swap3A_319 = tpu.vector_load %arg10[%swap3A_317, %swap3A_318] {strides = array<i32>} : memref<8x32xf32, #tpu.memory_space<vmem>>, vector<16xf32>,
    tpu.vector_store %arg10[%swap3A_317, %swap3A_318], %mul3A_315 {strides = array<i32>} : memref<8x32xf32, #tpu.memory_space<vmem>>, vector<16xf32>,
    %get3A_320 = arith.constant 2 : i32
    %get3A_321 = arith.index_cast %get3A_320 : i32 to index
    %get3A_322 = arith.constant 16 : index
    %get3A_323 = tpu.vector_load %arg9[%get3A_321, %get3A_322] {strides = array<i32>} : memref<8x32xf32, #tpu.memory_space<vmem>>, vector<16xf32>,
    %mul3A_324 = arith.constant 6.400000e+01 : f32
    %mul3A_325 = vector.broadcast %mul3A_324 : f32 to vector<16xf32>
    %mul3A_326 = arith.mulf %get3A_323, %mul3A_325 : vector<16xf32>
    %swap3A_327 = arith.constant 2 : i32
    %swap3A_328 = arith.index_cast %swap3A_327 : i32 to index
    %swap3A_329 = arith.constant 16 : index
    %swap3A_330 = tpu.vector_load %arg10[%swap3A_328, %swap3A_329] {strides = array<i32>} : memref<8x32xf32, #tpu.memory_space<vmem>>, vector<16xf32>,
    tpu.vector_store %arg10[%swap3A_328, %swap3A_329], %mul3A_326 {strides = array<i32>} : memref<8x32xf32, #tpu.memory_space<vmem>>, vector<16xf32>,
    %get3A_331 = arith.constant 3 : i32
    %get3A_332 = arith.index_cast %get3A_331 : i32 to index
    %get3A_333 = arith.constant 0 : index
    %get3A_334 = tpu.vector_load %arg9[%get3A_332, %get3A_333] {strides = array<i32>} : memref<8x32xf32, #tpu.memory_space<vmem>>, vector<16xf32>,
    %mul3A_335 = arith.constant 6.400000e+01 : f32
    %mul3A_336 = vector.broadcast %mul3A_335 : f32 to vector<16xf32>
    %mul3A_337 = arith.mulf %get3A_334, %mul3A_336 : vector<16xf32>
    %swap3A_338 = arith.constant 3 : i32
    %swap3A_339 = arith.index_cast %swap3A_338 : i32 to index
    %swap3A_340 = arith.constant 0 : index
    %swap3A_341 = tpu.vector_load %arg10[%swap3A_339, %swap3A_340] {strides = array<i32>} : memref<8x32xf32, #tpu.memory_space<vmem>>, vector<16xf32>,
    tpu.vector_store %arg10[%swap3A_339, %swap3A_340], %mul3A_337 {strides = array<i32>} : memref<8x32xf32, #tpu.memory_space<vmem>>, vector<16xf32>,
    %get3A_342 = arith.constant 3 : i32
    %get3A_343 = arith.index_cast %get3A_342 : i32 to index
    %get3A_344 = arith.constant 16 : index
    %get3A_345 = tpu.vector_load %arg9[%get3A_343, %get3A_344] {strides = array<i32>} : memref<8x32xf32, #tpu.memory_space<vmem>>, vector<16xf32>,
    %mul3A_346 = arith.constant 6.400000e+01 : f32
    %mul3A_347 = vector.broadcast %mul3A_346 : f32 to vector<16xf32>
    %mul3A_348 = arith.mulf %get3A_345, %mul3A_347 : vector<16xf32>
    %swap3A_349 = arith.constant 3 : i32
    %swap3A_350 = arith.index_cast %swap3A_349 : i32 to index
    %swap3A_351 = arith.constant 16 : index
    %swap3A_352 = tpu.vector_load %arg10[%swap3A_350, %swap3A_351] {strides = array<i32>} : memref<8x32xf32, #tpu.memory_space<vmem>>, vector<16xf32>,
    tpu.vector_store %arg10[%swap3A_350, %swap3A_351], %mul3A_348 {strides = array<i32>} : memref<8x32xf32, #tpu.memory_space<vmem>>, vector<16xf32>,
    %get3A_353 = arith.constant 4 : i32
    %get3A_354 = arith.index_cast %get3A_353 : i32 to index
    %get3A_355 = arith.constant 0 : index
    %get3A_356 = tpu.vector_load %arg9[%get3A_354, %get3A_355] {strides = array<i32>} : memref<8x32xf32, #tpu.memory_space<vmem>>, vector<16xf32>,
    %mul3A_357 = arith.constant 6.400000e+01 : f32
    %mul3A_358 = vector.broadcast %mul3A_357 : f32 to vector<16xf32>
    %mul3A_359 = arith.mulf %get3A_356, %mul3A_358 : vector<16xf32>
    %swap3A_360 = arith.constant 4 : i32
    %swap3A_361 = arith.index_cast %swap3A_360 : i32 to index
    %swap3A_362 = arith.constant 0 : index
    %swap3A_363 = tpu.vector_load %arg10[%swap3A_361, %swap3A_362] {strides = array<i32>} : memref<8x32xf32, #tpu.memory_space<vmem>>, vector<16xf32>,
    tpu.vector_store %arg10[%swap3A_361, %swap3A_362], %mul3A_359 {strides = array<i32>} : memref<8x32xf32, #tpu.memory_space<vmem>>, vector<16xf32>,
    %get3A_364 = arith.constant 4 : i32
    %get3A_365 = arith.index_cast %get3A_364 : i32 to index
    %get3A_366 = arith.constant 16 : index
    %get3A_367 = tpu.vector_load %arg9[%get3A_365, %get3A_366] {strides = array<i32>} : memref<8x32xf32, #tpu.memory_space<vmem>>, vector<16xf32>,
    %mul3A_368 = arith.constant 6.400000e+01 : f32
    %mul3A_369 = vector.broadcast %mul3A_368 : f32 to vector<16xf32>
    %mul3A_370 = arith.mulf %get3A_367, %mul3A_369 : vector<16xf32>
    %swap3A_371 = arith.constant 4 : i32
    %swap3A_372 = arith.index_cast %swap3A_371 : i32 to index
    %swap3A_373 = arith.constant 16 : index
    %swap3A_374 = tpu.vector_load %arg10[%swap3A_372, %swap3A_373] {strides = array<i32>} : memref<8x32xf32, #tpu.memory_space<vmem>>, vector<16xf32>,
    tpu.vector_store %arg10[%swap3A_372, %swap3A_373], %mul3A_370 {strides = array<i32>} : memref<8x32xf32, #tpu.memory_space<vmem>>, vector<16xf32>,
    %get3A_375 = arith.constant 5 : i32
    %get3A_376 = arith.index_cast %get3A_375 : i32 to index
    %get3A_377 = arith.constant 0 : index
    %get3A_378 = tpu.vector_load %arg9[%get3A_376, %get3A_377] {strides = array<i32>} : memref<8x32xf32, #tpu.memory_space<vmem>>, vector<16xf32>,
    %mul3A_379 = arith.constant 6.400000e+01 : f32
    %mul3A_380 = vector.broadcast %mul3A_379 : f32 to vector<16xf32>
    %mul3A_381 = arith.mulf %get3A_378, %mul3A_380 : vector<16xf32>
    %swap3A_382 = arith.constant 5 : i32
    %swap3A_383 = arith.index_cast %swap3A_382 : i32 to index
    %swap3A_384 = arith.constant 0 : index
    %swap3A_385 = tpu.vector_load %arg10[%swap3A_383, %swap3A_384] {strides = array<i32>} : memref<8x32xf32, #tpu.memory_space<vmem>>, vector<16xf32>,
    tpu.vector_store %arg10[%swap3A_383, %swap3A_384], %mul3A_381 {strides = array<i32>} : memref<8x32xf32, #tpu.memory_space<vmem>>, vector<16xf32>,
    %get3A_386 = arith.constant 5 : i32
    %get3A_387 = arith.index_cast %get3A_386 : i32 to index
    %get3A_388 = arith.constant 16 : index
    %get3A_389 = tpu.vector_load %arg9[%get3A_387, %get3A_388] {strides = array<i32>} : memref<8x32xf32, #tpu.memory_space<vmem>>, vector<16xf32>,
    %mul3A_390 = arith.constant 6.400000e+01 : f32
    %mul3A_391 = vector.broadcast %mul3A_390 : f32 to vector<16xf32>
    %mul3A_392 = arith.mulf %get3A_389, %mul3A_391 : vector<16xf32>
    %swap3A_393 = arith.constant 5 : i32
    %swap3A_394 = arith.index_cast %swap3A_393 : i32 to index
    %swap3A_395 = arith.constant 16 : index
    %swap3A_396 = tpu.vector_load %arg10[%swap3A_394, %swap3A_395] {strides = array<i32>} : memref<8x32xf32, #tpu.memory_space<vmem>>, vector<16xf32>,
    tpu.vector_store %arg10[%swap3A_394, %swap3A_395], %mul3A_392 {strides = array<i32>} : memref<8x32xf32, #tpu.memory_space<vmem>>, vector<16xf32>,
    %get3A_397 = arith.constant 6 : i32
    %get3A_398 = arith.index_cast %get3A_397 : i32 to index
    %get3A_399 = arith.constant 0 : index
    %get3A_400 = tpu.vector_load %arg9[%get3A_398, %get3A_399] {strides = array<i32>} : memref<8x32xf32, #tpu.memory_space<vmem>>, vector<16xf32>,
    %mul3A_401 = arith.constant 6.400000e+01 : f32
    %mul3A_402 = vector.broadcast %mul3A_401 : f32 to vector<16xf32>
    %mul3A_403 = arith.mulf %get3A_400, %mul3A_402 : vector<16xf32>
    %swap3A_404 = arith.constant 6 : i32
    %swap3A_405 = arith.index_cast %swap3A_404 : i32 to index
    %swap3A_406 = arith.constant 0 : index
    %swap3A_407 = tpu.vector_load %arg10[%swap3A_405, %swap3A_406] {strides = array<i32>} : memref<8x32xf32, #tpu.memory_space<vmem>>, vector<16xf32>,
    tpu.vector_store %arg10[%swap3A_405, %swap3A_406], %mul3A_403 {strides = array<i32>} : memref<8x32xf32, #tpu.memory_space<vmem>>, vector<16xf32>,
    %get3A_408 = arith.constant 6 : i32
    %get3A_409 = arith.index_cast %get3A_408 : i32 to index
    %get3A_410 = arith.constant 16 : index
    %get3A_411 = tpu.vector_load %arg9[%get3A_409, %get3A_410] {strides = array<i32>} : memref<8x32xf32, #tpu.memory_space<vmem>>, vector<16xf32>,
    %mul3A_412 = arith.constant 6.400000e+01 : f32
    %mul3A_413 = vector.broadcast %mul3A_412 : f32 to vector<16xf32>
    %mul3A_414 = arith.mulf %get3A_411, %mul3A_413 : vector<16xf32>
    %swap3A_415 = arith.constant 6 : i32
    %swap3A_416 = arith.index_cast %swap3A_415 : i32 to index
    %swap3A_417 = arith.constant 16 : index
    %swap3A_418 = tpu.vector_load %arg10[%swap3A_416, %swap3A_417] {strides = array<i32>} : memref<8x32xf32, #tpu.memory_space<vmem>>, vector<16xf32>,
    tpu.vector_store %arg10[%swap3A_416, %swap3A_417], %mul3A_414 {strides = array<i32>} : memref<8x32xf32, #tpu.memory_space<vmem>>, vector<16xf32>,
    %get3A_419 = arith.constant 7 : i32
    %get3A_420 = arith.index_cast %get3A_419 : i32 to index
    %get3A_421 = arith.constant 0 : index
    %get3A_422 = tpu.vector_load %arg9[%get3A_420, %get3A_421] {strides = array<i32>} : memref<8x32xf32, #tpu.memory_space<vmem>>, vector<16xf32>,
    %mul3A_423 = arith.constant 6.400000e+01 : f32
    %mul3A_424 = vector.broadcast %mul3A_423 : f32 to vector<16xf32>
    %mul3A_425 = arith.mulf %get3A_422, %mul3A_424 : vector<16xf32>
    %swap3A_426 = arith.constant 7 : i32
    %swap3A_427 = arith.index_cast %swap3A_426 : i32 to index
    %swap3A_428 = arith.constant 0 : index
    %swap3A_429 = tpu.vector_load %arg10[%swap3A_427, %swap3A_428] {strides = array<i32>} : memref<8x32xf32, #tpu.memory_space<vmem>>, vector<16xf32>,
    tpu.vector_store %arg10[%swap3A_427, %swap3A_428], %mul3A_425 {strides = array<i32>} : memref<8x32xf32, #tpu.memory_space<vmem>>, vector<16xf32>,
    %get3A_430 = arith.constant 7 : i32
    %get3A_431 = arith.index_cast %get3A_430 : i32 to index
    %get3A_432 = arith.constant 16 : index
    %get3A_433 = tpu.vector_load %arg9[%get3A_431, %get3A_432] {strides = array<i32>} : memref<8x32xf32, #tpu.memory_space<vmem>>, vector<16xf32>,
    %mul3A_434 = arith.constant 6.400000e+01 : f32
    %mul3A_435 = vector.broadcast %mul3A_434 : f32 to vector<16xf32>
    %mul3A_436 = arith.mulf %get3A_433, %mul3A_435 : vector<16xf32>
    %swap3A_437 = arith.constant 7 : i32
    %swap3A_438 = arith.index_cast %swap3A_437 : i32 to index
    %swap3A_439 = arith.constant 16 : index
    %swap3A_440 = tpu.vector_load %arg10[%swap3A_438, %swap3A_439] {strides = array<i32>} : memref<8x32xf32, #tpu.memory_space<vmem>>, vector<16xf32>,
    tpu.vector_store %arg10[%swap3A_438, %swap3A_439], %mul3A_436 {strides = array<i32>} : memref<8x32xf32, #tpu.memory_space<vmem>>, vector<16xf32>,
    %iota3A_441 = tpu.iota {dimensions = array<i32: 0>} : vector<16xi32>
    %min3A_442 = arith.constant 7 : i32
    %min3A_443 = vector.broadcast %min3A_442 : i32 to vector<16xi32>
    %min3A_444 = arith.minsi %iota3A_441, %min3A_443 : vector<16xi32>
    %add3A_445 = arith.constant 8 : i32
    %add3A_446 = vector.broadcast %add3A_445 : i32 to vector<16xi32>
    %add3A_447 = arith.addi %add3A_446, %min3A_444 : vector<16xi32>
    %gather3A_448 = tpu.vector_load_idx %arg11[%add3A_447] : memref<32xi32, #tpu.memory_space<vmem>>[vector<16xi32>], vector<16xi32>,
    %sub3A_449 = arith.constant 99968 : i32
    %sub3A_450 = vector.broadcast %sub3A_449 : i32 to vector<16xi32>
    %sub3A_451 = arith.subi %gather3A_448, %sub3A_450 : vector<16xi32>
    %ge3A_452 = arith.constant 0 : i32
    %ge3A_453 = vector.broadcast %ge3A_452 : i32 to vector<16xi32>
    %ge3A_454 = arith.cmpi sge, %sub3A_451, %ge3A_453 : vector<16xi32>
    %lt3A_455 = arith.constant 32 : i32
    %lt3A_456 = vector.broadcast %lt3A_455 : i32 to vector<16xi32>
    %lt3A_457 = arith.cmpi slt, %sub3A_451, %lt3A_456 : vector<16xi32>
    %and3A_458 = arith.andi %ge3A_454, %lt3A_457 : vector<16xi1>
    %lt3A_459 = arith.constant 8 : i32
    %lt3A_460 = vector.broadcast %lt3A_459 : i32 to vector<16xi32>
    %lt3A_461 = arith.cmpi slt, %iota3A_441, %lt3A_460 : vector<16xi32>
    %and3A_462 = arith.andi %and3A_458, %lt3A_461 : vector<16xi1>
    %jit3A_463 = arith.constant 0 : i32
    %broadcast_in_dim3A_464 = vector.broadcast %jit3A_463 : i32 to vector<16xi32>
    %select_n3A_465 = arith.select %and3A_462, %sub3A_451, %broadcast_in_dim3A_464 : vector<16xi1>, vector<16xi32>
    %gather3A_466 = tpu.vector_load_idx %arg9[%min3A_444, %select_n3A_465] : memref<8x32xf32, #tpu.memory_space<vmem>>[vector<16xi32>, vector<16xi32>], vector<16xf32>,
    %mul3A_467 = arith.mulf %gather3A_466, %gather3A_466 : vector<16xf32>
    %sub3A_468 = arith.constant 1.000000e+00 : f32
    %sub3A_469 = vector.broadcast %sub3A_468 : f32 to vector<16xf32>
    %sub3A_470 = arith.subf %sub3A_469, %mul3A_467 : vector<16xf32>
    %max3A_471 = arith.constant 9.99999968E-21 : f32
    %max3A_472 = vector.broadcast %max3A_471 : f32 to vector<16xf32>
    %max3A_473 = arith.maximumf %sub3A_470, %max3A_472 : vector<16xf32>
    %bitcast3A_474 = vector.bitcast %max3A_473 : vector<16xf32> to vector<16xi32>
    %shift_right_arithmetic3A_475 = arith.constant 1 : i32
    %shift_right_arithmetic3A_476 = vector.broadcast %shift_right_arithmetic3A_475 : i32 to vector<16xi32>
    %shift_right_arithmetic3A_477 = arith.shrsi %bitcast3A_474, %shift_right_arithmetic3A_476 : vector<16xi32>
    %add3A_478 = arith.constant 532487669 : i32
    %add3A_479 = vector.broadcast %add3A_478 : i32 to vector<16xi32>
    %add3A_480 = arith.addi %add3A_479, %shift_right_arithmetic3A_477 : vector<16xi32>
    %bitcast3A_481 = vector.bitcast %add3A_480 : vector<16xi32> to vector<16xf32>
    %div3A_482 = arith.divf %max3A_473, %bitcast3A_481 : vector<16xf32>
    %add3A_483 = arith.addf %bitcast3A_481, %div3A_482 : vector<16xf32>
    %mul3A_484 = arith.constant 5.000000e-01 : f32
    %mul3A_485 = vector.broadcast %mul3A_484 : f32 to vector<16xf32>
    %mul3A_486 = arith.mulf %mul3A_485, %add3A_483 : vector<16xf32>
    %div3A_487 = arith.divf %max3A_473, %mul3A_486 : vector<16xf32>
    %add3A_488 = arith.addf %mul3A_486, %div3A_487 : vector<16xf32>
    %mul3A_489 = arith.constant 5.000000e-01 : f32
    %mul3A_490 = vector.broadcast %mul3A_489 : f32 to vector<16xf32>
    %mul3A_491 = arith.mulf %mul3A_490, %add3A_488 : vector<16xf32>
    %div3A_492 = arith.divf %max3A_473, %mul3A_491 : vector<16xf32>
    %add3A_493 = arith.addf %mul3A_491, %div3A_492 : vector<16xf32>
    %mul3A_494 = arith.constant 5.000000e-01 : f32
    %mul3A_495 = vector.broadcast %mul3A_494 : f32 to vector<16xf32>
    %mul3A_496 = arith.mulf %mul3A_495, %add3A_493 : vector<16xf32>
    %mul3A_497 = arith.constant 0.87758255 : f32
    %mul3A_498 = vector.broadcast %mul3A_497 : f32 to vector<16xf32>
    %mul3A_499 = arith.mulf %gather3A_466, %mul3A_498 : vector<16xf32>
    %mul3A_500 = arith.constant 0.47942555 : f32
    %mul3A_501 = vector.broadcast %mul3A_500 : f32 to vector<16xf32>
    %mul3A_502 = arith.mulf %mul3A_496, %mul3A_501 : vector<16xf32>
    %sub3A_503 = arith.subf %mul3A_499, %mul3A_502 : vector<16xf32>
    %gt3A_504 = arith.constant -0.87758255 : f32
    %gt3A_505 = vector.broadcast %gt3A_504 : f32 to vector<16xf32>
    %gt3A_506 = arith.cmpf ogt, %gather3A_466, %gt3A_505 : vector<16xf32>
    %sub3A_507 = arith.constant 0.239712775 : f32
    %sub3A_508 = vector.broadcast %sub3A_507 : f32 to vector<16xf32>
    %sub3A_509 = arith.subf %gather3A_466, %sub3A_508 : vector<16xf32>
    %select_n3A_510 = arith.select %gt3A_506, %sub3A_503, %sub3A_509 : vector<16xi1>, vector<16xf32>
    %mul3A_511 = arith.constant 6.400000e+01 : f32
    %mul3A_512 = vector.broadcast %mul3A_511 : f32 to vector<16xf32>
    %mul3A_513 = arith.mulf %select_n3A_510, %mul3A_512 : vector<16xf32>
    tpu.vector_store_idx %arg10[%min3A_444, %select_n3A_465], %mul3A_513 masked %and3A_462 : memref<8x32xf32, #tpu.memory_space<vmem>>[vector<16xi32>, vector<16xi32>], vector<16xf32>, vector<16xi1>
    "tpu.region"() ({
      %run_scoped3A = tpu.sem_alloc : memref<!tpu.dma_semaphore, #tpu.memory_space<semaphore_mem>>
      %dma_start3A_1016 = arith.constant 99968 : i32
      %dma_start3A_1017 = tpu.memref_slice %arg4[%add3A_264, %dma_start3A_1016] : memref<1024x100000xf32, #tpu.memory_space<hbm>> -> memref<8x32xf32, #tpu.memory_space<hbm>>
      %dma_start3A_1018 = arith.constant 99968 : i32
      %dma_start3A_1019 = tpu.memref_slice %arg4[%add3A_264, %dma_start3A_1018] : memref<1024x100000xf32, #tpu.memory_space<hbm>> -> memref<8x32xf32, #tpu.memory_space<hbm>>
      tpu.enqueue_dma source(%arg10 : memref<8x32xf32, #tpu.memory_space<vmem>>) target(%dma_start3A_1019 : memref<8x32xf32, #tpu.memory_space<hbm>>) target_semaphore(%run_scoped3A : memref<!tpu.dma_semaphore, #tpu.memory_space<semaphore_mem>>)
      %dma_wait3A_1020 = arith.constant 99968 : i32
      %dma_wait3A_1021 = tpu.memref_slice %arg4[%add3A_264, %dma_wait3A_1020] : memref<1024x100000xf32, #tpu.memory_space<hbm>> -> memref<8x32xf32, #tpu.memory_space<hbm>>
      %dma_wait3A_1022 = arith.constant 99968 : i32
      %dma_wait3A_1023 = tpu.memref_slice %arg4[%add3A_264, %dma_wait3A_1022] : memref<1024x100000xf32, #tpu.memory_space<hbm>> -> memref<8x32xf32, #tpu.memory_space<hbm>>
      tpu.wait_dma2 semaphore(%run_scoped3A : memref<!tpu.dma_semaphore, #tpu.memory_space<semaphore_mem>>) src(%arg10 : memref<8x32xf32, #tpu.memory_space<vmem>>) dst(%dma_wait3A_1023 : memref<8x32xf32, #tpu.memory_space<hbm>>)
      tpu.yield
    }) : () -> ()
    %add3A_514 = arith.constant 16 : i32
    %add3A_515 = arith.addi %mul3A_2, %add3A_514 : i32
    "tpu.region"() ({
      %run_scoped3A = tpu.sem_alloc : memref<!tpu.dma_semaphore, #tpu.memory_space<semaphore_mem>>
      %dma_start3A_1016 = arith.constant 99968 : i32
      %dma_start3A_1017 = tpu.memref_slice %arg2[%add3A_515, %dma_start3A_1016] : memref<1024x100000xf32, #tpu.memory_space<hbm>> -> memref<8x32xf32, #tpu.memory_space<hbm>>
      %dma_start3A_1018 = arith.constant 99968 : i32
      %dma_start3A_1019 = tpu.memref_slice %arg2[%add3A_515, %dma_start3A_1018] : memref<1024x100000xf32, #tpu.memory_space<hbm>> -> memref<8x32xf32, #tpu.memory_space<hbm>>
      tpu.enqueue_dma source(%dma_start3A_1019 : memref<8x32xf32, #tpu.memory_space<hbm>>) target(%arg9 : memref<8x32xf32, #tpu.memory_space<vmem>>) target_semaphore(%run_scoped3A : memref<!tpu.dma_semaphore, #tpu.memory_space<semaphore_mem>>)
      %dma_wait3A_1020 = arith.constant 99968 : i32
      %dma_wait3A_1021 = tpu.memref_slice %arg2[%add3A_515, %dma_wait3A_1020] : memref<1024x100000xf32, #tpu.memory_space<hbm>> -> memref<8x32xf32, #tpu.memory_space<hbm>>
      %dma_wait3A_1022 = arith.constant 99968 : i32
      %dma_wait3A_1023 = tpu.memref_slice %arg2[%add3A_515, %dma_wait3A_1022] : memref<1024x100000xf32, #tpu.memory_space<hbm>> -> memref<8x32xf32, #tpu.memory_space<hbm>>
      tpu.wait_dma2 semaphore(%run_scoped3A : memref<!tpu.dma_semaphore, #tpu.memory_space<semaphore_mem>>) src(%dma_wait3A_1023 : memref<8x32xf32, #tpu.memory_space<hbm>>) dst(%arg9 : memref<8x32xf32, #tpu.memory_space<vmem>>)
      tpu.yield
    }) : () -> ()
    %get3A_516 = arith.constant 0 : i32
    %get3A_517 = arith.index_cast %get3A_516 : i32 to index
    %get3A_518 = arith.constant 0 : index
    %get3A_519 = tpu.vector_load %arg9[%get3A_517, %get3A_518] {strides = array<i32>} : memref<8x32xf32, #tpu.memory_space<vmem>>, vector<16xf32>,
    %mul3A_520 = arith.constant 6.400000e+01 : f32
    %mul3A_521 = vector.broadcast %mul3A_520 : f32 to vector<16xf32>
    %mul3A_522 = arith.mulf %get3A_519, %mul3A_521 : vector<16xf32>
    %swap3A_523 = arith.constant 0 : i32
    %swap3A_524 = arith.index_cast %swap3A_523 : i32 to index
    %swap3A_525 = arith.constant 0 : index
    %swap3A_526 = tpu.vector_load %arg10[%swap3A_524, %swap3A_525] {strides = array<i32>} : memref<8x32xf32, #tpu.memory_space<vmem>>, vector<16xf32>,
    tpu.vector_store %arg10[%swap3A_524, %swap3A_525], %mul3A_522 {strides = array<i32>} : memref<8x32xf32, #tpu.memory_space<vmem>>, vector<16xf32>,
    %get3A_527 = arith.constant 0 : i32
    %get3A_528 = arith.index_cast %get3A_527 : i32 to index
    %get3A_529 = arith.constant 16 : index
    %get3A_530 = tpu.vector_load %arg9[%get3A_528, %get3A_529] {strides = array<i32>} : memref<8x32xf32, #tpu.memory_space<vmem>>, vector<16xf32>,
    %mul3A_531 = arith.constant 6.400000e+01 : f32
    %mul3A_532 = vector.broadcast %mul3A_531 : f32 to vector<16xf32>
    %mul3A_533 = arith.mulf %get3A_530, %mul3A_532 : vector<16xf32>
    %swap3A_534 = arith.constant 0 : i32
    %swap3A_535 = arith.index_cast %swap3A_534 : i32 to index
    %swap3A_536 = arith.constant 16 : index
    %swap3A_537 = tpu.vector_load %arg10[%swap3A_535, %swap3A_536] {strides = array<i32>} : memref<8x32xf32, #tpu.memory_space<vmem>>, vector<16xf32>,
    tpu.vector_store %arg10[%swap3A_535, %swap3A_536], %mul3A_533 {strides = array<i32>} : memref<8x32xf32, #tpu.memory_space<vmem>>, vector<16xf32>,
    %get3A_538 = arith.constant 1 : i32
    %get3A_539 = arith.index_cast %get3A_538 : i32 to index
    %get3A_540 = arith.constant 0 : index
    %get3A_541 = tpu.vector_load %arg9[%get3A_539, %get3A_540] {strides = array<i32>} : memref<8x32xf32, #tpu.memory_space<vmem>>, vector<16xf32>,
    %mul3A_542 = arith.constant 6.400000e+01 : f32
    %mul3A_543 = vector.broadcast %mul3A_542 : f32 to vector<16xf32>
    %mul3A_544 = arith.mulf %get3A_541, %mul3A_543 : vector<16xf32>
    %swap3A_545 = arith.constant 1 : i32
    %swap3A_546 = arith.index_cast %swap3A_545 : i32 to index
    %swap3A_547 = arith.constant 0 : index
    %swap3A_548 = tpu.vector_load %arg10[%swap3A_546, %swap3A_547] {strides = array<i32>} : memref<8x32xf32, #tpu.memory_space<vmem>>, vector<16xf32>,
    tpu.vector_store %arg10[%swap3A_546, %swap3A_547], %mul3A_544 {strides = array<i32>} : memref<8x32xf32, #tpu.memory_space<vmem>>, vector<16xf32>,
    %get3A_549 = arith.constant 1 : i32
    %get3A_550 = arith.index_cast %get3A_549 : i32 to index
    %get3A_551 = arith.constant 16 : index
    %get3A_552 = tpu.vector_load %arg9[%get3A_550, %get3A_551] {strides = array<i32>} : memref<8x32xf32, #tpu.memory_space<vmem>>, vector<16xf32>,
    %mul3A_553 = arith.constant 6.400000e+01 : f32
    %mul3A_554 = vector.broadcast %mul3A_553 : f32 to vector<16xf32>
    %mul3A_555 = arith.mulf %get3A_552, %mul3A_554 : vector<16xf32>
    %swap3A_556 = arith.constant 1 : i32
    %swap3A_557 = arith.index_cast %swap3A_556 : i32 to index
    %swap3A_558 = arith.constant 16 : index
    %swap3A_559 = tpu.vector_load %arg10[%swap3A_557, %swap3A_558] {strides = array<i32>} : memref<8x32xf32, #tpu.memory_space<vmem>>, vector<16xf32>,
    tpu.vector_store %arg10[%swap3A_557, %swap3A_558], %mul3A_555 {strides = array<i32>} : memref<8x32xf32, #tpu.memory_space<vmem>>, vector<16xf32>,
    %get3A_560 = arith.constant 2 : i32
    %get3A_561 = arith.index_cast %get3A_560 : i32 to index
    %get3A_562 = arith.constant 0 : index
    %get3A_563 = tpu.vector_load %arg9[%get3A_561, %get3A_562] {strides = array<i32>} : memref<8x32xf32, #tpu.memory_space<vmem>>, vector<16xf32>,
    %mul3A_564 = arith.constant 6.400000e+01 : f32
    %mul3A_565 = vector.broadcast %mul3A_564 : f32 to vector<16xf32>
    %mul3A_566 = arith.mulf %get3A_563, %mul3A_565 : vector<16xf32>
    %swap3A_567 = arith.constant 2 : i32
    %swap3A_568 = arith.index_cast %swap3A_567 : i32 to index
    %swap3A_569 = arith.constant 0 : index
    %swap3A_570 = tpu.vector_load %arg10[%swap3A_568, %swap3A_569] {strides = array<i32>} : memref<8x32xf32, #tpu.memory_space<vmem>>, vector<16xf32>,
    tpu.vector_store %arg10[%swap3A_568, %swap3A_569], %mul3A_566 {strides = array<i32>} : memref<8x32xf32, #tpu.memory_space<vmem>>, vector<16xf32>,
    %get3A_571 = arith.constant 2 : i32
    %get3A_572 = arith.index_cast %get3A_571 : i32 to index
    %get3A_573 = arith.constant 16 : index
    %get3A_574 = tpu.vector_load %arg9[%get3A_572, %get3A_573] {strides = array<i32>} : memref<8x32xf32, #tpu.memory_space<vmem>>, vector<16xf32>,
    %mul3A_575 = arith.constant 6.400000e+01 : f32
    %mul3A_576 = vector.broadcast %mul3A_575 : f32 to vector<16xf32>
    %mul3A_577 = arith.mulf %get3A_574, %mul3A_576 : vector<16xf32>
    %swap3A_578 = arith.constant 2 : i32
    %swap3A_579 = arith.index_cast %swap3A_578 : i32 to index
    %swap3A_580 = arith.constant 16 : index
    %swap3A_581 = tpu.vector_load %arg10[%swap3A_579, %swap3A_580] {strides = array<i32>} : memref<8x32xf32, #tpu.memory_space<vmem>>, vector<16xf32>,
    tpu.vector_store %arg10[%swap3A_579, %swap3A_580], %mul3A_577 {strides = array<i32>} : memref<8x32xf32, #tpu.memory_space<vmem>>, vector<16xf32>,
    %get3A_582 = arith.constant 3 : i32
    %get3A_583 = arith.index_cast %get3A_582 : i32 to index
    %get3A_584 = arith.constant 0 : index
    %get3A_585 = tpu.vector_load %arg9[%get3A_583, %get3A_584] {strides = array<i32>} : memref<8x32xf32, #tpu.memory_space<vmem>>, vector<16xf32>,
    %mul3A_586 = arith.constant 6.400000e+01 : f32
    %mul3A_587 = vector.broadcast %mul3A_586 : f32 to vector<16xf32>
    %mul3A_588 = arith.mulf %get3A_585, %mul3A_587 : vector<16xf32>
    %swap3A_589 = arith.constant 3 : i32
    %swap3A_590 = arith.index_cast %swap3A_589 : i32 to index
    %swap3A_591 = arith.constant 0 : index
    %swap3A_592 = tpu.vector_load %arg10[%swap3A_590, %swap3A_591] {strides = array<i32>} : memref<8x32xf32, #tpu.memory_space<vmem>>, vector<16xf32>,
    tpu.vector_store %arg10[%swap3A_590, %swap3A_591], %mul3A_588 {strides = array<i32>} : memref<8x32xf32, #tpu.memory_space<vmem>>, vector<16xf32>,
    %get3A_593 = arith.constant 3 : i32
    %get3A_594 = arith.index_cast %get3A_593 : i32 to index
    %get3A_595 = arith.constant 16 : index
    %get3A_596 = tpu.vector_load %arg9[%get3A_594, %get3A_595] {strides = array<i32>} : memref<8x32xf32, #tpu.memory_space<vmem>>, vector<16xf32>,
    %mul3A_597 = arith.constant 6.400000e+01 : f32
    %mul3A_598 = vector.broadcast %mul3A_597 : f32 to vector<16xf32>
    %mul3A_599 = arith.mulf %get3A_596, %mul3A_598 : vector<16xf32>
    %swap3A_600 = arith.constant 3 : i32
    %swap3A_601 = arith.index_cast %swap3A_600 : i32 to index
    %swap3A_602 = arith.constant 16 : index
    %swap3A_603 = tpu.vector_load %arg10[%swap3A_601, %swap3A_602] {strides = array<i32>} : memref<8x32xf32, #tpu.memory_space<vmem>>, vector<16xf32>,
    tpu.vector_store %arg10[%swap3A_601, %swap3A_602], %mul3A_599 {strides = array<i32>} : memref<8x32xf32, #tpu.memory_space<vmem>>, vector<16xf32>,
    %get3A_604 = arith.constant 4 : i32
    %get3A_605 = arith.index_cast %get3A_604 : i32 to index
    %get3A_606 = arith.constant 0 : index
    %get3A_607 = tpu.vector_load %arg9[%get3A_605, %get3A_606] {strides = array<i32>} : memref<8x32xf32, #tpu.memory_space<vmem>>, vector<16xf32>,
    %mul3A_608 = arith.constant 6.400000e+01 : f32
    %mul3A_609 = vector.broadcast %mul3A_608 : f32 to vector<16xf32>
    %mul3A_610 = arith.mulf %get3A_607, %mul3A_609 : vector<16xf32>
    %swap3A_611 = arith.constant 4 : i32
    %swap3A_612 = arith.index_cast %swap3A_611 : i32 to index
    %swap3A_613 = arith.constant 0 : index
    %swap3A_614 = tpu.vector_load %arg10[%swap3A_612, %swap3A_613] {strides = array<i32>} : memref<8x32xf32, #tpu.memory_space<vmem>>, vector<16xf32>,
    tpu.vector_store %arg10[%swap3A_612, %swap3A_613], %mul3A_610 {strides = array<i32>} : memref<8x32xf32, #tpu.memory_space<vmem>>, vector<16xf32>,
    %get3A_615 = arith.constant 4 : i32
    %get3A_616 = arith.index_cast %get3A_615 : i32 to index
    %get3A_617 = arith.constant 16 : index
    %get3A_618 = tpu.vector_load %arg9[%get3A_616, %get3A_617] {strides = array<i32>} : memref<8x32xf32, #tpu.memory_space<vmem>>, vector<16xf32>,
    %mul3A_619 = arith.constant 6.400000e+01 : f32
    %mul3A_620 = vector.broadcast %mul3A_619 : f32 to vector<16xf32>
    %mul3A_621 = arith.mulf %get3A_618, %mul3A_620 : vector<16xf32>
    %swap3A_622 = arith.constant 4 : i32
    %swap3A_623 = arith.index_cast %swap3A_622 : i32 to index
    %swap3A_624 = arith.constant 16 : index
    %swap3A_625 = tpu.vector_load %arg10[%swap3A_623, %swap3A_624] {strides = array<i32>} : memref<8x32xf32, #tpu.memory_space<vmem>>, vector<16xf32>,
    tpu.vector_store %arg10[%swap3A_623, %swap3A_624], %mul3A_621 {strides = array<i32>} : memref<8x32xf32, #tpu.memory_space<vmem>>, vector<16xf32>,
    %get3A_626 = arith.constant 5 : i32
    %get3A_627 = arith.index_cast %get3A_626 : i32 to index
    %get3A_628 = arith.constant 0 : index
    %get3A_629 = tpu.vector_load %arg9[%get3A_627, %get3A_628] {strides = array<i32>} : memref<8x32xf32, #tpu.memory_space<vmem>>, vector<16xf32>,
    %mul3A_630 = arith.constant 6.400000e+01 : f32
    %mul3A_631 = vector.broadcast %mul3A_630 : f32 to vector<16xf32>
    %mul3A_632 = arith.mulf %get3A_629, %mul3A_631 : vector<16xf32>
    %swap3A_633 = arith.constant 5 : i32
    %swap3A_634 = arith.index_cast %swap3A_633 : i32 to index
    %swap3A_635 = arith.constant 0 : index
    %swap3A_636 = tpu.vector_load %arg10[%swap3A_634, %swap3A_635] {strides = array<i32>} : memref<8x32xf32, #tpu.memory_space<vmem>>, vector<16xf32>,
    tpu.vector_store %arg10[%swap3A_634, %swap3A_635], %mul3A_632 {strides = array<i32>} : memref<8x32xf32, #tpu.memory_space<vmem>>, vector<16xf32>,
    %get3A_637 = arith.constant 5 : i32
    %get3A_638 = arith.index_cast %get3A_637 : i32 to index
    %get3A_639 = arith.constant 16 : index
    %get3A_640 = tpu.vector_load %arg9[%get3A_638, %get3A_639] {strides = array<i32>} : memref<8x32xf32, #tpu.memory_space<vmem>>, vector<16xf32>,
    %mul3A_641 = arith.constant 6.400000e+01 : f32
    %mul3A_642 = vector.broadcast %mul3A_641 : f32 to vector<16xf32>
    %mul3A_643 = arith.mulf %get3A_640, %mul3A_642 : vector<16xf32>
    %swap3A_644 = arith.constant 5 : i32
    %swap3A_645 = arith.index_cast %swap3A_644 : i32 to index
    %swap3A_646 = arith.constant 16 : index
    %swap3A_647 = tpu.vector_load %arg10[%swap3A_645, %swap3A_646] {strides = array<i32>} : memref<8x32xf32, #tpu.memory_space<vmem>>, vector<16xf32>,
    tpu.vector_store %arg10[%swap3A_645, %swap3A_646], %mul3A_643 {strides = array<i32>} : memref<8x32xf32, #tpu.memory_space<vmem>>, vector<16xf32>,
    %get3A_648 = arith.constant 6 : i32
    %get3A_649 = arith.index_cast %get3A_648 : i32 to index
    %get3A_650 = arith.constant 0 : index
    %get3A_651 = tpu.vector_load %arg9[%get3A_649, %get3A_650] {strides = array<i32>} : memref<8x32xf32, #tpu.memory_space<vmem>>, vector<16xf32>,
    %mul3A_652 = arith.constant 6.400000e+01 : f32
    %mul3A_653 = vector.broadcast %mul3A_652 : f32 to vector<16xf32>
    %mul3A_654 = arith.mulf %get3A_651, %mul3A_653 : vector<16xf32>
    %swap3A_655 = arith.constant 6 : i32
    %swap3A_656 = arith.index_cast %swap3A_655 : i32 to index
    %swap3A_657 = arith.constant 0 : index
    %swap3A_658 = tpu.vector_load %arg10[%swap3A_656, %swap3A_657] {strides = array<i32>} : memref<8x32xf32, #tpu.memory_space<vmem>>, vector<16xf32>,
    tpu.vector_store %arg10[%swap3A_656, %swap3A_657], %mul3A_654 {strides = array<i32>} : memref<8x32xf32, #tpu.memory_space<vmem>>, vector<16xf32>,
    %get3A_659 = arith.constant 6 : i32
    %get3A_660 = arith.index_cast %get3A_659 : i32 to index
    %get3A_661 = arith.constant 16 : index
    %get3A_662 = tpu.vector_load %arg9[%get3A_660, %get3A_661] {strides = array<i32>} : memref<8x32xf32, #tpu.memory_space<vmem>>, vector<16xf32>,
    %mul3A_663 = arith.constant 6.400000e+01 : f32
    %mul3A_664 = vector.broadcast %mul3A_663 : f32 to vector<16xf32>
    %mul3A_665 = arith.mulf %get3A_662, %mul3A_664 : vector<16xf32>
    %swap3A_666 = arith.constant 6 : i32
    %swap3A_667 = arith.index_cast %swap3A_666 : i32 to index
    %swap3A_668 = arith.constant 16 : index
    %swap3A_669 = tpu.vector_load %arg10[%swap3A_667, %swap3A_668] {strides = array<i32>} : memref<8x32xf32, #tpu.memory_space<vmem>>, vector<16xf32>,
    tpu.vector_store %arg10[%swap3A_667, %swap3A_668], %mul3A_665 {strides = array<i32>} : memref<8x32xf32, #tpu.memory_space<vmem>>, vector<16xf32>,
    %get3A_670 = arith.constant 7 : i32
    %get3A_671 = arith.index_cast %get3A_670 : i32 to index
    %get3A_672 = arith.constant 0 : index
    %get3A_673 = tpu.vector_load %arg9[%get3A_671, %get3A_672] {strides = array<i32>} : memref<8x32xf32, #tpu.memory_space<vmem>>, vector<16xf32>,
    %mul3A_674 = arith.constant 6.400000e+01 : f32
    %mul3A_675 = vector.broadcast %mul3A_674 : f32 to vector<16xf32>
    %mul3A_676 = arith.mulf %get3A_673, %mul3A_675 : vector<16xf32>
    %swap3A_677 = arith.constant 7 : i32
    %swap3A_678 = arith.index_cast %swap3A_677 : i32 to index
    %swap3A_679 = arith.constant 0 : index
    %swap3A_680 = tpu.vector_load %arg10[%swap3A_678, %swap3A_679] {strides = array<i32>} : memref<8x32xf32, #tpu.memory_space<vmem>>, vector<16xf32>,
    tpu.vector_store %arg10[%swap3A_678, %swap3A_679], %mul3A_676 {strides = array<i32>} : memref<8x32xf32, #tpu.memory_space<vmem>>, vector<16xf32>,
    %get3A_681 = arith.constant 7 : i32
    %get3A_682 = arith.index_cast %get3A_681 : i32 to index
    %get3A_683 = arith.constant 16 : index
    %get3A_684 = tpu.vector_load %arg9[%get3A_682, %get3A_683] {strides = array<i32>} : memref<8x32xf32, #tpu.memory_space<vmem>>, vector<16xf32>,
    %mul3A_685 = arith.constant 6.400000e+01 : f32
    %mul3A_686 = vector.broadcast %mul3A_685 : f32 to vector<16xf32>
    %mul3A_687 = arith.mulf %get3A_684, %mul3A_686 : vector<16xf32>
    %swap3A_688 = arith.constant 7 : i32
    %swap3A_689 = arith.index_cast %swap3A_688 : i32 to index
    %swap3A_690 = arith.constant 16 : index
    %swap3A_691 = tpu.vector_load %arg10[%swap3A_689, %swap3A_690] {strides = array<i32>} : memref<8x32xf32, #tpu.memory_space<vmem>>, vector<16xf32>,
    tpu.vector_store %arg10[%swap3A_689, %swap3A_690], %mul3A_687 {strides = array<i32>} : memref<8x32xf32, #tpu.memory_space<vmem>>, vector<16xf32>,
    %iota3A_692 = tpu.iota {dimensions = array<i32: 0>} : vector<16xi32>
    %min3A_693 = arith.constant 7 : i32
    %min3A_694 = vector.broadcast %min3A_693 : i32 to vector<16xi32>
    %min3A_695 = arith.minsi %iota3A_692, %min3A_694 : vector<16xi32>
    %add3A_696 = arith.constant 16 : i32
    %add3A_697 = vector.broadcast %add3A_696 : i32 to vector<16xi32>
    %add3A_698 = arith.addi %add3A_697, %min3A_695 : vector<16xi32>
    %gather3A_699 = tpu.vector_load_idx %arg11[%add3A_698] : memref<32xi32, #tpu.memory_space<vmem>>[vector<16xi32>], vector<16xi32>,
    %sub3A_700 = arith.constant 99968 : i32
    %sub3A_701 = vector.broadcast %sub3A_700 : i32 to vector<16xi32>
    %sub3A_702 = arith.subi %gather3A_699, %sub3A_701 : vector<16xi32>
    %ge3A_703 = arith.constant 0 : i32
    %ge3A_704 = vector.broadcast %ge3A_703 : i32 to vector<16xi32>
    %ge3A_705 = arith.cmpi sge, %sub3A_702, %ge3A_704 : vector<16xi32>
    %lt3A_706 = arith.constant 32 : i32
    %lt3A_707 = vector.broadcast %lt3A_706 : i32 to vector<16xi32>
    %lt3A_708 = arith.cmpi slt, %sub3A_702, %lt3A_707 : vector<16xi32>
    %and3A_709 = arith.andi %ge3A_705, %lt3A_708 : vector<16xi1>
    %lt3A_710 = arith.constant 8 : i32
    %lt3A_711 = vector.broadcast %lt3A_710 : i32 to vector<16xi32>
    %lt3A_712 = arith.cmpi slt, %iota3A_692, %lt3A_711 : vector<16xi32>
    %and3A_713 = arith.andi %and3A_709, %lt3A_712 : vector<16xi1>
    %jit3A_714 = arith.constant 0 : i32
    %broadcast_in_dim3A_715 = vector.broadcast %jit3A_714 : i32 to vector<16xi32>
    %select_n3A_716 = arith.select %and3A_713, %sub3A_702, %broadcast_in_dim3A_715 : vector<16xi1>, vector<16xi32>
    %gather3A_717 = tpu.vector_load_idx %arg9[%min3A_695, %select_n3A_716] : memref<8x32xf32, #tpu.memory_space<vmem>>[vector<16xi32>, vector<16xi32>], vector<16xf32>,
    %mul3A_718 = arith.mulf %gather3A_717, %gather3A_717 : vector<16xf32>
    %sub3A_719 = arith.constant 1.000000e+00 : f32
    %sub3A_720 = vector.broadcast %sub3A_719 : f32 to vector<16xf32>
    %sub3A_721 = arith.subf %sub3A_720, %mul3A_718 : vector<16xf32>
    %max3A_722 = arith.constant 9.99999968E-21 : f32
    %max3A_723 = vector.broadcast %max3A_722 : f32 to vector<16xf32>
    %max3A_724 = arith.maximumf %sub3A_721, %max3A_723 : vector<16xf32>
    %bitcast3A_725 = vector.bitcast %max3A_724 : vector<16xf32> to vector<16xi32>
    %shift_right_arithmetic3A_726 = arith.constant 1 : i32
    %shift_right_arithmetic3A_727 = vector.broadcast %shift_right_arithmetic3A_726 : i32 to vector<16xi32>
    %shift_right_arithmetic3A_728 = arith.shrsi %bitcast3A_725, %shift_right_arithmetic3A_727 : vector<16xi32>
    %add3A_729 = arith.constant 532487669 : i32
    %add3A_730 = vector.broadcast %add3A_729 : i32 to vector<16xi32>
    %add3A_731 = arith.addi %add3A_730, %shift_right_arithmetic3A_728 : vector<16xi32>
    %bitcast3A_732 = vector.bitcast %add3A_731 : vector<16xi32> to vector<16xf32>
    %div3A_733 = arith.divf %max3A_724, %bitcast3A_732 : vector<16xf32>
    %add3A_734 = arith.addf %bitcast3A_732, %div3A_733 : vector<16xf32>
    %mul3A_735 = arith.constant 5.000000e-01 : f32
    %mul3A_736 = vector.broadcast %mul3A_735 : f32 to vector<16xf32>
    %mul3A_737 = arith.mulf %mul3A_736, %add3A_734 : vector<16xf32>
    %div3A_738 = arith.divf %max3A_724, %mul3A_737 : vector<16xf32>
    %add3A_739 = arith.addf %mul3A_737, %div3A_738 : vector<16xf32>
    %mul3A_740 = arith.constant 5.000000e-01 : f32
    %mul3A_741 = vector.broadcast %mul3A_740 : f32 to vector<16xf32>
    %mul3A_742 = arith.mulf %mul3A_741, %add3A_739 : vector<16xf32>
    %div3A_743 = arith.divf %max3A_724, %mul3A_742 : vector<16xf32>
    %add3A_744 = arith.addf %mul3A_742, %div3A_743 : vector<16xf32>
    %mul3A_745 = arith.constant 5.000000e-01 : f32
    %mul3A_746 = vector.broadcast %mul3A_745 : f32 to vector<16xf32>
    %mul3A_747 = arith.mulf %mul3A_746, %add3A_744 : vector<16xf32>
    %mul3A_748 = arith.constant 0.87758255 : f32
    %mul3A_749 = vector.broadcast %mul3A_748 : f32 to vector<16xf32>
    %mul3A_750 = arith.mulf %gather3A_717, %mul3A_749 : vector<16xf32>
    %mul3A_751 = arith.constant 0.47942555 : f32
    %mul3A_752 = vector.broadcast %mul3A_751 : f32 to vector<16xf32>
    %mul3A_753 = arith.mulf %mul3A_747, %mul3A_752 : vector<16xf32>
    %sub3A_754 = arith.subf %mul3A_750, %mul3A_753 : vector<16xf32>
    %gt3A_755 = arith.constant -0.87758255 : f32
    %gt3A_756 = vector.broadcast %gt3A_755 : f32 to vector<16xf32>
    %gt3A_757 = arith.cmpf ogt, %gather3A_717, %gt3A_756 : vector<16xf32>
    %sub3A_758 = arith.constant 0.239712775 : f32
    %sub3A_759 = vector.broadcast %sub3A_758 : f32 to vector<16xf32>
    %sub3A_760 = arith.subf %gather3A_717, %sub3A_759 : vector<16xf32>
    %select_n3A_761 = arith.select %gt3A_757, %sub3A_754, %sub3A_760 : vector<16xi1>, vector<16xf32>
    %mul3A_762 = arith.constant 6.400000e+01 : f32
    %mul3A_763 = vector.broadcast %mul3A_762 : f32 to vector<16xf32>
    %mul3A_764 = arith.mulf %select_n3A_761, %mul3A_763 : vector<16xf32>
    tpu.vector_store_idx %arg10[%min3A_695, %select_n3A_716], %mul3A_764 masked %and3A_713 : memref<8x32xf32, #tpu.memory_space<vmem>>[vector<16xi32>, vector<16xi32>], vector<16xf32>, vector<16xi1>
    "tpu.region"() ({
      %run_scoped3A = tpu.sem_alloc : memref<!tpu.dma_semaphore, #tpu.memory_space<semaphore_mem>>
      %dma_start3A_1016 = arith.constant 99968 : i32
      %dma_start3A_1017 = tpu.memref_slice %arg4[%add3A_515, %dma_start3A_1016] : memref<1024x100000xf32, #tpu.memory_space<hbm>> -> memref<8x32xf32, #tpu.memory_space<hbm>>
      %dma_start3A_1018 = arith.constant 99968 : i32
      %dma_start3A_1019 = tpu.memref_slice %arg4[%add3A_515, %dma_start3A_1018] : memref<1024x100000xf32, #tpu.memory_space<hbm>> -> memref<8x32xf32, #tpu.memory_space<hbm>>
      tpu.enqueue_dma source(%arg10 : memref<8x32xf32, #tpu.memory_space<vmem>>) target(%dma_start3A_1019 : memref<8x32xf32, #tpu.memory_space<hbm>>) target_semaphore(%run_scoped3A : memref<!tpu.dma_semaphore, #tpu.memory_space<semaphore_mem>>)
      %dma_wait3A_1020 = arith.constant 99968 : i32
      %dma_wait3A_1021 = tpu.memref_slice %arg4[%add3A_515, %dma_wait3A_1020] : memref<1024x100000xf32, #tpu.memory_space<hbm>> -> memref<8x32xf32, #tpu.memory_space<hbm>>
      %dma_wait3A_1022 = arith.constant 99968 : i32
      %dma_wait3A_1023 = tpu.memref_slice %arg4[%add3A_515, %dma_wait3A_1022] : memref<1024x100000xf32, #tpu.memory_space<hbm>> -> memref<8x32xf32, #tpu.memory_space<hbm>>
      tpu.wait_dma2 semaphore(%run_scoped3A : memref<!tpu.dma_semaphore, #tpu.memory_space<semaphore_mem>>) src(%arg10 : memref<8x32xf32, #tpu.memory_space<vmem>>) dst(%dma_wait3A_1023 : memref<8x32xf32, #tpu.memory_space<hbm>>)
      tpu.yield
    }) : () -> ()
    %add3A_765 = arith.constant 24 : i32
    %add3A_766 = arith.addi %mul3A_2, %add3A_765 : i32
    "tpu.region"() ({
      %run_scoped3A = tpu.sem_alloc : memref<!tpu.dma_semaphore, #tpu.memory_space<semaphore_mem>>
      %dma_start3A_1016 = arith.constant 99968 : i32
      %dma_start3A_1017 = tpu.memref_slice %arg2[%add3A_766, %dma_start3A_1016] : memref<1024x100000xf32, #tpu.memory_space<hbm>> -> memref<8x32xf32, #tpu.memory_space<hbm>>
      %dma_start3A_1018 = arith.constant 99968 : i32
      %dma_start3A_1019 = tpu.memref_slice %arg2[%add3A_766, %dma_start3A_1018] : memref<1024x100000xf32, #tpu.memory_space<hbm>> -> memref<8x32xf32, #tpu.memory_space<hbm>>
      tpu.enqueue_dma source(%dma_start3A_1019 : memref<8x32xf32, #tpu.memory_space<hbm>>) target(%arg9 : memref<8x32xf32, #tpu.memory_space<vmem>>) target_semaphore(%run_scoped3A : memref<!tpu.dma_semaphore, #tpu.memory_space<semaphore_mem>>)
      %dma_wait3A_1020 = arith.constant 99968 : i32
      %dma_wait3A_1021 = tpu.memref_slice %arg2[%add3A_766, %dma_wait3A_1020] : memref<1024x100000xf32, #tpu.memory_space<hbm>> -> memref<8x32xf32, #tpu.memory_space<hbm>>
      %dma_wait3A_1022 = arith.constant 99968 : i32
      %dma_wait3A_1023 = tpu.memref_slice %arg2[%add3A_766, %dma_wait3A_1022] : memref<1024x100000xf32, #tpu.memory_space<hbm>> -> memref<8x32xf32, #tpu.memory_space<hbm>>
      tpu.wait_dma2 semaphore(%run_scoped3A : memref<!tpu.dma_semaphore, #tpu.memory_space<semaphore_mem>>) src(%dma_wait3A_1023 : memref<8x32xf32, #tpu.memory_space<hbm>>) dst(%arg9 : memref<8x32xf32, #tpu.memory_space<vmem>>)
      tpu.yield
    }) : () -> ()
    %get3A_767 = arith.constant 0 : i32
    %get3A_768 = arith.index_cast %get3A_767 : i32 to index
    %get3A_769 = arith.constant 0 : index
    %get3A_770 = tpu.vector_load %arg9[%get3A_768, %get3A_769] {strides = array<i32>} : memref<8x32xf32, #tpu.memory_space<vmem>>, vector<16xf32>,
    %mul3A_771 = arith.constant 6.400000e+01 : f32
    %mul3A_772 = vector.broadcast %mul3A_771 : f32 to vector<16xf32>
    %mul3A_773 = arith.mulf %get3A_770, %mul3A_772 : vector<16xf32>
    %swap3A_774 = arith.constant 0 : i32
    %swap3A_775 = arith.index_cast %swap3A_774 : i32 to index
    %swap3A_776 = arith.constant 0 : index
    %swap3A_777 = tpu.vector_load %arg10[%swap3A_775, %swap3A_776] {strides = array<i32>} : memref<8x32xf32, #tpu.memory_space<vmem>>, vector<16xf32>,
    tpu.vector_store %arg10[%swap3A_775, %swap3A_776], %mul3A_773 {strides = array<i32>} : memref<8x32xf32, #tpu.memory_space<vmem>>, vector<16xf32>,
    %get3A_778 = arith.constant 0 : i32
    %get3A_779 = arith.index_cast %get3A_778 : i32 to index
    %get3A_780 = arith.constant 16 : index
    %get3A_781 = tpu.vector_load %arg9[%get3A_779, %get3A_780] {strides = array<i32>} : memref<8x32xf32, #tpu.memory_space<vmem>>, vector<16xf32>,
    %mul3A_782 = arith.constant 6.400000e+01 : f32
    %mul3A_783 = vector.broadcast %mul3A_782 : f32 to vector<16xf32>
    %mul3A_784 = arith.mulf %get3A_781, %mul3A_783 : vector<16xf32>
    %swap3A_785 = arith.constant 0 : i32
    %swap3A_786 = arith.index_cast %swap3A_785 : i32 to index
    %swap3A_787 = arith.constant 16 : index
    %swap3A_788 = tpu.vector_load %arg10[%swap3A_786, %swap3A_787] {strides = array<i32>} : memref<8x32xf32, #tpu.memory_space<vmem>>, vector<16xf32>,
    tpu.vector_store %arg10[%swap3A_786, %swap3A_787], %mul3A_784 {strides = array<i32>} : memref<8x32xf32, #tpu.memory_space<vmem>>, vector<16xf32>,
    %get3A_789 = arith.constant 1 : i32
    %get3A_790 = arith.index_cast %get3A_789 : i32 to index
    %get3A_791 = arith.constant 0 : index
    %get3A_792 = tpu.vector_load %arg9[%get3A_790, %get3A_791] {strides = array<i32>} : memref<8x32xf32, #tpu.memory_space<vmem>>, vector<16xf32>,
    %mul3A_793 = arith.constant 6.400000e+01 : f32
    %mul3A_794 = vector.broadcast %mul3A_793 : f32 to vector<16xf32>
    %mul3A_795 = arith.mulf %get3A_792, %mul3A_794 : vector<16xf32>
    %swap3A_796 = arith.constant 1 : i32
    %swap3A_797 = arith.index_cast %swap3A_796 : i32 to index
    %swap3A_798 = arith.constant 0 : index
    %swap3A_799 = tpu.vector_load %arg10[%swap3A_797, %swap3A_798] {strides = array<i32>} : memref<8x32xf32, #tpu.memory_space<vmem>>, vector<16xf32>,
    tpu.vector_store %arg10[%swap3A_797, %swap3A_798], %mul3A_795 {strides = array<i32>} : memref<8x32xf32, #tpu.memory_space<vmem>>, vector<16xf32>,
    %get3A_800 = arith.constant 1 : i32
    %get3A_801 = arith.index_cast %get3A_800 : i32 to index
    %get3A_802 = arith.constant 16 : index
    %get3A_803 = tpu.vector_load %arg9[%get3A_801, %get3A_802] {strides = array<i32>} : memref<8x32xf32, #tpu.memory_space<vmem>>, vector<16xf32>,
    %mul3A_804 = arith.constant 6.400000e+01 : f32
    %mul3A_805 = vector.broadcast %mul3A_804 : f32 to vector<16xf32>
    %mul3A_806 = arith.mulf %get3A_803, %mul3A_805 : vector<16xf32>
    %swap3A_807 = arith.constant 1 : i32
    %swap3A_808 = arith.index_cast %swap3A_807 : i32 to index
    %swap3A_809 = arith.constant 16 : index
    %swap3A_810 = tpu.vector_load %arg10[%swap3A_808, %swap3A_809] {strides = array<i32>} : memref<8x32xf32, #tpu.memory_space<vmem>>, vector<16xf32>,
    tpu.vector_store %arg10[%swap3A_808, %swap3A_809], %mul3A_806 {strides = array<i32>} : memref<8x32xf32, #tpu.memory_space<vmem>>, vector<16xf32>,
    %get3A_811 = arith.constant 2 : i32
    %get3A_812 = arith.index_cast %get3A_811 : i32 to index
    %get3A_813 = arith.constant 0 : index
    %get3A_814 = tpu.vector_load %arg9[%get3A_812, %get3A_813] {strides = array<i32>} : memref<8x32xf32, #tpu.memory_space<vmem>>, vector<16xf32>,
    %mul3A_815 = arith.constant 6.400000e+01 : f32
    %mul3A_816 = vector.broadcast %mul3A_815 : f32 to vector<16xf32>
    %mul3A_817 = arith.mulf %get3A_814, %mul3A_816 : vector<16xf32>
    %swap3A_818 = arith.constant 2 : i32
    %swap3A_819 = arith.index_cast %swap3A_818 : i32 to index
    %swap3A_820 = arith.constant 0 : index
    %swap3A_821 = tpu.vector_load %arg10[%swap3A_819, %swap3A_820] {strides = array<i32>} : memref<8x32xf32, #tpu.memory_space<vmem>>, vector<16xf32>,
    tpu.vector_store %arg10[%swap3A_819, %swap3A_820], %mul3A_817 {strides = array<i32>} : memref<8x32xf32, #tpu.memory_space<vmem>>, vector<16xf32>,
    %get3A_822 = arith.constant 2 : i32
    %get3A_823 = arith.index_cast %get3A_822 : i32 to index
    %get3A_824 = arith.constant 16 : index
    %get3A_825 = tpu.vector_load %arg9[%get3A_823, %get3A_824] {strides = array<i32>} : memref<8x32xf32, #tpu.memory_space<vmem>>, vector<16xf32>,
    %mul3A_826 = arith.constant 6.400000e+01 : f32
    %mul3A_827 = vector.broadcast %mul3A_826 : f32 to vector<16xf32>
    %mul3A_828 = arith.mulf %get3A_825, %mul3A_827 : vector<16xf32>
    %swap3A_829 = arith.constant 2 : i32
    %swap3A_830 = arith.index_cast %swap3A_829 : i32 to index
    %swap3A_831 = arith.constant 16 : index
    %swap3A_832 = tpu.vector_load %arg10[%swap3A_830, %swap3A_831] {strides = array<i32>} : memref<8x32xf32, #tpu.memory_space<vmem>>, vector<16xf32>,
    tpu.vector_store %arg10[%swap3A_830, %swap3A_831], %mul3A_828 {strides = array<i32>} : memref<8x32xf32, #tpu.memory_space<vmem>>, vector<16xf32>,
    %get3A_833 = arith.constant 3 : i32
    %get3A_834 = arith.index_cast %get3A_833 : i32 to index
    %get3A_835 = arith.constant 0 : index
    %get3A_836 = tpu.vector_load %arg9[%get3A_834, %get3A_835] {strides = array<i32>} : memref<8x32xf32, #tpu.memory_space<vmem>>, vector<16xf32>,
    %mul3A_837 = arith.constant 6.400000e+01 : f32
    %mul3A_838 = vector.broadcast %mul3A_837 : f32 to vector<16xf32>
    %mul3A_839 = arith.mulf %get3A_836, %mul3A_838 : vector<16xf32>
    %swap3A_840 = arith.constant 3 : i32
    %swap3A_841 = arith.index_cast %swap3A_840 : i32 to index
    %swap3A_842 = arith.constant 0 : index
    %swap3A_843 = tpu.vector_load %arg10[%swap3A_841, %swap3A_842] {strides = array<i32>} : memref<8x32xf32, #tpu.memory_space<vmem>>, vector<16xf32>,
    tpu.vector_store %arg10[%swap3A_841, %swap3A_842], %mul3A_839 {strides = array<i32>} : memref<8x32xf32, #tpu.memory_space<vmem>>, vector<16xf32>,
    %get3A_844 = arith.constant 3 : i32
    %get3A_845 = arith.index_cast %get3A_844 : i32 to index
    %get3A_846 = arith.constant 16 : index
    %get3A_847 = tpu.vector_load %arg9[%get3A_845, %get3A_846] {strides = array<i32>} : memref<8x32xf32, #tpu.memory_space<vmem>>, vector<16xf32>,
    %mul3A_848 = arith.constant 6.400000e+01 : f32
    %mul3A_849 = vector.broadcast %mul3A_848 : f32 to vector<16xf32>
    %mul3A_850 = arith.mulf %get3A_847, %mul3A_849 : vector<16xf32>
    %swap3A_851 = arith.constant 3 : i32
    %swap3A_852 = arith.index_cast %swap3A_851 : i32 to index
    %swap3A_853 = arith.constant 16 : index
    %swap3A_854 = tpu.vector_load %arg10[%swap3A_852, %swap3A_853] {strides = array<i32>} : memref<8x32xf32, #tpu.memory_space<vmem>>, vector<16xf32>,
    tpu.vector_store %arg10[%swap3A_852, %swap3A_853], %mul3A_850 {strides = array<i32>} : memref<8x32xf32, #tpu.memory_space<vmem>>, vector<16xf32>,
    %get3A_855 = arith.constant 4 : i32
    %get3A_856 = arith.index_cast %get3A_855 : i32 to index
    %get3A_857 = arith.constant 0 : index
    %get3A_858 = tpu.vector_load %arg9[%get3A_856, %get3A_857] {strides = array<i32>} : memref<8x32xf32, #tpu.memory_space<vmem>>, vector<16xf32>,
    %mul3A_859 = arith.constant 6.400000e+01 : f32
    %mul3A_860 = vector.broadcast %mul3A_859 : f32 to vector<16xf32>
    %mul3A_861 = arith.mulf %get3A_858, %mul3A_860 : vector<16xf32>
    %swap3A_862 = arith.constant 4 : i32
    %swap3A_863 = arith.index_cast %swap3A_862 : i32 to index
    %swap3A_864 = arith.constant 0 : index
    %swap3A_865 = tpu.vector_load %arg10[%swap3A_863, %swap3A_864] {strides = array<i32>} : memref<8x32xf32, #tpu.memory_space<vmem>>, vector<16xf32>,
    tpu.vector_store %arg10[%swap3A_863, %swap3A_864], %mul3A_861 {strides = array<i32>} : memref<8x32xf32, #tpu.memory_space<vmem>>, vector<16xf32>,
    %get3A_866 = arith.constant 4 : i32
    %get3A_867 = arith.index_cast %get3A_866 : i32 to index
    %get3A_868 = arith.constant 16 : index
    %get3A_869 = tpu.vector_load %arg9[%get3A_867, %get3A_868] {strides = array<i32>} : memref<8x32xf32, #tpu.memory_space<vmem>>, vector<16xf32>,
    %mul3A_870 = arith.constant 6.400000e+01 : f32
    %mul3A_871 = vector.broadcast %mul3A_870 : f32 to vector<16xf32>
    %mul3A_872 = arith.mulf %get3A_869, %mul3A_871 : vector<16xf32>
    %swap3A_873 = arith.constant 4 : i32
    %swap3A_874 = arith.index_cast %swap3A_873 : i32 to index
    %swap3A_875 = arith.constant 16 : index
    %swap3A_876 = tpu.vector_load %arg10[%swap3A_874, %swap3A_875] {strides = array<i32>} : memref<8x32xf32, #tpu.memory_space<vmem>>, vector<16xf32>,
    tpu.vector_store %arg10[%swap3A_874, %swap3A_875], %mul3A_872 {strides = array<i32>} : memref<8x32xf32, #tpu.memory_space<vmem>>, vector<16xf32>,
    %get3A_877 = arith.constant 5 : i32
    %get3A_878 = arith.index_cast %get3A_877 : i32 to index
    %get3A_879 = arith.constant 0 : index
    %get3A_880 = tpu.vector_load %arg9[%get3A_878, %get3A_879] {strides = array<i32>} : memref<8x32xf32, #tpu.memory_space<vmem>>, vector<16xf32>,
    %mul3A_881 = arith.constant 6.400000e+01 : f32
    %mul3A_882 = vector.broadcast %mul3A_881 : f32 to vector<16xf32>
    %mul3A_883 = arith.mulf %get3A_880, %mul3A_882 : vector<16xf32>
    %swap3A_884 = arith.constant 5 : i32
    %swap3A_885 = arith.index_cast %swap3A_884 : i32 to index
    %swap3A_886 = arith.constant 0 : index
    %swap3A_887 = tpu.vector_load %arg10[%swap3A_885, %swap3A_886] {strides = array<i32>} : memref<8x32xf32, #tpu.memory_space<vmem>>, vector<16xf32>,
    tpu.vector_store %arg10[%swap3A_885, %swap3A_886], %mul3A_883 {strides = array<i32>} : memref<8x32xf32, #tpu.memory_space<vmem>>, vector<16xf32>,
    %get3A_888 = arith.constant 5 : i32
    %get3A_889 = arith.index_cast %get3A_888 : i32 to index
    %get3A_890 = arith.constant 16 : index
    %get3A_891 = tpu.vector_load %arg9[%get3A_889, %get3A_890] {strides = array<i32>} : memref<8x32xf32, #tpu.memory_space<vmem>>, vector<16xf32>,
    %mul3A_892 = arith.constant 6.400000e+01 : f32
    %mul3A_893 = vector.broadcast %mul3A_892 : f32 to vector<16xf32>
    %mul3A_894 = arith.mulf %get3A_891, %mul3A_893 : vector<16xf32>
    %swap3A_895 = arith.constant 5 : i32
    %swap3A_896 = arith.index_cast %swap3A_895 : i32 to index
    %swap3A_897 = arith.constant 16 : index
    %swap3A_898 = tpu.vector_load %arg10[%swap3A_896, %swap3A_897] {strides = array<i32>} : memref<8x32xf32, #tpu.memory_space<vmem>>, vector<16xf32>,
    tpu.vector_store %arg10[%swap3A_896, %swap3A_897], %mul3A_894 {strides = array<i32>} : memref<8x32xf32, #tpu.memory_space<vmem>>, vector<16xf32>,
    %get3A_899 = arith.constant 6 : i32
    %get3A_900 = arith.index_cast %get3A_899 : i32 to index
    %get3A_901 = arith.constant 0 : index
    %get3A_902 = tpu.vector_load %arg9[%get3A_900, %get3A_901] {strides = array<i32>} : memref<8x32xf32, #tpu.memory_space<vmem>>, vector<16xf32>,
    %mul3A_903 = arith.constant 6.400000e+01 : f32
    %mul3A_904 = vector.broadcast %mul3A_903 : f32 to vector<16xf32>
    %mul3A_905 = arith.mulf %get3A_902, %mul3A_904 : vector<16xf32>
    %swap3A_906 = arith.constant 6 : i32
    %swap3A_907 = arith.index_cast %swap3A_906 : i32 to index
    %swap3A_908 = arith.constant 0 : index
    %swap3A_909 = tpu.vector_load %arg10[%swap3A_907, %swap3A_908] {strides = array<i32>} : memref<8x32xf32, #tpu.memory_space<vmem>>, vector<16xf32>,
    tpu.vector_store %arg10[%swap3A_907, %swap3A_908], %mul3A_905 {strides = array<i32>} : memref<8x32xf32, #tpu.memory_space<vmem>>, vector<16xf32>,
    %get3A_910 = arith.constant 6 : i32
    %get3A_911 = arith.index_cast %get3A_910 : i32 to index
    %get3A_912 = arith.constant 16 : index
    %get3A_913 = tpu.vector_load %arg9[%get3A_911, %get3A_912] {strides = array<i32>} : memref<8x32xf32, #tpu.memory_space<vmem>>, vector<16xf32>,
    %mul3A_914 = arith.constant 6.400000e+01 : f32
    %mul3A_915 = vector.broadcast %mul3A_914 : f32 to vector<16xf32>
    %mul3A_916 = arith.mulf %get3A_913, %mul3A_915 : vector<16xf32>
    %swap3A_917 = arith.constant 6 : i32
    %swap3A_918 = arith.index_cast %swap3A_917 : i32 to index
    %swap3A_919 = arith.constant 16 : index
    %swap3A_920 = tpu.vector_load %arg10[%swap3A_918, %swap3A_919] {strides = array<i32>} : memref<8x32xf32, #tpu.memory_space<vmem>>, vector<16xf32>,
    tpu.vector_store %arg10[%swap3A_918, %swap3A_919], %mul3A_916 {strides = array<i32>} : memref<8x32xf32, #tpu.memory_space<vmem>>, vector<16xf32>,
    %get3A_921 = arith.constant 7 : i32
    %get3A_922 = arith.index_cast %get3A_921 : i32 to index
    %get3A_923 = arith.constant 0 : index
    %get3A_924 = tpu.vector_load %arg9[%get3A_922, %get3A_923] {strides = array<i32>} : memref<8x32xf32, #tpu.memory_space<vmem>>, vector<16xf32>,
    %mul3A_925 = arith.constant 6.400000e+01 : f32
    %mul3A_926 = vector.broadcast %mul3A_925 : f32 to vector<16xf32>
    %mul3A_927 = arith.mulf %get3A_924, %mul3A_926 : vector<16xf32>
    %swap3A_928 = arith.constant 7 : i32
    %swap3A_929 = arith.index_cast %swap3A_928 : i32 to index
    %swap3A_930 = arith.constant 0 : index
    %swap3A_931 = tpu.vector_load %arg10[%swap3A_929, %swap3A_930] {strides = array<i32>} : memref<8x32xf32, #tpu.memory_space<vmem>>, vector<16xf32>,
    tpu.vector_store %arg10[%swap3A_929, %swap3A_930], %mul3A_927 {strides = array<i32>} : memref<8x32xf32, #tpu.memory_space<vmem>>, vector<16xf32>,
    %get3A_932 = arith.constant 7 : i32
    %get3A_933 = arith.index_cast %get3A_932 : i32 to index
    %get3A_934 = arith.constant 16 : index
    %get3A_935 = tpu.vector_load %arg9[%get3A_933, %get3A_934] {strides = array<i32>} : memref<8x32xf32, #tpu.memory_space<vmem>>, vector<16xf32>,
    %mul3A_936 = arith.constant 6.400000e+01 : f32
    %mul3A_937 = vector.broadcast %mul3A_936 : f32 to vector<16xf32>
    %mul3A_938 = arith.mulf %get3A_935, %mul3A_937 : vector<16xf32>
    %swap3A_939 = arith.constant 7 : i32
    %swap3A_940 = arith.index_cast %swap3A_939 : i32 to index
    %swap3A_941 = arith.constant 16 : index
    %swap3A_942 = tpu.vector_load %arg10[%swap3A_940, %swap3A_941] {strides = array<i32>} : memref<8x32xf32, #tpu.memory_space<vmem>>, vector<16xf32>,
    tpu.vector_store %arg10[%swap3A_940, %swap3A_941], %mul3A_938 {strides = array<i32>} : memref<8x32xf32, #tpu.memory_space<vmem>>, vector<16xf32>,
    %iota3A_943 = tpu.iota {dimensions = array<i32: 0>} : vector<16xi32>
    %min3A_944 = arith.constant 7 : i32
    %min3A_945 = vector.broadcast %min3A_944 : i32 to vector<16xi32>
    %min3A_946 = arith.minsi %iota3A_943, %min3A_945 : vector<16xi32>
    %add3A_947 = arith.constant 24 : i32
    %add3A_948 = vector.broadcast %add3A_947 : i32 to vector<16xi32>
    %add3A_949 = arith.addi %add3A_948, %min3A_946 : vector<16xi32>
    %gather3A_950 = tpu.vector_load_idx %arg11[%add3A_949] : memref<32xi32, #tpu.memory_space<vmem>>[vector<16xi32>], vector<16xi32>,
    %sub3A_951 = arith.constant 99968 : i32
    %sub3A_952 = vector.broadcast %sub3A_951 : i32 to vector<16xi32>
    %sub3A_953 = arith.subi %gather3A_950, %sub3A_952 : vector<16xi32>
    %ge3A_954 = arith.constant 0 : i32
    %ge3A_955 = vector.broadcast %ge3A_954 : i32 to vector<16xi32>
    %ge3A_956 = arith.cmpi sge, %sub3A_953, %ge3A_955 : vector<16xi32>
    %lt3A_957 = arith.constant 32 : i32
    %lt3A_958 = vector.broadcast %lt3A_957 : i32 to vector<16xi32>
    %lt3A_959 = arith.cmpi slt, %sub3A_953, %lt3A_958 : vector<16xi32>
    %and3A_960 = arith.andi %ge3A_956, %lt3A_959 : vector<16xi1>
    %lt3A_961 = arith.constant 8 : i32
    %lt3A_962 = vector.broadcast %lt3A_961 : i32 to vector<16xi32>
    %lt3A_963 = arith.cmpi slt, %iota3A_943, %lt3A_962 : vector<16xi32>
    %and3A_964 = arith.andi %and3A_960, %lt3A_963 : vector<16xi1>
    %jit3A_965 = arith.constant 0 : i32
    %broadcast_in_dim3A_966 = vector.broadcast %jit3A_965 : i32 to vector<16xi32>
    %select_n3A_967 = arith.select %and3A_964, %sub3A_953, %broadcast_in_dim3A_966 : vector<16xi1>, vector<16xi32>
    %gather3A_968 = tpu.vector_load_idx %arg9[%min3A_946, %select_n3A_967] : memref<8x32xf32, #tpu.memory_space<vmem>>[vector<16xi32>, vector<16xi32>], vector<16xf32>,
    %mul3A_969 = arith.mulf %gather3A_968, %gather3A_968 : vector<16xf32>
    %sub3A_970 = arith.constant 1.000000e+00 : f32
    %sub3A_971 = vector.broadcast %sub3A_970 : f32 to vector<16xf32>
    %sub3A_972 = arith.subf %sub3A_971, %mul3A_969 : vector<16xf32>
    %max3A_973 = arith.constant 9.99999968E-21 : f32
    %max3A_974 = vector.broadcast %max3A_973 : f32 to vector<16xf32>
    %max3A_975 = arith.maximumf %sub3A_972, %max3A_974 : vector<16xf32>
    %bitcast3A_976 = vector.bitcast %max3A_975 : vector<16xf32> to vector<16xi32>
    %shift_right_arithmetic3A_977 = arith.constant 1 : i32
    %shift_right_arithmetic3A_978 = vector.broadcast %shift_right_arithmetic3A_977 : i32 to vector<16xi32>
    %shift_right_arithmetic3A_979 = arith.shrsi %bitcast3A_976, %shift_right_arithmetic3A_978 : vector<16xi32>
    %add3A_980 = arith.constant 532487669 : i32
    %add3A_981 = vector.broadcast %add3A_980 : i32 to vector<16xi32>
    %add3A_982 = arith.addi %add3A_981, %shift_right_arithmetic3A_979 : vector<16xi32>
    %bitcast3A_983 = vector.bitcast %add3A_982 : vector<16xi32> to vector<16xf32>
    %div3A_984 = arith.divf %max3A_975, %bitcast3A_983 : vector<16xf32>
    %add3A_985 = arith.addf %bitcast3A_983, %div3A_984 : vector<16xf32>
    %mul3A_986 = arith.constant 5.000000e-01 : f32
    %mul3A_987 = vector.broadcast %mul3A_986 : f32 to vector<16xf32>
    %mul3A_988 = arith.mulf %mul3A_987, %add3A_985 : vector<16xf32>
    %div3A_989 = arith.divf %max3A_975, %mul3A_988 : vector<16xf32>
    %add3A_990 = arith.addf %mul3A_988, %div3A_989 : vector<16xf32>
    %mul3A_991 = arith.constant 5.000000e-01 : f32
    %mul3A_992 = vector.broadcast %mul3A_991 : f32 to vector<16xf32>
    %mul3A_993 = arith.mulf %mul3A_992, %add3A_990 : vector<16xf32>
    %div3A_994 = arith.divf %max3A_975, %mul3A_993 : vector<16xf32>
    %add3A_995 = arith.addf %mul3A_993, %div3A_994 : vector<16xf32>
    %mul3A_996 = arith.constant 5.000000e-01 : f32
    %mul3A_997 = vector.broadcast %mul3A_996 : f32 to vector<16xf32>
    %mul3A_998 = arith.mulf %mul3A_997, %add3A_995 : vector<16xf32>
    %mul3A_999 = arith.constant 0.87758255 : f32
    %mul3A_1000 = vector.broadcast %mul3A_999 : f32 to vector<16xf32>
    %mul3A_1001 = arith.mulf %gather3A_968, %mul3A_1000 : vector<16xf32>
    %mul3A_1002 = arith.constant 0.47942555 : f32
    %mul3A_1003 = vector.broadcast %mul3A_1002 : f32 to vector<16xf32>
    %mul3A_1004 = arith.mulf %mul3A_998, %mul3A_1003 : vector<16xf32>
    %sub3A_1005 = arith.subf %mul3A_1001, %mul3A_1004 : vector<16xf32>
    %gt3A_1006 = arith.constant -0.87758255 : f32
    %gt3A_1007 = vector.broadcast %gt3A_1006 : f32 to vector<16xf32>
    %gt3A_1008 = arith.cmpf ogt, %gather3A_968, %gt3A_1007 : vector<16xf32>
    %sub3A_1009 = arith.constant 0.239712775 : f32
    %sub3A_1010 = vector.broadcast %sub3A_1009 : f32 to vector<16xf32>
    %sub3A_1011 = arith.subf %gather3A_968, %sub3A_1010 : vector<16xf32>
    %select_n3A_1012 = arith.select %gt3A_1008, %sub3A_1005, %sub3A_1011 : vector<16xi1>, vector<16xf32>
    %mul3A_1013 = arith.constant 6.400000e+01 : f32
    %mul3A_1014 = vector.broadcast %mul3A_1013 : f32 to vector<16xf32>
    %mul3A_1015 = arith.mulf %select_n3A_1012, %mul3A_1014 : vector<16xf32>
    tpu.vector_store_idx %arg10[%min3A_946, %select_n3A_967], %mul3A_1015 masked %and3A_964 : memref<8x32xf32, #tpu.memory_space<vmem>>[vector<16xi32>, vector<16xi32>], vector<16xf32>, vector<16xi1>
    "tpu.region"() ({
      %run_scoped3A = tpu.sem_alloc : memref<!tpu.dma_semaphore, #tpu.memory_space<semaphore_mem>>
      %dma_start3A_1016 = arith.constant 99968 : i32
      %dma_start3A_1017 = tpu.memref_slice %arg4[%add3A_766, %dma_start3A_1016] : memref<1024x100000xf32, #tpu.memory_space<hbm>> -> memref<8x32xf32, #tpu.memory_space<hbm>>
      %dma_start3A_1018 = arith.constant 99968 : i32
      %dma_start3A_1019 = tpu.memref_slice %arg4[%add3A_766, %dma_start3A_1018] : memref<1024x100000xf32, #tpu.memory_space<hbm>> -> memref<8x32xf32, #tpu.memory_space<hbm>>
      tpu.enqueue_dma source(%arg10 : memref<8x32xf32, #tpu.memory_space<vmem>>) target(%dma_start3A_1019 : memref<8x32xf32, #tpu.memory_space<hbm>>) target_semaphore(%run_scoped3A : memref<!tpu.dma_semaphore, #tpu.memory_space<semaphore_mem>>)
      %dma_wait3A_1020 = arith.constant 99968 : i32
      %dma_wait3A_1021 = tpu.memref_slice %arg4[%add3A_766, %dma_wait3A_1020] : memref<1024x100000xf32, #tpu.memory_space<hbm>> -> memref<8x32xf32, #tpu.memory_space<hbm>>
      %dma_wait3A_1022 = arith.constant 99968 : i32
      %dma_wait3A_1023 = tpu.memref_slice %arg4[%add3A_766, %dma_wait3A_1022] : memref<1024x100000xf32, #tpu.memory_space<hbm>> -> memref<8x32xf32, #tpu.memory_space<hbm>>
      tpu.wait_dma2 semaphore(%run_scoped3A : memref<!tpu.dma_semaphore, #tpu.memory_space<semaphore_mem>>) src(%arg10 : memref<8x32xf32, #tpu.memory_space<vmem>>) dst(%dma_wait3A_1023 : memref<8x32xf32, #tpu.memory_space<hbm>>)
      tpu.yield
    }) : () -> ()
    return
  }
}

</mosaic_0001>

<sc_bundles>
// kernel: kernel.3.cloned.1.call-start
scs
__scs_entry_jumppad:
0x0: {  	(pc) =	sbr.rel $0x88, $3  }
0x1: {  	(tag) =	ssettag $0x0;
	lr =	simm.s32 $0x1  }
0x2: {  	[smem:$0x3F9F] =	sst lr;
	_ =	strace $0xD0000000  }
0x3: {  	_ = 	snop  }
0x4: {  	_ = 	snop  }
0x5: {  	_ = 	snop  }
0x6: {  	_ = 	snop  }
0x7: {  	_ = 	snop  }
__scs_overlays_trampoline_lowered:
0x8: {  	[smem:$0x3FAE] =	sst s0  }
0x9: {  	[smem:$0x3FAF] =	sst s1  }
0xa: {  	[smem:$0x3FB0] =	sst s2  }
0xb: {  	[smem:$0x3FB1] =	sst s3  }
0xc: {  	[smem:$0x3FB2] =	sst s4  }
0xd: {  	[smem:$0x3FB3] =	sst s5  }
0xe: {  	[smem:$0x3FB4] =	sst s6  }
0xf: {  	[smem:$0x3FB5] =	sst s7  }
0x10: {  	[smem:$0x3FB6] =	sst s8  }
0x11: {  	[smem:$0x3FB7] =	sst s9;
	s0 =	simm.s32 @!p0 $0x0  }
0x12: {  	s1 =	sld [smem:$0x3F9D];
	s0 =	simm.s32 @p0 $0x1  }
0x13: {  	[smem:$0x3FB8] =	sst s0;
	s0 =	simm.s32 @!p1 $0x0  }
0x14: {  	s2 =	sld [smem:$0x3F9C];
	s0 =	simm.s32 @p1 $0x1  }
0x15: {  	[smem:$0x3FB9] =	sst s0;
	s0 =	simm.s32 @!p2 $0x0  }
0x16: {  	s3 =	sld [smem:$0x3FDB];
	s0 =	simm.s32 @p2 $0x1  }
0x17: {  	s4 =	simm.s32 $0x1BF5;
	[smem:$0x3FBB] =	sst s0  }
0x18: {  	s0 =	sld [smem:$0x3F9E];
	_ =	swait.ge [sflag:s4], $0x0  }
0x19: {  	s7 =	sld [smem:$0x3F9F]  }
0x1a: {  	s8 =	sadd.s32 $0xFFFFE003, lr  }
0x1b: {  	s9 =	sadd.s32 $0xFFFFFEF7, lr;
	s5 =	simm.s32 $0xFFFFFFFF;
	p2 =	slt.u32 s8, $0xFFFFF086  }
0x1c: {  	p1 =	slt.u32 s9, $0xF7A;
	s5 =	simm.s32 @!p2 $0x0  }
0x1d: {  	s5 =	simm.s32 @p1 $0x1;
	p0 =	seq.s32 s7, s2  }
0x1e: {  	s7 =	smul.u32 @!p0 $0xF7A, s2;
	p2 =	seq.s32 @!p0 s5, $0x0  }
0x1f: {  	s9 =	smul.u32 $0xF7A, s1;
	s8 =	simm.s32 @!p0 $0x1BF5;
	p2 =	por !p2, p0  }
0x20: {  	[sflag:s8] =	ssyncset.s32 @!p0 $0xFFFFF086;
	s6 =	sadd.s32 @!p0 s3, s7;
	s7 =	simm.s32 @!p0 $0x108  }
0x21: {  	s3 =	sadd.s32 s3, s9;
	s6 =	sadd.s32 @!p0 $0x88, s6;
	s7 =	simm.s32 @p2 $0x1082  }
0x22: {  	[simem:s7], [sflag:s8] =	dma.local @!p0 [hbm:s6], $0xF7A  }
0x23: {  	s9 =	sor.u32 $0xD0000000, s2;
	s6 =	simm.s32 $0x108;
	_ =	swait.ge @!p0 [sflag:s8], $0x0  }
0x24: {  	s3 =	sadd.s32 $0x88, s3;
	s6 =	simm.s32 @!p1 $0x1082;
	[sflag:s4] =	ssyncset.s32 $0xFFFFF086  }
0x25: {  	[simem:s6], [sflag:s4] =	dma.local [hbm:s3], $0xF7A  }
0x26: {  	[smem:$0x3F9F] =	sst s1;
	(tag) =	ssettag s2;
	_ =	strace s9  }
0x27: {  	s1 =	sld [smem:$0x3FAF]  }
0x28: {  	s2 =	sld [smem:$0x3FB0]  }
0x29: {  	s4 =	sld [smem:$0x3FB2]  }
0x2a: {  	p0 =	seq.s32 s5, $0x0;
	s5 =	sld [smem:$0x3FB3]  }
0x2b: {  	s6 =	sld [smem:$0x3FB4]  }
0x2c: {  	s7 =	sld [smem:$0x3FB5]  }
0x2d: {  	s3 =	simm.s32 $0x108;
	s8 =	sld [smem:$0x3FB6]  }
0x2e: {  	s3 =	simm.s32 @!p0 $0x1082;
	s9 =	sld [smem:$0x3FB7]  }
0x2f: {  	lr =	sadd.s32 s0, s3;
	s0 =	sld [smem:$0x3FAE]  }
0x30: {  	s3 =	sld [smem:$0x3FB1]  }
0x31: {  	[smem:$0x3FBA] =	sst s10  }
0x32: {  	s10 =	sld [smem:$0x3FB8];
	_ =	sdelay $0x3  }
0x33: {  	p0 =	seq.s32 s10, $0x1;
	s10 =	sld [smem:$0x3FBA];
	_ =	sdelay $0x3  }
0x34: {  	[smem:$0x3FBA] =	sst s10  }
0x35: {  	s10 =	sld [smem:$0x3FB9];
	_ =	sdelay $0x3  }
0x36: {  	p1 =	seq.s32 s10, $0x1;
	s10 =	sld [smem:$0x3FBA];
	_ =	sdelay $0x3  }
0x37: {  	[smem:$0x3FBA] =	sst s10  }
0x38: {  	s10 =	sld [smem:$0x3FBB]  }
0x39: {  	_ = 	snop;
	(pc) =	sbr.ind lr, $3  }
0x3a: {  	_ = 	snop  }
0x3b: {  	_ = 	snop  }
0x3c: {  	p2 =	seq.s32 s10, $0x1;
	s10 =	sld [smem:$0x3FBA]  }
0x3d: {  	_ =	shalt  }
0x3e: {  	_ =	shalt  }
0x3f: {  	_ =	shalt  }
0x40: {  	_ =	shalt  }
0x41: {  	_ =	shalt  }
0x42: {  	_ =	shalt  }
0x43: {  	_ =	shalt  }
0x44: {  	_ =	shalt  }
0x45: {  	_ =	shalt  }
0x46: {  	_ =	shalt  }
0x47: {  	_ =	shalt  }
0x48: {  	_ =	shalt  }
0x49: {  	_ =	shalt  }
0x4a: {  	_ =	shalt  }
0x4b: {  	_ =	shalt  }
0x4c: {  	_ =	shalt  }
0x4d: {  	_ =	shalt  }
0x4e: {  	_ =	shalt  }
0x4f: {  	_ =	shalt  }
0x50: {  	_ =	shalt  }
0x51: {  	_ =	shalt  }
0x52: {  	_ =	shalt  }
0x53: {  	_ =	shalt  }
0x54: {  	_ =	shalt  }
0x55: {  	_ =	shalt  }
0x56: {  	_ =	shalt  }
0x57: {  	_ =	shalt  }
0x58: {  	_ =	shalt  }
0x59: {  	_ =	shalt  }
0x5a: {  	_ =	shalt  }
0x5b: {  	_ =	shalt  }
0x5c: {  	_ =	shalt  }
0x5d: {  	_ =	shalt  }
0x5e: {  	_ =	shalt  }
0x5f: {  	_ =	shalt  }
0x60: {  	_ =	shalt  }
0x61: {  	_ =	shalt  }
0x62: {  	_ =	shalt  }
0x63: {  	_ =	shalt  }
0x64: {  	_ =	shalt  }
0x65: {  	_ =	shalt  }
0x66: {  	_ =	shalt  }
0x67: {  	_ =	shalt  }
0x68: {  	_ =	shalt  }
0x69: {  	_ =	shalt  }
0x6a: {  	_ =	shalt  }
0x6b: {  	_ =	shalt  }
0x6c: {  	_ =	shalt  }
0x6d: {  	_ =	shalt  }
0x6e: {  	_ =	shalt  }
0x6f: {  	_ =	shalt  }
0x70: {  	_ =	shalt  }
0x71: {  	_ =	shalt  }
0x72: {  	_ =	shalt  }
0x73: {  	_ =	shalt  }
0x74: {  	_ =	shalt  }
0x75: {  	_ =	shalt  }
0x76: {  	_ =	shalt  }
0x77: {  	_ =	shalt  }
0x78: {  	_ =	shalt  }
0x79: {  	_ =	shalt  }
0x7a: {  	_ =	shalt  }
0x7b: {  	_ =	shalt  }
0x7c: {  	_ =	shalt  }
0x7d: {  	_ =	shalt  }
0x7e: {  	_ =	shalt  }
0x7f: {  	_ =	shalt  }
0x80: {  	_ =	shalt  }
0x81: {  	_ =	shalt  }
0x82: {  	_ =	shalt  }
0x83: {  	_ =	shalt  }
0x84: {  	_ =	shalt  }
0x85: {  	_ =	shalt  }
0x86: {  	_ =	shalt  }
0x87: {  	_ =	shalt  }
.Lfunc_end0:
.L_simem_size_0:
called_computation_lowered:
.L_overlay_start_0:
0x88: {  	s2 =	sld [smem:$0x3FD9]  }
0x89: {  	s3 =	sld [smem:$0x3FFE];
	_ =	sdelay $0x1  }
0x8a: {  	s1 =	srdreg.scid  }
0x8b: {  	s0 =	sand.u32 $0x1, s1  }
0x8c: {  	s17 =	sshll.u32 s0, $0xA;
	s2 =	sadd.s32 s3, s2  }
0x8d: {  	s2 =	sadd.s32 s2, s17  }
0x8e: {  	[smem:$0x3FC6] =	sst s2  }
0x8f: {  	_ = 	snop  }
0x90: {  	s2 =	sld [smem:$0x3FC8];
	(tm) =	ssettm $0x1  }
0x91: {  	s18 =	sld [smem:$0x3FFB];
	_ =	sdelay $0x3  }
0x92: {  	_ =	strace s18  }
0x93: {  	s3 =	sld [smem:$0x3FFC];
	_ =	sdelay $0x3  }
0x94: {  	_ =	strace s3  }
0x95: {  	s3 =	sld [smem:$0x3FFD];
	_ =	sdelay $0x3  }
0x96: {  	_ =	strace s3  }
0x97: {  	_ =	strace $0x8FFFFFFF  }
0x98: {  	s19 =	sld [smem:$0x3FDB];
	_ =	sdelay $0x1  }
0x99: {  	s4 =	simm.s32 $_scs_section_size  }
0x9a: {  	s5 =	simm.s32 $_size__tile_overlayer_lowered;
	s6 =	simm.s32 $_tile_overlayer_lowered  }
0x9b: {  	s22 =	simm.s32 $0x1BFF;
	s21 =	sshll.u32 s6, $0x1;
	s3 =	sadd.s32 s4, s19  }
0x9c: {  	s7 =	simm.s32 $0x0;
	s20 =	sshll.u32 s5, $0x1;
	s5 =	sadd.s32 s21, s3  }
0x9d: {  	[timem:s7], [sflag:s22] =	dma.local [hbm:s5], s20  }
0x9e: {  	_ =	swait.ge [sflag:s22], s20  }
0x9f: {  	s4 =	ssub.s32 $0x0, s20;
	[sflag:s22] =	ssyncset.done $0x0  }
0xa0: {  	[sflag:s22] =	ssyncadd.s32 s4;
	_ =	sdelay $0x1  }
0xa1: {  	s23 =	simm.s32 $0x1B8B  }
0xa2: {  	_ =	swait.ge [sflag:s23], $0x1  }
0xa3: {  	[sflag:s23] =	ssyncset.done $0x0  }
0xa4: {  	s25 =	simm.s32 $0x1B8E;
	s24 =	sld [smem:$0x3FFE];
	[sflag:s23] =	ssyncadd.s32 $0xFFFFFFFF  }
0xa5: {  	s26 =	simm.s32 $execute0_lowered;
	[smem:$0x3FD2] =	sst s25  }
0xa6: {  	s5 =	sshll.u32 s26, $0x1;
	_ =	strace $0x80000046;
	[dreg:$0x1] =	wrdreg $0xFFFFFFFF  }
0xa7: {  	s28 =	simm.s32 $_size_execute0_lowered;
	s3 =	sadd.s32 s3, s5;
	[dreg:$0x0] =	wrdreg $0x0  }
0xa8: {  	s5 =	sshll.u32 s28, $0x1;
	[dreg:$0x2] =	wrdreg s3  }
0xa9: {  	[dreg:$0x3] =	wrdreg s5  }
0xaa: {  	[dreg:$0x4] =	wrdreg $0xC0  }
0xab: {  	_ =	task [dreg:s7], $0x5FFFF  }
0xac: {  	[dreg:$0x1] =	wrdreg $0xFFFFFFFF  }
0xad: {  	[dreg:$0x0] =	wrdreg $0x60  }
0xae: {  	[dreg:$0x2] =	wrdreg s24  }
0xaf: {  	[dreg:$0x3] =	wrdreg s2  }
0xb0: {  	[dreg:$0x4] =	wrdreg $0x9  }
0xb1: {  	_ =	task.clear_ibuf [dreg:s7], $0x5FFFF;
	_ =	strace $0x90000046  }
0xb2: {  	s29 =	simm.s32 $0x9;
	_ =	strace $0x80000048  }
0xb3: {  	_ =	swait.ge [sflag:s29], $0x1  }
0xb4: {  	[sflag:s29] =	ssyncadd.s32 $0xFFFFFFFF  }
0xb5: {  	_ =	strace $0x90000048  }
0xb6: {  	_ =	sfence  }
0xb7: {  	s30 =	sld [smem:$0x0];
	_ =	sdelay $0x2  }
0xb8: {  	s31 =	sshll.u32 s1, $0xD;
	s1 =	sshrl.u32 s1, $0x2  }
0xb9: {  	s3 =	sand.u32 $0x4000, s31;
	s1 =	sadd.s32 s1, s30  }
0xba: {  	s0 =	sor.u32 s3, s0;
	s1 =	sshll.u32 s1, $0x11  }
0xbb: {  	s0 =	sor.u32 s1, s0  }
0xbc: {  	s0 =	sadd.s32 $0x8F2B, s0  }
0xbd: {  	[sflag:s0] =	ssyncadd.remote.s32 $0x1  }
0xbe: {  	_ =	sfence.sel $0xFFFF  }
0xbf: {  	[dreg:$0x0] =	wrdreg $0xFFFFFFFF;
	(pc) =	sbr.abs _section_cstart, $3  }
0xc0: {  	[dreg:$0x1] =	wrdreg $0xFFFFFFFF  }
0xc1: {  	_ =	task.clear_ibuf [dreg:s7], $0x2FFFF;
	_ =	strace $0x9FFFFFFF  }
0xc2: {  	(tm) =	ssettm $0x7FFFFFFF  }
0xc3: {  	_ =	shalt  }
tec
execute0_lowered:
.L_overlay_start_1:
0x0: {  	(tag) =	ssettag $0x1  }
0x1: {  	s0 =	srdreg.scid  }
0x2: {  	s1 =	rddreg [dreg:$0x0];
	s2 =	stileid.u32  }
0x3: {  	s4 =	rddreg [dreg:$0x1];
	s7 =	simm.s32 $0x0;
	s0 =	sand.u32 $0x1, s0  }
0x4: {  	s3 =	sshll.u32 s2, $0x3;
	[smem:$0x7FF] =	sst s7;
	s22 =	sadd.s32 $0x400, s1  }
0x5: {  	s8 =	sadd.s32 $0xC38400, s1;
	s5 =	sshll.u32 s0, $0x2;
	_ =	strace $0x80000047  }
0x6: {  	s0 =	ssub.s32 $0x2, s0;
	[dreg:$0x4] =	wrdreg s22;
	s3 =	sor.u32 s5, s3  }
0x7: {  	v0 =	vimm.s32 $0x380;
	[dreg:$0x5] =	wrdreg s8;
	s6 =	sshrl.u32 s0, $0x1;
	s5 =	smul.u32 $0xC3800, s3  }
0x8: {  	vm0 =	vcmask $0x300;
	v1 =	vimm.s32 $0x76543210;
	v4 =	vimm.s32 $0x17161514;
	s0 =	ssub.s32 s0, s6;
	s4 =	sadd.s32 s4, s3;
	[dreg:$0x3] =	wrdreg s3  }
0x9: {  	vm1 =	vcmask $0xF00;
	v0 =	vsel vm0, $0x0, v0;
	vm0 =	vcmask $0x704;
	[dreg:$0x7] =	wrdreg s4;
	s0 =	smax.u32 s0, $0x1;
	s5 =	sshrl.u32 s5, $0x3  }
0xa: {  	v1 =	vunpack.c.l.s4.s8 v1;
	v0 =	vsel vm0, $0x80, v0;
	vm0 =	vcmask $0xB08;
	[dreg:$0x11] =	wrdreg s0;
	s23 =	sadd.s32 s22, s5  }
0xb: {  	v6 =	vimm.s32 $0x1F1E1D1C;
	v0 =	vsel vm0, $0x100, v0;
	vm0 =	vcmask $0xF0C;
	s24 =	sadd.s32 $0x18680, s5;
	[dreg:$0x6] =	wrdreg s23;
	s1 =	sadd.s32 $0x580, s23  }
0xc: {  	v2 =	vunpack.c.0.s8.s32 v1;
	v0 =	vsel vm0, $0x180, v0;
	vm0 =	vcmask $0x1310;
	s26 =	sadd.s32 $0x30D80, s5;
	s25 =	sadd.s32 s22, s24;
	[dreg:$0x8] =	wrdreg s1  }
0xd: {  	v1 =	vimm.s32 $0xFEDCBA98;
	v0 =	vsel vm0, $0x200, v0;
	vm0 =	vcmask $0x1714;
	s29 =	sadd.s32 $0x49480, s5;
	s28 =	sadd.s32 s22, s26;
	[dreg:$0x9] =	wrdreg s25  }
0xe: {  	v3 =	vsel vm0, $0x280, v0;
	v0 =	vunpack.c.l.s4.s8 v1;
	v1 =	vimm.s32 $0x13121110;
	s31 =	sadd.s32 $0x61B80, s5;
	s30 =	sadd.s32 s22, s29;
	[dreg:$0xb] =	wrdreg s28  }
0xf: {  	vm2 =	vcmask $0x1F10;
	v6 =	vunpack.c.0.s8.s32 v6;
	v1 =	vunpack.c.0.s8.s32 v1;
	s2 =	sadd.s32 s22, s31;
	[dreg:$0xd] =	wrdreg s30  }
.Ltmp0:
0x10: {  	v5 =	vunpack.c.0.s8.s32 v0;
	v0 =	vunpack.c.0.s8.s32 v4;
	v4 =	vimm.s32 $0x1B1A1918;
	s1 =	sadd.s32 s8, s24;
	[dreg:$0xf] =	wrdreg s2;
	(pc) =	sbr.rel .LBB2_1-.Ltmp0, $4  }
0x11: {  	vm0 =	vcmask $0x1B18;
	v1 =	vnsel vm1, $0x17, v1;
	v4 =	vunpack.c.0.s8.s32 v4;
	[dreg:$0xa] =	wrdreg s1;
	s1 =	sadd.s32 s8, s26  }
0x12: {  	s4 =	simm.s32 $0xB800;
	v0 =	vsel vm2, v0, v1;
	v1 =	vsel vm0, $0x300, v3;
	vm0 =	vcmask $0x1F00;
	[dreg:$0xc] =	wrdreg s1;
	s1 =	sadd.s32 s8, s29  }
0x13: {  	s5 =	simm.s32 $0x2C00;
	v3 =	vand.u32 $0xF, v5;
	v4 =	vnsel vm1, $0x1F, v4;
	v2 =	vnsel vm0, $0x7, v2;
	[dreg:$0xe] =	wrdreg s1;
	s1 =	sadd.s32 s8, s31  }
0x14: {  	s2 =	simm.s32 $0x0;
	v3 =	vnsel vm0, $0xF, v3;
	vm0 =	vmmov $0xff;
	v4 =	vsel vm2, v6, v4;
	[dreg:$0x10] =	wrdreg s1;
	s1 =	simm.s32 $0x5  }
.LBB2_8:
0x15: {  	s0 =	simm.s32 $0x3  }
0x16: {  	_ =	swait.ge [sflag:s0], $0x2C00  }
0x17: {  	[sflag:s0] =	ssyncset.done $0x0  }
0x18: {  	s20 =	simm.s32 $0x4;
	[sflag:s0] =	ssyncadd.s32 $0xFFFFD400  }
0x19: {  	_ =	swait.ge [sflag:s20], $0x2C00  }
0x1a: {  	s2 =	simm.s32 $0xB000;
	[sflag:s20] =	ssyncset.done $0x0  }
0x1b: {  	s1 =	simm.s32 $0x5;
	s21 =	rddreg [dreg:$0x9];
	[sflag:s20] =	ssyncadd.s32 $0xFFFFD400  }
0x1c: {  	[tilespmem:s2], [sflag:$0x5] =	stream.linear.gather [hbm4b:s21+s7], $0x400, $0x38;
	[tilespmem:$0xB880] =	vst v63  }
0x1d: {  	_ =	swait.ge [sflag:s1], $0x400  }
0x1e: {  	[sflag:s1] =	ssyncset.done $0x0  }
0x1f: {  	[sflag:s1] =	ssyncadd.s32 $0xFFFFFC00  }
0x20: {  	v5 =	vld [tilespmem:$0xB000]  }
0x21: {  	v6 =	vld [tilespmem:$0xB010]  }
0x22: {  	v7 =	vld [tilespmem:$0xB080]  }
0x23: {  	v8 =	vld [tilespmem:$0xB090]  }
0x24: {  	v9 =	vld [tilespmem:$0xB100]  }
0x25: {  	v10 =	vld [tilespmem:$0xB110];
	v5 =	vmul.f32 $6.400000000e+01, v5  }
0x26: {  	v11 =	vld [tilespmem:$0xB180];
	v6 =	vmul.f32 $6.400000000e+01, v6  }
0x27: {  	[tilespmem:$0xB400] =	vst v5;
	v5 =	vmul.f32 $6.400000000e+01, v7;
	v7 =	vld [tilespmem:$0xB190]  }
0x28: {  	v52 =	vld [tilespmem:$0xB200];
	[tilespmem:$0xB410] =	vst v6;
	v6 =	vmul.f32 $6.400000000e+01, v8  }
0x29: {  	v53 =	vld [tilespmem:$0xB210];
	[tilespmem:$0xB480] =	vst v5;
	v5 =	vmul.f32 $6.400000000e+01, v9  }
0x2a: {  	v54 =	vld [tilespmem:$0xB280];
	[tilespmem:$0xB490] =	vst v6;
	v6 =	vmul.f32 $6.400000000e+01, v10  }
0x2b: {  	v55 =	vld [tilespmem:$0xB290];
	[tilespmem:$0xB500] =	vst v5;
	v5 =	vmul.f32 $6.400000000e+01, v11  }
0x2c: {  	[tilespmem:$0xB510] =	vst v6;
	v6 =	vmul.f32 $6.400000000e+01, v7;
	v7 =	vld [tilespmem:$0xB300]  }
0x2d: {  	v56 =	vld [tilespmem:$0xB310];
	[tilespmem:$0xB580] =	vst v5;
	v5 =	vmul.f32 $6.400000000e+01, v52  }
0x2e: {  	v57 =	vld [tilespmem:$0xB380];
	[tilespmem:$0xB590] =	vst v6;
	v6 =	vmul.f32 $6.400000000e+01, v53  }
0x2f: {  	v58 =	vld [tilespmem:$0xB390];
	[tilespmem:$0xB600] =	vst v5;
	v5 =	vmul.f32 $6.400000000e+01, v54  }
0x30: {  	[tilespmem:$0xB610] =	vst v6;
	v6 =	vmul.f32 $6.400000000e+01, v55  }
0x31: {  	[tilespmem:$0xB680] =	vst v5;
	v5 =	vmul.f32 $6.400000000e+01, v7  }
0x32: {  	[tilespmem:$0xB690] =	vst v6;
	v6 =	vmul.f32 $6.400000000e+01, v56  }
0x33: {  	[tilespmem:$0xB700] =	vst v5;
	v5 =	vmul.f32 $6.400000000e+01, v57  }
0x34: {  	[tilespmem:$0xB710] =	vst v6;
	v6 =	vmul.f32 $6.400000000e+01, v58  }
0x35: {  	[tilespmem:$0xB780] =	vst v5  }
0x36: {  	[tilespmem:$0xB790] =	vst v6  }
0x37: {  	v5 =	vld.idx.msk [tilespmem:v2+s4+$0x0], $0xffff;
	_ =	sdelay $0x4  }
0x38: {  	v6 =	vand.u32 $0xFFFFFFE0, v5  }
0x39: {  	vm1 =	veq.s32 v6, $0x18680  }
0x3a: {  	v5 =	vadd.s32 $0xFFFE7980, v5;
	vm1 =	vmand vm1, vm0  }
0x3b: {  	v5 =	vnsel vm1, $0x0, v5  }
0x3c: {  	v5 =	vadd.s32 v1, v5;
	_ =	sdelay $0x4  }
0x3d: {  	v6 =	vld.idx.msk [tilespmem:v5+s2+$0x0], $0xffff;
	_ =	sdelay $0x4  }
0x3e: {  	v7 =	vmul.f32 v6, v6;
	_ =	sdelay $0x1  }
0x3f: {  	v7 =	vsub.f32 $1.000000000e+00, v7;
	_ =	sdelay $0x1  }
0x40: {  	v7 =	vmax.f32 v7, $9.999999680e-21  }
0x41: {  	v59 =	vshra.s32 v7, $0x1  }
0x42: {  	v8 =	vadd.s32 $0x1FBD1DF5, v59  }
0x43: {  	(erf) = vrcp.f32 v8;
	_ =	sdelay $0x8  }
0x44: {  	v60 =	vpop (erf)  }
0x45: {  	v9 =	vmul.f32 v60, v7;
	_ =	sdelay $0x1  }
0x46: {  	v8 =	vadd.f32 v8, v9;
	_ =	sdelay $0x1  }
0x47: {  	v8 =	vmul.f32 $5.000000000e-01, v8;
	_ =	sdelay $0x1  }
0x48: {  	(erf) = vrcp.f32 v8;
	_ =	sdelay $0x8  }
0x49: {  	v61 =	vpop (erf)  }
0x4a: {  	v9 =	vmul.f32 v61, v7;
	_ =	sdelay $0x1  }
0x4b: {  	v8 =	vadd.f32 v9, v8;
	_ =	sdelay $0x1  }
0x4c: {  	v8 =	vmul.f32 $5.000000000e-01, v8;
	_ =	sdelay $0x1  }
0x4d: {  	(erf) = vrcp.f32 v8;
	_ =	sdelay $0x8  }
0x4e: {  	v62 =	vpop (erf)  }
0x4f: {  	v7 =	vmul.f32 v62, v7;
	_ =	sdelay $0x1  }
0x50: {  	v7 =	vadd.f32 v7, v8;
	_ =	sdelay $0x1  }
0x51: {  	v7 =	vmul.f32 $5.000000000e-01, v7;
	_ =	sdelay $0x1  }
0x52: {  	v63 =	vmul.f32 $8.775825500e-01, v6;
	v7 =	vmul.f32 $4.794255500e-01, v7;
	_ =	sdelay $0x1  }
0x53: {  	v12 =	vadd.f32 $-2.397127750e-01, v6;
	v7 =	vsub.f32 v63, v7  }
0x54: {  	vm2 =	vgt.f32 v6, $-8.775825500e-01  }
0x55: {  	v6 =	vsel vm2, v7, v12  }
0x56: {  	v6 =	vmul.f32 $6.400000000e+01, v6  }
0x57: {  	s6 =	simm.s32 $0xB400  }
0x58: {  	s22 =	rddreg [dreg:$0xa];
	[tilespmem:v5+s6+$0x0] =	vst.idx.msk vm1, v6  }
0x59: {  	[hbm4b:s22+s7] =	stream.linear.scatter [tilespmem:s6], [sflag:$0x5], $0x400, $0x38;
	[tilespmem:$0xB880] =	vst v63  }
0x5a: {  	_ =	swait.ge [sflag:s1], $0x400  }
0x5b: {  	[sflag:s1] =	ssyncset.done $0x0  }
0x5c: {  	s23 =	rddreg [dreg:$0xb];
	[sflag:s1] =	ssyncadd.s32 $0xFFFFFC00  }
0x5d: {  	[tilespmem:s2], [sflag:$0x5] =	stream.linear.gather [hbm4b:s23+s7], $0x400, $0x38;
	[tilespmem:$0xB880] =	vst v63  }
0x5e: {  	_ =	swait.ge [sflag:s1], $0x400  }
0x5f: {  	[sflag:s1] =	ssyncset.done $0x0  }
0x60: {  	[sflag:s1] =	ssyncadd.s32 $0xFFFFFC00  }
0x61: {  	v5 =	vld [tilespmem:$0xB000]  }
0x62: {  	v6 =	vld [tilespmem:$0xB010]  }
0x63: {  	v7 =	vld [tilespmem:$0xB080]  }
0x64: {  	v13 =	vld [tilespmem:$0xB090]  }
0x65: {  	v14 =	vld [tilespmem:$0xB100]  }
0x66: {  	v15 =	vld [tilespmem:$0xB110];
	v5 =	vmul.f32 $6.400000000e+01, v5  }
0x67: {  	v16 =	vld [tilespmem:$0xB180];
	v6 =	vmul.f32 $6.400000000e+01, v6  }
0x68: {  	[tilespmem:$0xB400] =	vst v5;
	v5 =	vmul.f32 $6.400000000e+01, v7;
	v7 =	vld [tilespmem:$0xB190]  }
0x69: {  	v17 =	vld [tilespmem:$0xB200];
	[tilespmem:$0xB410] =	vst v6;
	v6 =	vmul.f32 $6.400000000e+01, v13  }
0x6a: {  	v18 =	vld [tilespmem:$0xB210];
	[tilespmem:$0xB480] =	vst v5;
	v5 =	vmul.f32 $6.400000000e+01, v14  }
0x6b: {  	v19 =	vld [tilespmem:$0xB280];
	[tilespmem:$0xB490] =	vst v6;
	v6 =	vmul.f32 $6.400000000e+01, v15  }
0x6c: {  	v20 =	vld [tilespmem:$0xB290];
	[tilespmem:$0xB500] =	vst v5;
	v5 =	vmul.f32 $6.400000000e+01, v16  }
0x6d: {  	[tilespmem:$0xB510] =	vst v6;
	v6 =	vmul.f32 $6.400000000e+01, v7;
	v7 =	vld [tilespmem:$0xB300]  }
0x6e: {  	v21 =	vld [tilespmem:$0xB310];
	[tilespmem:$0xB580] =	vst v5;
	v5 =	vmul.f32 $6.400000000e+01, v17  }
0x6f: {  	v22 =	vld [tilespmem:$0xB380];
	[tilespmem:$0xB590] =	vst v6;
	v6 =	vmul.f32 $6.400000000e+01, v18  }
0x70: {  	v23 =	vld [tilespmem:$0xB390];
	[tilespmem:$0xB600] =	vst v5;
	v5 =	vmul.f32 $6.400000000e+01, v19  }
0x71: {  	[tilespmem:$0xB610] =	vst v6;
	v6 =	vmul.f32 $6.400000000e+01, v20  }
0x72: {  	[tilespmem:$0xB680] =	vst v5;
	v5 =	vmul.f32 $6.400000000e+01, v7  }
0x73: {  	[tilespmem:$0xB690] =	vst v6;
	v6 =	vmul.f32 $6.400000000e+01, v21  }
0x74: {  	[tilespmem:$0xB700] =	vst v5;
	v5 =	vmul.f32 $6.400000000e+01, v22  }
0x75: {  	[tilespmem:$0xB710] =	vst v6;
	v6 =	vmul.f32 $6.400000000e+01, v23  }
0x76: {  	[tilespmem:$0xB780] =	vst v5  }
0x77: {  	[tilespmem:$0xB790] =	vst v6  }
0x78: {  	v5 =	vld.idx.msk [tilespmem:v3+s4+$0x0], $0xffff;
	_ =	sdelay $0x4  }
0x79: {  	v6 =	vand.u32 $0xFFFFFFE0, v5  }
0x7a: {  	vm1 =	veq.s32 v6, $0x18680  }
0x7b: {  	v5 =	vadd.s32 $0xFFFE7980, v5;
	vm1 =	vmand vm1, vm0  }
0x7c: {  	v5 =	vnsel vm1, $0x0, v5  }
0x7d: {  	v5 =	vadd.s32 v1, v5;
	_ =	sdelay $0x4  }
0x7e: {  	v6 =	vld.idx.msk [tilespmem:v5+s2+$0x0], $0xffff;
	_ =	sdelay $0x4  }
0x7f: {  	v7 =	vmul.f32 v6, v6;
	_ =	sdelay $0x1  }
0x80: {  	v7 =	vsub.f32 $1.000000000e+00, v7;
	_ =	sdelay $0x1  }
0x81: {  	v7 =	vmax.f32 v7, $9.999999680e-21  }
0x82: {  	v24 =	vshra.s32 v7, $0x1  }
0x83: {  	v8 =	vadd.s32 $0x1FBD1DF5, v24  }
0x84: {  	(erf) = vrcp.f32 v8;
	_ =	sdelay $0x8  }
0x85: {  	v25 =	vpop (erf)  }
0x86: {  	v9 =	vmul.f32 v25, v7;
	_ =	sdelay $0x1  }
0x87: {  	v8 =	vadd.f32 v8, v9;
	_ =	sdelay $0x1  }
0x88: {  	v8 =	vmul.f32 $5.000000000e-01, v8;
	_ =	sdelay $0x1  }
0x89: {  	(erf) = vrcp.f32 v8;
	_ =	sdelay $0x8  }
0x8a: {  	v26 =	vpop (erf)  }
0x8b: {  	v9 =	vmul.f32 v26, v7;
	_ =	sdelay $0x1  }
0x8c: {  	v8 =	vadd.f32 v9, v8;
	_ =	sdelay $0x1  }
0x8d: {  	v8 =	vmul.f32 $5.000000000e-01, v8;
	_ =	sdelay $0x1  }
0x8e: {  	(erf) = vrcp.f32 v8;
	_ =	sdelay $0x8  }
0x8f: {  	v27 =	vpop (erf)  }
0x90: {  	v7 =	vmul.f32 v27, v7;
	_ =	sdelay $0x1  }
0x91: {  	v7 =	vadd.f32 v7, v8;
	_ =	sdelay $0x1  }
0x92: {  	v7 =	vmul.f32 $5.000000000e-01, v7;
	_ =	sdelay $0x1  }
0x93: {  	v28 =	vmul.f32 $8.775825500e-01, v6;
	v7 =	vmul.f32 $4.794255500e-01, v7;
	_ =	sdelay $0x1  }
0x94: {  	v29 =	vadd.f32 $-2.397127750e-01, v6;
	v7 =	vsub.f32 v28, v7  }
0x95: {  	vm2 =	vgt.f32 v6, $-8.775825500e-01  }
0x96: {  	v6 =	vsel vm2, v7, v29  }
0x97: {  	v6 =	vmul.f32 $6.400000000e+01, v6;
	_ =	sdelay $0x1  }
0x98: {  	s24 =	rddreg [dreg:$0xc];
	[tilespmem:v5+s6+$0x0] =	vst.idx.msk vm1, v6  }
0x99: {  	[hbm4b:s24+s7] =	stream.linear.scatter [tilespmem:s6], [sflag:$0x5], $0x400, $0x38;
	[tilespmem:$0xB880] =	vst v63  }
0x9a: {  	_ =	swait.ge [sflag:s1], $0x400  }
0x9b: {  	[sflag:s1] =	ssyncset.done $0x0  }
0x9c: {  	s25 =	rddreg [dreg:$0xd];
	[sflag:s1] =	ssyncadd.s32 $0xFFFFFC00  }
0x9d: {  	[tilespmem:s2], [sflag:$0x5] =	stream.linear.gather [hbm4b:s25+s7], $0x400, $0x38;
	[tilespmem:$0xB880] =	vst v63  }
0x9e: {  	_ =	swait.ge [sflag:s1], $0x400  }
0x9f: {  	[sflag:s1] =	ssyncset.done $0x0  }
0xa0: {  	[sflag:s1] =	ssyncadd.s32 $0xFFFFFC00  }
0xa1: {  	v5 =	vld [tilespmem:$0xB000]  }
0xa2: {  	v6 =	vld [tilespmem:$0xB010]  }
0xa3: {  	v7 =	vld [tilespmem:$0xB080]  }
0xa4: {  	v30 =	vld [tilespmem:$0xB090]  }
0xa5: {  	v31 =	vld [tilespmem:$0xB100]  }
0xa6: {  	v32 =	vld [tilespmem:$0xB110];
	v5 =	vmul.f32 $6.400000000e+01, v5  }
0xa7: {  	v33 =	vld [tilespmem:$0xB180];
	v6 =	vmul.f32 $6.400000000e+01, v6  }
0xa8: {  	[tilespmem:$0xB400] =	vst v5;
	v5 =	vmul.f32 $6.400000000e+01, v7;
	v7 =	vld [tilespmem:$0xB190]  }
0xa9: {  	v34 =	vld [tilespmem:$0xB200];
	[tilespmem:$0xB410] =	vst v6;
	v6 =	vmul.f32 $6.400000000e+01, v30  }
0xaa: {  	v35 =	vld [tilespmem:$0xB210];
	[tilespmem:$0xB480] =	vst v5;
	v5 =	vmul.f32 $6.400000000e+01, v31  }
0xab: {  	v36 =	vld [tilespmem:$0xB280];
	[tilespmem:$0xB490] =	vst v6;
	v6 =	vmul.f32 $6.400000000e+01, v32  }
0xac: {  	v37 =	vld [tilespmem:$0xB290];
	[tilespmem:$0xB500] =	vst v5;
	v5 =	vmul.f32 $6.400000000e+01, v33  }
0xad: {  	[tilespmem:$0xB510] =	vst v6;
	v6 =	vmul.f32 $6.400000000e+01, v7;
	v7 =	vld [tilespmem:$0xB300]  }
0xae: {  	v38 =	vld [tilespmem:$0xB310];
	[tilespmem:$0xB580] =	vst v5;
	v5 =	vmul.f32 $6.400000000e+01, v34  }
0xaf: {  	v39 =	vld [tilespmem:$0xB380];
	[tilespmem:$0xB590] =	vst v6;
	v6 =	vmul.f32 $6.400000000e+01, v35  }
0xb0: {  	v40 =	vld [tilespmem:$0xB390];
	[tilespmem:$0xB600] =	vst v5;
	v5 =	vmul.f32 $6.400000000e+01, v36  }
0xb1: {  	[tilespmem:$0xB610] =	vst v6;
	v6 =	vmul.f32 $6.400000000e+01, v37  }
0xb2: {  	[tilespmem:$0xB680] =	vst v5;
	v5 =	vmul.f32 $6.400000000e+01, v7  }
0xb3: {  	[tilespmem:$0xB690] =	vst v6;
	v6 =	vmul.f32 $6.400000000e+01, v38  }
0xb4: {  	[tilespmem:$0xB700] =	vst v5;
	v5 =	vmul.f32 $6.400000000e+01, v39  }
0xb5: {  	[tilespmem:$0xB710] =	vst v6;
	v6 =	vmul.f32 $6.400000000e+01, v40  }
0xb6: {  	[tilespmem:$0xB780] =	vst v5  }
0xb7: {  	[tilespmem:$0xB790] =	vst v6  }
0xb8: {  	v5 =	vld.idx.msk [tilespmem:v0+s4+$0x0], $0xffff;
	_ =	sdelay $0x4  }
0xb9: {  	v6 =	vand.u32 $0xFFFFFFE0, v5  }
0xba: {  	vm1 =	veq.s32 v6, $0x18680  }
0xbb: {  	v5 =	vadd.s32 $0xFFFE7980, v5;
	vm1 =	vmand vm1, vm0  }
0xbc: {  	v5 =	vnsel vm1, $0x0, v5  }
0xbd: {  	v5 =	vadd.s32 v1, v5;
	_ =	sdelay $0x4  }
0xbe: {  	v6 =	vld.idx.msk [tilespmem:v5+s2+$0x0], $0xffff;
	_ =	sdelay $0x4  }
0xbf: {  	v7 =	vmul.f32 v6, v6;
	_ =	sdelay $0x1  }
0xc0: {  	v7 =	vsub.f32 $1.000000000e+00, v7;
	_ =	sdelay $0x1  }
0xc1: {  	v7 =	vmax.f32 v7, $9.999999680e-21  }
0xc2: {  	v41 =	vshra.s32 v7, $0x1  }
0xc3: {  	v8 =	vadd.s32 $0x1FBD1DF5, v41  }
0xc4: {  	(erf) = vrcp.f32 v8;
	_ =	sdelay $0x8  }
0xc5: {  	v42 =	vpop (erf)  }
0xc6: {  	v9 =	vmul.f32 v42, v7;
	_ =	sdelay $0x1  }
0xc7: {  	v8 =	vadd.f32 v8, v9;
	_ =	sdelay $0x1  }
0xc8: {  	v8 =	vmul.f32 $5.000000000e-01, v8;
	_ =	sdelay $0x1  }
0xc9: {  	(erf) = vrcp.f32 v8;
	_ =	sdelay $0x8  }
0xca: {  	v43 =	vpop (erf)  }
0xcb: {  	v9 =	vmul.f32 v43, v7;
	_ =	sdelay $0x1  }
0xcc: {  	v8 =	vadd.f32 v9, v8;
	_ =	sdelay $0x1  }
0xcd: {  	v8 =	vmul.f32 $5.000000000e-01, v8;
	_ =	sdelay $0x1  }
0xce: {  	(erf) = vrcp.f32 v8;
	_ =	sdelay $0x8  }
0xcf: {  	v44 =	vpop (erf)  }
0xd0: {  	v7 =	vmul.f32 v44, v7;
	_ =	sdelay $0x1  }
0xd1: {  	v7 =	vadd.f32 v7, v8;
	_ =	sdelay $0x1  }
0xd2: {  	v7 =	vmul.f32 $5.000000000e-01, v7;
	_ =	sdelay $0x1  }
0xd3: {  	v45 =	vmul.f32 $8.775825500e-01, v6;
	v7 =	vmul.f32 $4.794255500e-01, v7;
	_ =	sdelay $0x1  }
0xd4: {  	v46 =	vadd.f32 $-2.397127750e-01, v6;
	v7 =	vsub.f32 v45, v7  }
0xd5: {  	vm2 =	vgt.f32 v6, $-8.775825500e-01  }
0xd6: {  	v6 =	vsel vm2, v7, v46  }
0xd7: {  	v6 =	vmul.f32 $6.400000000e+01, v6;
	_ =	sdelay $0x1  }
0xd8: {  	s26 =	rddreg [dreg:$0xe];
	[tilespmem:v5+s6+$0x0] =	vst.idx.msk vm1, v6  }
0xd9: {  	[hbm4b:s26+s7] =	stream.linear.scatter [tilespmem:s6], [sflag:$0x5], $0x400, $0x38;
	[tilespmem:$0xB880] =	vst v63  }
0xda: {  	_ =	swait.ge [sflag:s1], $0x400  }
0xdb: {  	[sflag:s1] =	ssyncset.done $0x0  }
0xdc: {  	s28 =	rddreg [dreg:$0xf];
	[sflag:s1] =	ssyncadd.s32 $0xFFFFFC00  }
0xdd: {  	[tilespmem:s2], [sflag:$0x5] =	stream.linear.gather [hbm4b:s28+s7], $0x400, $0x38;
	[tilespmem:$0xB880] =	vst v63  }
0xde: {  	_ =	swait.ge [sflag:s1], $0x400  }
0xdf: {  	[sflag:s1] =	ssyncset.done $0x0  }
0xe0: {  	[sflag:s1] =	ssyncadd.s32 $0xFFFFFC00  }
0xe1: {  	v5 =	vld [tilespmem:$0xB000]  }
0xe2: {  	v6 =	vld [tilespmem:$0xB010]  }
0xe3: {  	v7 =	vld [tilespmem:$0xB080]  }
0xe4: {  	v47 =	vld [tilespmem:$0xB090]  }
0xe5: {  	v48 =	vld [tilespmem:$0xB100]  }
0xe6: {  	v49 =	vld [tilespmem:$0xB110];
	v5 =	vmul.f32 $6.400000000e+01, v5  }
0xe7: {  	v50 =	vld [tilespmem:$0xB180];
	v6 =	vmul.f32 $6.400000000e+01, v6  }
0xe8: {  	[tilespmem:$0xB400] =	vst v5;
	v5 =	vmul.f32 $6.400000000e+01, v7;
	v7 =	vld [tilespmem:$0xB190]  }
0xe9: {  	v51 =	vld [tilespmem:$0xB200];
	[tilespmem:$0xB410] =	vst v6;
	v6 =	vmul.f32 $6.400000000e+01, v47  }
0xea: {  	v52 =	vld [tilespmem:$0xB210];
	[tilespmem:$0xB480] =	vst v5;
	v5 =	vmul.f32 $6.400000000e+01, v48  }
0xeb: {  	v53 =	vld [tilespmem:$0xB280];
	[tilespmem:$0xB490] =	vst v6;
	v6 =	vmul.f32 $6.400000000e+01, v49  }
0xec: {  	v54 =	vld [tilespmem:$0xB290];
	[tilespmem:$0xB500] =	vst v5;
	v5 =	vmul.f32 $6.400000000e+01, v50  }
0xed: {  	[tilespmem:$0xB510] =	vst v6;
	v6 =	vmul.f32 $6.400000000e+01, v7;
	v7 =	vld [tilespmem:$0xB300]  }
0xee: {  	v55 =	vld [tilespmem:$0xB310];
	[tilespmem:$0xB580] =	vst v5;
	v5 =	vmul.f32 $6.400000000e+01, v51  }
0xef: {  	v56 =	vld [tilespmem:$0xB380];
	[tilespmem:$0xB590] =	vst v6;
	v6 =	vmul.f32 $6.400000000e+01, v52  }
0xf0: {  	v57 =	vld [tilespmem:$0xB390];
	[tilespmem:$0xB600] =	vst v5;
	v5 =	vmul.f32 $6.400000000e+01, v53  }
0xf1: {  	[tilespmem:$0xB610] =	vst v6;
	v6 =	vmul.f32 $6.400000000e+01, v54  }
0xf2: {  	[tilespmem:$0xB680] =	vst v5;
	v5 =	vmul.f32 $6.400000000e+01, v7  }
0xf3: {  	[tilespmem:$0xB690] =	vst v6;
	v6 =	vmul.f32 $6.400000000e+01, v55  }
0xf4: {  	[tilespmem:$0xB700] =	vst v5;
	v5 =	vmul.f32 $6.400000000e+01, v56  }
0xf5: {  	[tilespmem:$0xB710] =	vst v6;
	v6 =	vmul.f32 $6.400000000e+01, v57  }
0xf6: {  	[tilespmem:$0xB780] =	vst v5  }
0xf7: {  	[tilespmem:$0xB790] =	vst v6  }
0xf8: {  	v5 =	vld.idx.msk [tilespmem:v4+s4+$0x0], $0xffff;
	_ =	sdelay $0x4  }
0xf9: {  	v6 =	vand.u32 $0xFFFFFFE0, v5  }
0xfa: {  	vm1 =	veq.s32 v6, $0x18680  }
0xfb: {  	v5 =	vadd.s32 $0xFFFE7980, v5;
	vm1 =	vmand vm1, vm0  }
0xfc: {  	v5 =	vnsel vm1, $0x0, v5  }
0xfd: {  	v5 =	vadd.s32 v1, v5;
	_ =	sdelay $0x4  }
0xfe: {  	v6 =	vld.idx.msk [tilespmem:v5+s2+$0x0], $0xffff;
	_ =	sdelay $0x4  }
0xff: {  	v7 =	vmul.f32 v6, v6;
	_ =	sdelay $0x1  }
0x100: {  	v7 =	vsub.f32 $1.000000000e+00, v7;
	_ =	sdelay $0x1  }
0x101: {  	v7 =	vmax.f32 v7, $9.999999680e-21  }
0x102: {  	v58 =	vshra.s32 v7, $0x1  }
0x103: {  	v8 =	vadd.s32 $0x1FBD1DF5, v58  }
0x104: {  	(erf) = vrcp.f32 v8;
	_ =	sdelay $0x8  }
0x105: {  	v59 =	vpop (erf)  }
0x106: {  	v9 =	vmul.f32 v59, v7;
	_ =	sdelay $0x1  }
0x107: {  	v8 =	vadd.f32 v8, v9;
	_ =	sdelay $0x1  }
0x108: {  	v8 =	vmul.f32 $5.000000000e-01, v8;
	_ =	sdelay $0x1  }
0x109: {  	(erf) = vrcp.f32 v8;
	_ =	sdelay $0x8  }
0x10a: {  	v60 =	vpop (erf)  }
0x10b: {  	v9 =	vmul.f32 v60, v7;
	_ =	sdelay $0x1  }
0x10c: {  	v8 =	vadd.f32 v9, v8;
	_ =	sdelay $0x1  }
0x10d: {  	v8 =	vmul.f32 $5.000000000e-01, v8;
	_ =	sdelay $0x1  }
0x10e: {  	(erf) = vrcp.f32 v8;
	_ =	sdelay $0x8  }
0x10f: {  	v61 =	vpop (erf)  }
0x110: {  	v7 =	vmul.f32 v61, v7;
	_ =	sdelay $0x1  }
0x111: {  	v7 =	vadd.f32 v7, v8;
	_ =	sdelay $0x1  }
0x112: {  	v7 =	vmul.f32 $5.000000000e-01, v7;
	_ =	sdelay $0x1  }
0x113: {  	v62 =	vmul.f32 $8.775825500e-01, v6;
	v7 =	vmul.f32 $4.794255500e-01, v7;
	_ =	sdelay $0x1  }
0x114: {  	v63 =	vadd.f32 $-2.397127750e-01, v6;
	v7 =	vsub.f32 v62, v7  }
0x115: {  	vm2 =	vgt.f32 v6, $-8.775825500e-01  }
0x116: {  	v6 =	vsel vm2, v7, v63  }
0x117: {  	v6 =	vmul.f32 $6.400000000e+01, v6;
	_ =	sdelay $0x1  }
0x118: {  	s29 =	rddreg [dreg:$0x10];
	[tilespmem:v5+s6+$0x0] =	vst.idx.msk vm1, v6  }
0x119: {  	[hbm4b:s29+s7] =	stream.linear.scatter [tilespmem:s6], [sflag:$0x5], $0x400, $0x38;
	[tilespmem:$0xB880] =	vst v63  }
0x11a: {  	_ =	swait.ge [sflag:s1], $0x400  }
0x11b: {  	s30 =	rddreg [dreg:$0x12]  }
0x11c: {  	s31 =	rddreg [dreg:$0x11];
	s2 =	sadd.s32 $0x1, s30  }
0x11d: {  	p0 =	sne.s32 s2, s31  }
.Ltmp1:
0x11e: {  	_ = 	snop;
	(pc) =	sbr.rel @!p0 .LBB2_9-.Ltmp1, $3  }
0x11f: {  	_ =	sdelay $0x1  }
0x120: {  	[sflag:s1] =	ssyncset.done $0x0  }
0x121: {  	[sflag:s1] =	ssyncadd.s32 $0xFFFFFC00  }
.LBB2_1:
0x122: {  	[dreg:$0x12] =	wrdreg s2  }
0x123: {  	s0 =	rddreg [dreg:$0x7]  }
0x124: {  	[tilespmem:s4], [sflag:$0x5] =	stream.linear.gather [hbm4b:s0+s7], $0x20, $0x38;
	[tilespmem:$0xB880] =	vst v63  }
0x125: {  	_ =	swait.ge [sflag:s1], $0x20  }
0x126: {  	[sflag:s1] =	ssyncset.done $0x0  }
0x127: {  	s30 =	rddreg [dreg:$0x6];
	[sflag:s1] =	ssyncadd.s32 $0xFFFFFFE0  }
0x128: {  	[tilespmem:s7], [sflag:$0x1] =	stream.linear.gather [hbm4b:s30+s7], $0x2C00, $0x38;
	[tilespmem:$0xB880] =	vst v63  }
0x129: {  	s2 =	simm.s32 $0x0;
	s31 =	rddreg [dreg:$0x8]  }
0x12a: {  	[tilespmem:s5], [sflag:$0x2] =	stream.linear.gather [hbm4b:s31+s7], $0x2C00, $0x38;
	[tilespmem:$0xB880] =	vst v63  }
.LBB2_2:
0x12b: {  	s0 =	simm.s32 $0x1  }
0x12c: {  	_ =	swait.ge [sflag:s0], $0x2C00  }
0x12d: {  	p1 =	seq.s32 s2, $0x0;
	[sflag:s0] =	ssyncset.done $0x0  }
0x12e: {  	[sflag:s0] =	ssyncadd.s32 $0xFFFFD400;
	s0 =	simm.s32 @!p1 $0x3  }
0x12f: {  	s1 =	simm.s32 $0x0;
	s4 =	simm.s32 $0x0;
	_ =	swait.ge @!p1 [sflag:s0], $0x2C00  }
0x130: {  	s4 =	sand.u32 $0x40, s4;
	s1 =	sand.u32 $0x3C00, s1;
	[sflag:s0] =	ssyncset.done @!p1 $0x0  }
0x131: {  	s4 =	sor.u32 s4, s1;
	[sflag:s0] =	ssyncadd.s32 @!p1 $0xFFFFD400  }
0x132: {  	v5 =	vld [tilespmem:s4+$0x30]  }
0x133: {  	v6 =	vld [tilespmem:s4+$0xB0]  }
0x134: {  	v7 =	vld [tilespmem:s4+$0x130]  }
0x135: {  	v8 =	vld [tilespmem:s4+$0x1B0]  }
0x136: {  	v9 =	vld [tilespmem:s4+$0x0]  }
0x137: {  	p0 =	por $0x0, $0x0;
	s0 =	simm.s32 $0x1;
	v10 =	vld [tilespmem:s4+$0x80];
	v5 =	vmul.f32 $6.400000000e+01, v5  }
0x138: {  	s0 =	simm.s32 @!p0 $0x0;
	v11 =	vld [tilespmem:s4+$0x100];
	v6 =	vmul.f32 $6.400000000e+01, v6  }
0x139: {  	s0 =	sshll.u32 s0, $0x6;
	[tilespmem:s4+$0x5830] =	vst v5;
	v5 =	vmul.f32 $6.400000000e+01, v7;
	v7 =	vld [tilespmem:s4+$0x180]  }
0x13a: {  	s0 =	sadd.s32 $0x0, s0;
	[tilespmem:s4+$0x58B0] =	vst v6;
	v6 =	vmul.f32 $6.400000000e+01, v8;
	v8 =	vld [tilespmem:s4+$0x10]  }
0x13b: {  	s6 =	sadd.s32 $0x30, s0;
	[tilespmem:s4+$0x5930] =	vst v5;
	v5 =	vmul.f32 $6.400000000e+01, v9;
	v9 =	vld [tilespmem:s4+$0x90]  }
0x13c: {  	s5 =	sor.u32 $0x200, s6;
	[tilespmem:s4+$0x59B0] =	vst v6;
	v6 =	vmul.f32 $6.400000000e+01, v10;
	v10 =	vld [tilespmem:s4+$0x110]  }
0x13d: {  	[tilespmem:s4+$0x5800] =	vst v5;
	v5 =	vmul.f32 $6.400000000e+01, v11;
	v11 =	vld [tilespmem:s5+$0x0]  }
0x13e: {  	[tilespmem:s4+$0x5880] =	vst v6;
	v6 =	vmul.f32 $6.400000000e+01, v7;
	v7 =	vld [tilespmem:s4+$0x190]  }
0x13f: {  	[tilespmem:s4+$0x5900] =	vst v5;
	v5 =	vmul.f32 $6.400000000e+01, v8  }
0x140: {  	v8 =	vld [tilespmem:s4+$0x20];
	[tilespmem:s4+$0x5980] =	vst v6;
	v6 =	vmul.f32 $6.400000000e+01, v9  }
0x141: {  	v9 =	vld [tilespmem:s4+$0xA0];
	[tilespmem:s4+$0x5810] =	vst v5;
	v5 =	vmul.f32 $6.400000000e+01, v10  }
0x142: {  	v10 =	vld [tilespmem:s4+$0x120];
	[tilespmem:s4+$0x5890] =	vst v6;
	v6 =	vmul.f32 $6.400000000e+01, v11  }
0x143: {  	s7 =	sor.u32 $0x200, s0;
	v11 =	vld [tilespmem:s4+$0x1A0];
	[tilespmem:s4+$0x5910] =	vst v5;
	v5 =	vmul.f32 $6.400000000e+01, v7  }
0x144: {  	s1 =	sadd.s32 $0x10, s0;
	s16 =	sor.u32 $0x280, s6;
	v7 =	vld [tilespmem:s7+$0x0];
	[tilespmem:s5+$0x5800] =	vst v6  }
0x145: {  	s8 =	sor.u32 $0x200, s1;
	v6 =	vmul.f32 $6.400000000e+01, v8;
	[tilespmem:s4+$0x5990] =	vst v5;
	v5 =	vld [tilespmem:s16+$0x0]  }
0x146: {  	v8 =	vmul.f32 $6.400000000e+01, v9;
	v9 =	vld [tilespmem:s8+$0x0]  }
0x147: {  	[tilespmem:s4+$0x5820] =	vst v6;
	v6 =	vmul.f32 $6.400000000e+01, v10  }
0x148: {  	[tilespmem:s4+$0x58A0] =	vst v8;
	v8 =	vmul.f32 $6.400000000e+01, v11  }
0x149: {  	s13 =	sadd.s32 $0x20, s0;
	v7 =	vmul.f32 $6.400000000e+01, v7;
	[tilespmem:s4+$0x5920] =	vst v6  }
0x14a: {  	s9 =	sor.u32 $0x200, s13;
	[tilespmem:s4+$0x59A0] =	vst v8;
	v5 =	vmul.f32 $6.400000000e+01, v5  }
0x14b: {  	s17 =	sor.u32 $0x280, s0;
	[tilespmem:s7+$0x5800] =	vst v7;
	v6 =	vld [tilespmem:s9+$0x0];
	v7 =	vmul.f32 $6.400000000e+01, v9  }
0x14c: {  	s19 =	simm.s32 $0x40;
	s10 =	simm.s32 $0x200;
	s18 =	sor.u32 $0x300, s6;
	v8 =	vld [tilespmem:s17+$0x0];
	[tilespmem:s16+$0x5800] =	vst v5  }
0x14d: {  	s20 =	sand.u32 $0x3C00, s10;
	s11 =	sor.u32 $0x280, s1;
	s7 =	sand.u32 $0x40, s19;
	[tilespmem:s8+$0x5800] =	vst v7;
	v5 =	vld [tilespmem:s18+$0x0]  }
0x14e: {  	s7 =	sor.u32 s7, s20;
	v7 =	vld [tilespmem:s11+$0x0]  }
0x14f: {  	v9 =	vld [tilespmem:s7+$0x30]  }
0x150: {  	v10 =	vld [tilespmem:s7+$0xB0];
	v6 =	vmul.f32 $6.400000000e+01, v6  }
0x151: {  	v11 =	vld [tilespmem:s7+$0x130];
	v8 =	vmul.f32 $6.400000000e+01, v8  }
0x152: {  	[tilespmem:s9+$0x5800] =	vst v6;
	v6 =	vld [tilespmem:s7+$0x1B0];
	v5 =	vmul.f32 $6.400000000e+01, v5  }
0x153: {  	[tilespmem:s17+$0x5800] =	vst v8;
	v8 =	vld [tilespmem:s7+$0x0];
	v7 =	vmul.f32 $6.400000000e+01, v7  }
0x154: {  	p0 =	por !p0, !p0;
	s4 =	simm.s32 $0x1;
	[tilespmem:s18+$0x5800] =	vst v5;
	v5 =	vmul.f32 $6.400000000e+01, v9;
	v9 =	vld [tilespmem:s7+$0x80]  }
0x155: {  	s4 =	simm.s32 @!p0 $0x0;
	[tilespmem:s11+$0x5800] =	vst v7;
	v7 =	vmul.f32 $6.400000000e+01, v10;
	v10 =	vld [tilespmem:s7+$0x100]  }
0x156: {  	s4 =	sshll.u32 s4, $0x6;
	[tilespmem:s7+$0x5830] =	vst v5;
	v5 =	vmul.f32 $6.400000000e+01, v11;
	v11 =	vld [tilespmem:s7+$0x180]  }
0x157: {  	s16 =	sadd.s32 $0x200, s4;
	v6 =	vmul.f32 $6.400000000e+01, v6;
	[tilespmem:s7+$0x58B0] =	vst v7;
	v7 =	vld [tilespmem:s7+$0x10]  }
0x158: {  	s9 =	sadd.s32 $0x30, s16;
	[tilespmem:s7+$0x5930] =	vst v5;
	v5 =	vmul.f32 $6.400000000e+01, v8;
	v8 =	vld [tilespmem:s7+$0x90]  }
0x159: {  	s21 =	sor.u32 $0x200, s9;
	[tilespmem:s7+$0x59B0] =	vst v6;
	v6 =	vmul.f32 $6.400000000e+01, v9;
	v9 =	vld [tilespmem:s7+$0x110]  }
0x15a: {  	[tilespmem:s7+$0x5800] =	vst v5;
	v5 =	vmul.f32 $6.400000000e+01, v10;
	v10 =	vld [tilespmem:s21+$0x0]  }
0x15b: {  	[tilespmem:s7+$0x5880] =	vst v6;
	v6 =	vmul.f32 $6.400000000e+01, v11;
	v11 =	vld [tilespmem:s7+$0x190]  }
0x15c: {  	[tilespmem:s7+$0x5900] =	vst v5;
	v5 =	vmul.f32 $6.400000000e+01, v7;
	v7 =	vld [tilespmem:s7+$0x20]  }
0x15d: {  	[tilespmem:s7+$0x5980] =	vst v6;
	v6 =	vmul.f32 $6.400000000e+01, v8;
	v8 =	vld [tilespmem:s7+$0xA0]  }
0x15e: {  	[tilespmem:s7+$0x5810] =	vst v5;
	v5 =	vmul.f32 $6.400000000e+01, v9;
	v9 =	vld [tilespmem:s7+$0x120]  }
0x15f: {  	s22 =	sor.u32 $0x200, s16;
	[tilespmem:s7+$0x5890] =	vst v6;
	v6 =	vld [tilespmem:s7+$0x1A0];
	v10 =	vmul.f32 $6.400000000e+01, v10  }
0x160: {  	s23 =	sor.u32 $0x280, s13;
	v12 =	vld [tilespmem:s22+$0x0];
	[tilespmem:s7+$0x5910] =	vst v5;
	v5 =	vmul.f32 $6.400000000e+01, v11  }
0x161: {  	s14 =	sadd.s32 $0x10, s16;
	s24 =	sor.u32 $0x280, s9;
	v7 =	vmul.f32 $6.400000000e+01, v7;
	[tilespmem:s21+$0x5800] =	vst v10;
	v10 =	vld [tilespmem:s23+$0x0]  }
0x162: {  	s25 =	sor.u32 $0x200, s14;
	[tilespmem:s7+$0x5990] =	vst v5;
	v5 =	vmul.f32 $6.400000000e+01, v8;
	v8 =	vld [tilespmem:s24+$0x0]  }
0x163: {  	s26 =	sor.u32 $0x300, s0;
	v11 =	vld [tilespmem:s25+$0x0];
	[tilespmem:s7+$0x5820] =	vst v7;
	v7 =	vmul.f32 $6.400000000e+01, v9  }
0x164: {  	s12 =	sor.u32 $0x300, s1;
	[tilespmem:s7+$0x58A0] =	vst v5;
	v5 =	vmul.f32 $6.400000000e+01, v6;
	v6 =	vld [tilespmem:s26+$0x0]  }
0x165: {  	s6 =	sor.u32 $0x380, s6;
	s15 =	sadd.s32 $0x20, s16;
	v9 =	vmul.f32 $6.400000000e+01, v12;
	[tilespmem:s7+$0x5920] =	vst v7;
	v7 =	vld [tilespmem:s12+$0x0]  }
0x166: {  	s17 =	sor.u32 $0x200, s15;
	v58 =	vld [tilespmem:s6+$0x0];
	[tilespmem:s7+$0x59A0] =	vst v5;
	v5 =	vmul.f32 $6.400000000e+01, v10  }
0x167: {  	s19 =	sor.u32 $0x280, s16;
	[tilespmem:s22+$0x5800] =	vst v9;
	v9 =	vld [tilespmem:s17+$0x0];
	v8 =	vmul.f32 $6.400000000e+01, v8  }
0x168: {  	s31 =	sor.u32 $0x300, s13;
	v10 =	vld [tilespmem:s19+$0x0];
	v11 =	vmul.f32 $6.400000000e+01, v11;
	[tilespmem:s23+$0x5800] =	vst v5  }
0x169: {  	s3 =	sor.u32 $0x300, s9;
	[tilespmem:s24+$0x5800] =	vst v8;
	v5 =	vmul.f32 $6.400000000e+01, v6;
	v6 =	vld [tilespmem:s31+$0x0]  }
0x16a: {  	s8 =	simm.s32 $0x400;
	s20 =	sor.u32 $0x280, s14;
	s7 =	simm.s32 $0x80;
	[tilespmem:s25+$0x5800] =	vst v11;
	v8 =	vld [tilespmem:s3+$0x0];
	v7 =	vmul.f32 $6.400000000e+01, v7  }
0x16b: {  	s0 =	sor.u32 $0x380, s0;
	s22 =	sand.u32 $0x3C00, s8;
	s21 =	sand.u32 $0x40, s7;
	v11 =	vmul.f32 $6.400000000e+01, v58;
	v59 =	vld [tilespmem:s20+$0x0];
	[tilespmem:s26+$0x5800] =	vst v5  }
0x16c: {  	s18 =	sor.u32 s21, s22;
	v5 =	vmul.f32 $6.400000000e+01, v9;
	v9 =	vld [tilespmem:s0+$0x0];
	[tilespmem:s12+$0x5800] =	vst v7  }
0x16d: {  	s1 =	sor.u32 $0x380, s1;
	[tilespmem:s6+$0x5800] =	vst v11;
	v7 =	vmul.f32 $6.400000000e+01, v10;
	v11 =	vld [tilespmem:s18+$0x30]  }
0x16e: {  	v10 =	vld [tilespmem:s1+$0x0];
	[tilespmem:s17+$0x5800] =	vst v5;
	v5 =	vmul.f32 $6.400000000e+01, v6  }
0x16f: {  	v6 =	vld [tilespmem:s18+$0xB0];
	[tilespmem:s19+$0x5800] =	vst v7;
	v7 =	vmul.f32 $6.400000000e+01, v8  }
0x170: {  	v8 =	vld [tilespmem:s18+$0x130];
	v12 =	vmul.f32 $6.400000000e+01, v59;
	[tilespmem:s31+$0x5800] =	vst v5  }
0x171: {  	s23 =	sor.u32 $0x380, s9;
	v5 =	vld [tilespmem:s18+$0x1B0];
	[tilespmem:s3+$0x5800] =	vst v7;
	v7 =	vmul.f32 $6.400000000e+01, v9  }
0x172: {  	v11 =	vmul.f32 $6.400000000e+01, v11;
	[tilespmem:s20+$0x5800] =	vst v12;
	v9 =	vld [tilespmem:s23+$0x0]  }
0x173: {  	v60 =	vld [tilespmem:s18+$0x0];
	v10 =	vmul.f32 $6.400000000e+01, v10;
	[tilespmem:s0+$0x5800] =	vst v7  }
0x174: {  	p0 =	por !p0, !p0;
	v7 =	vld [tilespmem:s18+$0x80];
	v6 =	vmul.f32 $6.400000000e+01, v6;
	s0 =	simm.s32 $0x1;
	[tilespmem:s18+$0x5830] =	vst v11  }
0x175: {  	[tilespmem:s1+$0x5800] =	vst v10;
	s0 =	simm.s32 @!p0 $0x0;
	v10 =	vld [tilespmem:s18+$0x100];
	v8 =	vmul.f32 $6.400000000e+01, v8  }
0x176: {  	v11 =	vld [tilespmem:s18+$0x180];
	s0 =	sshll.u32 s0, $0x6;
	[tilespmem:s18+$0x58B0] =	vst v6;
	v5 =	vmul.f32 $6.400000000e+01, v5  }
0x177: {  	v6 =	vld [tilespmem:s18+$0x10];
	s21 =	sadd.s32 $0x400, s0;
	[tilespmem:s18+$0x5930] =	vst v8;
	v8 =	vmul.f32 $6.400000000e+01, v9  }
0x178: {  	v61 =	vld [tilespmem:s18+$0x90];
	v9 =	vmul.f32 $6.400000000e+01, v60;
	[tilespmem:s18+$0x59B0] =	vst v5;
	s12 =	sadd.s32 $0x30, s21  }
0x179: {  	v5 =	vmul.f32 $6.400000000e+01, v7;
	v7 =	vld [tilespmem:s18+$0x110];
	s24 =	sor.u32 $0x200, s12;
	[tilespmem:s23+$0x5800] =	vst v8  }
0x17a: {  	[tilespmem:s18+$0x5800] =	vst v9;
	v8 =	vmul.f32 $6.400000000e+01, v10;
	v9 =	vld [tilespmem:s24+$0x0]  }
0x17b: {  	[tilespmem:s18+$0x5880] =	vst v5;
	v5 =	vmul.f32 $6.400000000e+01, v11  }
0x17c: {  	v10 =	vld [tilespmem:s18+$0x190];
	v6 =	vmul.f32 $6.400000000e+01, v6;
	[tilespmem:s18+$0x5900] =	vst v8  }
0x17d: {  	v8 =	vld [tilespmem:s18+$0x20];
	[tilespmem:s18+$0x5980] =	vst v5;
	v5 =	vmul.f32 $6.400000000e+01, v61  }
0x17e: {  	s25 =	smul.u32 $0x1CD86, s2;
	v11 =	vld [tilespmem:s18+$0xA0];
	[tilespmem:s18+$0x5810] =	vst v6;
	v6 =	vmul.f32 $6.400000000e+01, v7  }
0x17f: {  	v7 =	vld [tilespmem:s18+$0x120];
	[tilespmem:s18+$0x5890] =	vst v5;
	v9 =	vmul.f32 $6.400000000e+01, v9  }
0x180: {  	s0 =	sshrl.u32 s25, $0x16;
	s26 =	sor.u32 $0x200, s21;
	v5 =	vld [tilespmem:s18+$0x1A0];
	[tilespmem:s18+$0x5910] =	vst v6  }
0x181: {  	s3 =	sor.u32 $0x280, s15;
	s31 =	smul.u32 $0x47, s0;
	v62 =	vld [tilespmem:s26+$0x0];
	v6 =	vmul.f32 $6.400000000e+01, v10;
	[tilespmem:s24+$0x5800] =	vst v9  }
0x182: {  	s22 =	sadd.s32 $0x10, s21;
	s23 =	sor.u32 $0x280, s12;
	v8 =	vmul.f32 $6.400000000e+01, v8;
	v9 =	vld [tilespmem:s3+$0x0];
	[dreg:$0x13] =	wrdreg s2  }
0x183: {  	s1 =	sshll.u32 s2, $0x1;
	s28 =	sor.u32 $0x200, s22;
	[tilespmem:s18+$0x5990] =	vst v6;
	v6 =	vmul.f32 $6.400000000e+01, v11;
	v10 =	vld [tilespmem:s23+$0x0]  }
0x184: {  	s17 =	sor.u32 $0x300, s16;
	s6 =	ssub.s32 s1, s31;
	[tilespmem:s18+$0x5820] =	vst v8;
	v7 =	vmul.f32 $6.400000000e+01, v7;
	v11 =	vld [tilespmem:s28+$0x0]  }
0x185: {  	s13 =	sor.u32 $0x380, s13;
	s9 =	sand.u32 $0xFFFF, s6;
	s6 =	sor.u32 $0x300, s14;
	v8 =	vld [tilespmem:s17+$0x0];
	v5 =	vmul.f32 $6.400000000e+01, v5;
	[tilespmem:s18+$0x58A0] =	vst v6  }
0x186: {  	s16 =	sor.u32 $0x380, s16;
	s25 =	sor.u32 $0x300, s15;
	s29 =	sadd.s32 $0x20, s21;
	v63 =	vld [tilespmem:s6+$0x0];
	v6 =	vmul.f32 $6.400000000e+01, v62;
	[tilespmem:s18+$0x5920] =	vst v7  }
0x187: {  	s15 =	sor.u32 $0x380, s15;
	s11 =	sshll.u32 s0, $0x3;
	s20 =	sor.u32 $0x200, s29;
	[tilespmem:s18+$0x59A0] =	vst v5;
	v13 =	vmul.f32 $6.400000000e+01, v9;
	v5 =	vld [tilespmem:s13+$0x0]  }
0x188: {  	s19 =	sor.u32 $0x280, s22;
	s30 =	sor.u32 $0x300, s29;
	s18 =	sor.u32 $0x280, s21;
	[tilespmem:s26+$0x5800] =	vst v6;
	v9 =	vld [tilespmem:s20+$0x0];
	v6 =	vmul.f32 $6.400000000e+01, v10  }
0x189: {  	s5 =	sor.u32 $0x300, s12;
	s14 =	sor.u32 $0x380, s14;
	s10 =	smul.u32 $0xFFFFFA80, s9;
	v7 =	vld [tilespmem:s18+$0x0];
	[tilespmem:s3+$0x5800] =	vst v13;
	v10 =	vmul.f32 $6.400000000e+01, v11  }
0x18a: {  	s24 =	sor.u32 $0x300, s22;
	s26 =	sor.u32 $0x280, s29;
	v11 =	vmul.f32 $6.400000000e+01, v8;
	[tilespmem:s23+$0x5800] =	vst v6;
	s23 =	sor.u32 $0x300, s21;
	v6 =	vld [tilespmem:s25+$0x0]  }
0x18b: {  	[tilespmem:s28+$0x5800] =	vst v10;
	s28 =	sor.u32 $0x380, s22;
	s22 =	sor.u32 $0x380, s29;
	s29 =	sor.u32 $0x380, s21;
	v8 =	vld [tilespmem:s5+$0x0];
	v10 =	vmul.f32 $6.400000000e+01, v63  }
.LBB2_3:
0x18c: {  	s7 =	sadd.s32 $0x40, s7;
	v12 =	vld [tilespmem:s19+$0x0];
	s8 =	sadd.s32 $0x200, s8;
	[tilespmem:s17+$0x5800] =	vst v11;
	v5 =	vmul.f32 $6.400000000e+01, v5;
	s17 =	smov.u32 s23  }
0x18d: {  	s4 =	sand.u32 $0x40, s7;
	s21 =	sand.u32 $0x3C00, s8;
	v9 =	vmul.f32 $6.400000000e+01, v9;
	v11 =	vld [tilespmem:s16+$0x0];
	[tilespmem:s6+$0x5800] =	vst v10;
	s6 =	smov.u32 s24  }
0x18e: {  	s21 =	sor.u32 s4, s21;
	v7 =	vmul.f32 $6.400000000e+01, v7;
	v10 =	vld [tilespmem:s14+$0x0];
	[tilespmem:s13+$0x5800] =	vst v5;
	s13 =	smov.u32 s15;
	s15 =	smov.u32 s22  }
0x18f: {  	v5 =	vld [tilespmem:s21+$0x30];
	[tilespmem:s20+$0x5800] =	vst v9;
	v6 =	vmul.f32 $6.400000000e+01, v6  }
0x190: {  	p2 =	slt.u32 s7, $0x540;
	v9 =	vld [tilespmem:s21+$0xB0];
	[tilespmem:s18+$0x5800] =	vst v7;
	v7 =	vmul.f32 $6.400000000e+01, v8  }
0x191: {  	v8 =	vld [tilespmem:s21+$0x130];
	v12 =	vmul.f32 $6.400000000e+01, v12;
	[tilespmem:s25+$0x5800] =	vst v6;
	s25 =	smov.u32 s30  }
0x192: {  	v6 =	vld [tilespmem:s21+$0x1B0];
	[tilespmem:s5+$0x5800] =	vst v7;
	s5 =	sor.u32 $0x380, s12;
	v7 =	vmul.f32 $6.400000000e+01, v11  }
0x193: {  	[tilespmem:s19+$0x5800] =	vst v12;
	v11 =	vld [tilespmem:s5+$0x0];
	v10 =	vmul.f32 $6.400000000e+01, v10  }
0x194: {  	v12 =	vld [tilespmem:s21+$0x0];
	v5 =	vmul.f32 $6.400000000e+01, v5;
	[tilespmem:s16+$0x5800] =	vst v7;
	s16 =	smov.u32 s29  }
0x195: {  	p0 =	por !p0, !p0;
	s4 =	simm.s32 $0x1;
	v7 =	vld [tilespmem:s21+$0x80];
	v9 =	vmul.f32 $6.400000000e+01, v9;
	[tilespmem:s14+$0x5800] =	vst v10;
	s14 =	smov.u32 s28  }
0x196: {  	s4 =	simm.s32 @!p0 $0x0;
	v10 =	vld [tilespmem:s21+$0x100];
	[tilespmem:s21+$0x5830] =	vst v5;
	v5 =	vmul.f32 $6.400000000e+01, v8  }
0x197: {  	s4 =	sshll.u32 s4, $0x6;
	v8 =	vld [tilespmem:s21+$0x180];
	[tilespmem:s21+$0x58B0] =	vst v9;
	v6 =	vmul.f32 $6.400000000e+01, v6  }
0x198: {  	s29 =	sadd.s32 s4, s8;
	v9 =	vld [tilespmem:s21+$0x10];
	[tilespmem:s21+$0x5930] =	vst v5;
	v5 =	vmul.f32 $6.400000000e+01, v11  }
0x199: {  	s22 =	sadd.s32 $0x10, s29;
	s2 =	sadd.s32 $0x20, s29;
	s12 =	sadd.s32 $0x30, s29;
	v11 =	vmul.f32 $6.400000000e+01, v12;
	v12 =	vld [tilespmem:s21+$0x90];
	[tilespmem:s21+$0x59B0] =	vst v6  }
0x19a: {  	s4 =	sor.u32 $0x200, s22;
	s20 =	sor.u32 $0x200, s2;
	s3 =	sor.u32 $0x200, s12;
	v6 =	vmul.f32 $6.400000000e+01, v7;
	v7 =	vld [tilespmem:s21+$0x110];
	[tilespmem:s5+$0x5800] =	vst v5  }
0x19b: {  	s31 =	sor.u32 $0x200, s29;
	s19 =	sor.u32 $0x280, s22;
	s5 =	sor.u32 $0x280, s2;
	[tilespmem:s21+$0x5800] =	vst v11;
	v5 =	vmul.f32 $6.400000000e+01, v10;
	v10 =	vld [tilespmem:s3+$0x0]  }
0x19c: {  	s18 =	sor.u32 $0x280, s29;
	s24 =	sor.u32 $0x300, s22;
	s30 =	sor.u32 $0x300, s2;
	[tilespmem:s21+$0x5880] =	vst v6;
	v6 =	vmul.f32 $6.400000000e+01, v8;
	v8 =	vld [tilespmem:s21+$0x190]  }
0x19d: {  	s23 =	sor.u32 $0x300, s29;
	s28 =	sor.u32 $0x380, s22;
	s22 =	sor.u32 $0x380, s2;
	[tilespmem:s21+$0x5900] =	vst v5;
	v5 =	vmul.f32 $6.400000000e+01, v9;
	v9 =	vld [tilespmem:s21+$0x20]  }
0x19e: {  	s29 =	sor.u32 $0x380, s29;
	[tilespmem:s21+$0x5980] =	vst v6;
	v6 =	vmul.f32 $6.400000000e+01, v12;
	v11 =	vld [tilespmem:s21+$0xA0]  }
0x19f: {  	[tilespmem:s21+$0x5810] =	vst v5;
	v5 =	vmul.f32 $6.400000000e+01, v7;
	v7 =	vld [tilespmem:s21+$0x120]  }
0x1a0: {  	[tilespmem:s21+$0x5890] =	vst v6;
	v6 =	vld [tilespmem:s21+$0x1A0];
	v10 =	vmul.f32 $6.400000000e+01, v10  }
0x1a1: {  	v12 =	vld [tilespmem:s31+$0x0];
	[tilespmem:s21+$0x5910] =	vst v5;
	v5 =	vmul.f32 $6.400000000e+01, v8  }
0x1a2: {  	s2 =	sor.u32 $0x280, s12;
	v8 =	vmul.f32 $6.400000000e+01, v9;
	[tilespmem:s3+$0x5800] =	vst v10;
	v9 =	vld [tilespmem:s26+$0x0]  }
0x1a3: {  	[tilespmem:s21+$0x5990] =	vst v5;
	v5 =	vmul.f32 $6.400000000e+01, v11;
	v10 =	vld [tilespmem:s2+$0x0]  }
0x1a4: {  	v11 =	vld [tilespmem:s4+$0x0];
	[tilespmem:s21+$0x5820] =	vst v8;
	v7 =	vmul.f32 $6.400000000e+01, v7  }
0x1a5: {  	[tilespmem:s21+$0x58A0] =	vst v5;
	v5 =	vmul.f32 $6.400000000e+01, v6;
	v6 =	vld [tilespmem:s17+$0x0]  }
0x1a6: {  	v8 =	vmul.f32 $6.400000000e+01, v12;
	[tilespmem:s21+$0x5920] =	vst v7;
	v12 =	vld [tilespmem:s6+$0x0]  }
.Ltmp2:
0x1a7: {  	[tilespmem:s21+$0x59A0] =	vst v5;
	v13 =	vmul.f32 $6.400000000e+01, v9;
	v5 =	vld [tilespmem:s13+$0x0];
	(pc) =	sbr.rel @p2 .LBB2_3-.Ltmp2, $4  }
0x1a8: {  	[tilespmem:s31+$0x5800] =	vst v8;
	v9 =	vld [tilespmem:s20+$0x0];
	v8 =	vmul.f32 $6.400000000e+01, v10  }
0x1a9: {  	v7 =	vld [tilespmem:s18+$0x0];
	v10 =	vmul.f32 $6.400000000e+01, v11;
	[tilespmem:s26+$0x5800] =	vst v13;
	s26 =	smov.u32 s5  }
0x1aa: {  	s5 =	sor.u32 $0x300, s12;
	[tilespmem:s2+$0x5800] =	vst v8;
	v11 =	vmul.f32 $6.400000000e+01, v6;
	v6 =	vld [tilespmem:s25+$0x0]  }
0x1ab: {  	[tilespmem:s4+$0x5800] =	vst v10;
	v8 =	vld [tilespmem:s5+$0x0];
	v10 =	vmul.f32 $6.400000000e+01, v12  }
0x1ac: {  	_ = 	snop  }
0x1ad: {  	v9 =	vmul.f32 $6.400000000e+01, v9;
	_ =	sdelay $0x1  }
0x1ae: {  	v12 =	vld [tilespmem:s19+$0x0];
	[tilespmem:s20+$0x5800] =	vst v9  }
0x1af: {  	v9 =	vld [tilespmem:s26+$0x0];
	_ =	sdelay $0x2  }
0x1b0: {  	v7 =	vmul.f32 $6.400000000e+01, v7  }
0x1b1: {  	v12 =	vmul.f32 $6.400000000e+01, v12  }
0x1b2: {  	[tilespmem:s18+$0x5800] =	vst v7;
	v7 =	vmul.f32 $6.400000000e+01, v9  }
0x1b3: {  	[tilespmem:s19+$0x5800] =	vst v12;
	v9 =	vld [tilespmem:s23+$0x0]  }
0x1b4: {  	v12 =	vld [tilespmem:s24+$0x0];
	[tilespmem:s26+$0x5800] =	vst v7  }
0x1b5: {  	[tilespmem:s6+$0x5800] =	vst v10;
	v6 =	vmul.f32 $6.400000000e+01, v6;
	v7 =	vld [tilespmem:s30+$0x0]  }
0x1b6: {  	[tilespmem:s17+$0x5800] =	vst v11;
	v10 =	vld [tilespmem:s14+$0x0];
	v8 =	vmul.f32 $6.400000000e+01, v8  }
0x1b7: {  	v5 =	vmul.f32 $6.400000000e+01, v5;
	v11 =	vld [tilespmem:s16+$0x0];
	[tilespmem:s25+$0x5800] =	vst v6  }
0x1b8: {  	s2 =	sor.u32 $0x380, s12;
	[tilespmem:s5+$0x5800] =	vst v8;
	v56 =	vld [tilespmem:s15+$0x0];
	v8 =	vmul.f32 $6.400000000e+01, v9  }
0x1b9: {  	[tilespmem:s13+$0x5800] =	vst v5;
	v6 =	vld [tilespmem:s2+$0x0];
	v9 =	vmul.f32 $6.400000000e+01, v12  }
0x1ba: {  	[tilespmem:s23+$0x5800] =	vst v8;
	v7 =	vmul.f32 $6.400000000e+01, v7  }
0x1bb: {  	v5 =	vmul.f32 $6.400000000e+01, v10;
	[tilespmem:s24+$0x5800] =	vst v9;
	v8 =	vld [tilespmem:s29+$0x0]  }
0x1bc: {  	v9 =	vmul.f32 $6.400000000e+01, v11;
	v11 =	vld [tilespmem:s28+$0x0];
	[tilespmem:s30+$0x5800] =	vst v7  }
0x1bd: {  	[tilespmem:s14+$0x5800] =	vst v5;
	v5 =	vmul.f32 $6.400000000e+01, v56;
	v7 =	vld [tilespmem:s22+$0x0]  }
0x1be: {  	v6 =	vmul.f32 $6.400000000e+01, v6  }
0x1bf: {  	[tilespmem:s15+$0x5800] =	vst v5  }
0x1c0: {  	[tilespmem:s2+$0x5800] =	vst v6;
	v6 =	vmul.f32 $6.400000000e+01, v8;
	v8 =	vor.u32 s11, v2  }
0x1c1: {  	[tilespmem:s16+$0x5800] =	vst v9;
	v5 =	vmul.f32 $6.400000000e+01, v11  }
0x1c2: {  	[tilespmem:s29+$0x5800] =	vst v6;
	v6 =	vmul.f32 $6.400000000e+01, v7  }
0x1c3: {  	[tilespmem:s28+$0x5800] =	vst v5  }
0x1c4: {  	s26 =	simm.s32 $0xB800;
	[tilespmem:s22+$0x5800] =	vst v6  }
0x1c5: {  	v5 =	vld.idx.msk [tilespmem:v8+s26+$0x0], $0xffff;
	_ =	sdelay $0x4  }
0x1c6: {  	v5 =	vadd.s32 s10, v5  }
0x1c7: {  	vm1 =	vlt.u32 v5, $0x580  }
0x1c8: {  	vm1 =	vmand vm1, vm0  }
0x1c9: {  	v5 =	vnsel vm1, $0x0, v5  }
0x1ca: {  	v6 =	vshll.u32 v5, $0x3  }
0x1cb: {  	v5 =	vand.u32 $0x7F, v5;
	v6 =	vand.u32 $0xFFFFFC00, v6  }
0x1cc: {  	v5 =	vor.u32 v6, v5  }
0x1cd: {  	v5 =	vor.u32 v1, v5;
	_ =	sdelay $0x3  }
0x1ce: {  	s31 =	simm.s32 $0x0  }
0x1cf: {  	v6 =	vld.idx.msk [tilespmem:v5+s31+$0x0], $0xffff;
	_ =	sdelay $0x4  }
0x1d0: {  	v7 =	vmul.f32 v6, v6;
	_ =	sdelay $0x1  }
0x1d1: {  	v7 =	vsub.f32 $1.000000000e+00, v7;
	_ =	sdelay $0x1  }
0x1d2: {  	v7 =	vmax.f32 v7, $9.999999680e-21  }
0x1d3: {  	v8 =	vshra.s32 v7, $0x1  }
0x1d4: {  	v8 =	vadd.s32 $0x1FBD1DF5, v8  }
0x1d5: {  	(erf) = vrcp.f32 v8;
	_ =	sdelay $0x8  }
0x1d6: {  	v9 =	vpop (erf)  }
0x1d7: {  	v9 =	vmul.f32 v9, v7;
	_ =	sdelay $0x1  }
0x1d8: {  	v8 =	vadd.f32 v8, v9;
	_ =	sdelay $0x1  }
0x1d9: {  	v8 =	vmul.f32 $5.000000000e-01, v8;
	_ =	sdelay $0x1  }
0x1da: {  	(erf) = vrcp.f32 v8;
	_ =	sdelay $0x8  }
0x1db: {  	v9 =	vpop (erf)  }
0x1dc: {  	v9 =	vmul.f32 v9, v7;
	_ =	sdelay $0x1  }
0x1dd: {  	v8 =	vadd.f32 v9, v8;
	_ =	sdelay $0x1  }
0x1de: {  	v8 =	vmul.f32 $5.000000000e-01, v8;
	_ =	sdelay $0x1  }
0x1df: {  	(erf) = vrcp.f32 v8;
	_ =	sdelay $0x8  }
0x1e0: {  	v9 =	vpop (erf)  }
0x1e1: {  	v7 =	vmul.f32 v9, v7;
	_ =	sdelay $0x1  }
0x1e2: {  	v7 =	vadd.f32 v7, v8;
	_ =	sdelay $0x1  }
0x1e3: {  	s8 =	rddreg [dreg:$0x13];
	v7 =	vmul.f32 $5.000000000e-01, v7  }
0x1e4: {  	p0 =	seq.s32 s8, $0x8D  }
0x1e5: {  	s4 =	smul.u32 $0x2C00, s9;
	s7 =	rddreg [dreg:$0x3];
	s2 =	sadd.s32 @!p0 $0x2, s1;
	v8 =	vmul.f32 $8.775825500e-01, v6;
	v7 =	vmul.f32 $-4.794255500e-01, v7  }
0x1e6: {  	s0 =	sadd.s32 s0, s7;
	s3 =	smulhi.u32 @!p0 $0xE6C2B449, s2  }
0x1e7: {  	s0 =	smul.u32 $0xC3800, s0;
	v7 =	vadd.f32 v7, v8;
	v8 =	vadd.f32 $-2.397127750e-01, v6  }
0x1e8: {  	s3 =	sshrl.u32 @!p0 s3, $0x6;
	vm2 =	vgt.f32 v6, $-8.775825500e-01  }
0x1e9: {  	s0 =	sadd.s32 s4, s0;
	s5 =	smul.u32 @!p0 $0x47, s3;
	v6 =	vsel vm2, v7, v8  }
0x1ea: {  	s9 =	simm.s32 $0x5800;
	s0 =	sshrl.u32 s0, $0x3;
	s3 =	sadd.s32 @!p0 s7, s3;
	v6 =	vmul.f32 $6.400000000e+01, v6  }
0x1eb: {  	s10 =	rddreg [dreg:$0x5];
	s3 =	smul.u32 @!p0 $0xC3800, s3;
	s2 =	ssub.s32 @!p0 s2, s5  }
0x1ec: {  	s0 =	sadd.s32 s10, s0;
	s2 =	smul.u32 @!p0 $0x2C00, s2;
	[tilespmem:v5+s9+$0x0] =	vst.idx.msk vm1, v6  }
0x1ed: {  	[hbm4b:s0+s31] =	stream.linear.scatter [tilespmem:s9], [sflag:$0x3], $0x2C00, $0x38;
	[tilespmem:$0xB880] =	vst v63  }
0x1ee: {  	s0 =	sadd.s32 @!p0 s2, s3  }
0x1ef: {  	s2 =	rddreg [dreg:$0x4];
	s0 =	sshrl.u32 @!p0 s0, $0x3  }
0x1f0: {  	s11 =	simm.s32 $0x2;
	s0 =	sadd.s32 @!p0 s2, s0;
	s2 =	simm.s32 @!p0 $0x0  }
0x1f1: {  	[tilespmem:s2], [sflag:$0x1] =	stream.linear.gather @!p0 [hbm4b:s0+s2], $0x2C00, $0x38;
	[tilespmem:$0xB880] =	vst v63  }
0x1f2: {  	_ =	swait.ge [sflag:s11], $0x2C00  }
0x1f3: {  	[sflag:s11] =	ssyncset.done $0x0  }
0x1f4: {  	s0 =	simm.s32 @!p1 $0x4;
	[sflag:s11] =	ssyncadd.s32 $0xFFFFD400  }
0x1f5: {  	s12 =	simm.s32 $0x0;
	s13 =	simm.s32 $0x0;
	_ =	swait.ge @!p1 [sflag:s0], $0x2C00  }
0x1f6: {  	s3 =	sand.u32 $0x40, s13;
	s2 =	sand.u32 $0x3C00, s12;
	[sflag:s0] =	ssyncset.done @!p1 $0x0  }
0x1f7: {  	s14 =	sor.u32 s3, s2;
	[sflag:s0] =	ssyncadd.s32 @!p1 $0xFFFFD400  }
0x1f8: {  	v5 =	vld [tilespmem:s14+$0x2C30]  }
0x1f9: {  	v6 =	vld [tilespmem:s14+$0x2CB0]  }
0x1fa: {  	v7 =	vld [tilespmem:s14+$0x2D30]  }
0x1fb: {  	v8 =	vld [tilespmem:s14+$0x2DB0]  }
0x1fc: {  	v9 =	vld [tilespmem:s14+$0x2C00]  }
0x1fd: {  	p1 =	por $0x0, $0x0;
	s0 =	simm.s32 $0x1;
	v10 =	vld [tilespmem:s14+$0x2C80];
	v5 =	vmul.f32 $6.400000000e+01, v5  }
0x1fe: {  	s0 =	simm.s32 @!p1 $0x0;
	v11 =	vld [tilespmem:s14+$0x2D00];
	v6 =	vmul.f32 $6.400000000e+01, v6  }
0x1ff: {  	s0 =	sshll.u32 s0, $0x6;
	[tilespmem:s14+$0x8430] =	vst v5;
	v5 =	vmul.f32 $6.400000000e+01, v7;
	v7 =	vld [tilespmem:s14+$0x2D80]  }
0x200: {  	s0 =	sadd.s32 $0x0, s0;
	[tilespmem:s14+$0x84B0] =	vst v6;
	v6 =	vmul.f32 $6.400000000e+01, v8;
	v8 =	vld [tilespmem:s14+$0x2C10]  }
0x201: {  	s15 =	sadd.s32 $0x30, s0;
	[tilespmem:s14+$0x8530] =	vst v5;
	v5 =	vmul.f32 $6.400000000e+01, v9;
	v9 =	vld [tilespmem:s14+$0x2C90]  }
0x202: {  	s18 =	sor.u32 $0x200, s15;
	[tilespmem:s14+$0x85B0] =	vst v6;
	v6 =	vmul.f32 $6.400000000e+01, v10;
	v10 =	vld [tilespmem:s14+$0x2D10]  }
0x203: {  	[tilespmem:s14+$0x8400] =	vst v5;
	v5 =	vmul.f32 $6.400000000e+01, v11;
	v11 =	vld [tilespmem:s18+$0x2C00]  }
0x204: {  	[tilespmem:s14+$0x8480] =	vst v6;
	v6 =	vmul.f32 $6.400000000e+01, v7;
	v7 =	vld [tilespmem:s14+$0x2D90]  }
0x205: {  	[tilespmem:s14+$0x8500] =	vst v5;
	v5 =	vmul.f32 $6.400000000e+01, v8  }
0x206: {  	v8 =	vld [tilespmem:s14+$0x2C20];
	[tilespmem:s14+$0x8580] =	vst v6;
	v6 =	vmul.f32 $6.400000000e+01, v9  }
0x207: {  	v9 =	vld [tilespmem:s14+$0x2CA0];
	[tilespmem:s14+$0x8410] =	vst v5;
	v5 =	vmul.f32 $6.400000000e+01, v10  }
0x208: {  	v10 =	vld [tilespmem:s14+$0x2D20];
	[tilespmem:s14+$0x8490] =	vst v6;
	v6 =	vmul.f32 $6.400000000e+01, v11  }
0x209: {  	s19 =	sor.u32 $0x200, s0;
	v11 =	vld [tilespmem:s14+$0x2DA0];
	[tilespmem:s14+$0x8510] =	vst v5;
	v5 =	vmul.f32 $6.400000000e+01, v7  }
0x20a: {  	s6 =	sadd.s32 $0x10, s0;
	s20 =	sor.u32 $0x280, s15;
	v7 =	vld [tilespmem:s19+$0x2C00];
	[tilespmem:s18+$0x8400] =	vst v6  }
0x20b: {  	s21 =	sor.u32 $0x200, s6;
	v6 =	vmul.f32 $6.400000000e+01, v8;
	[tilespmem:s14+$0x8590] =	vst v5;
	v5 =	vld [tilespmem:s20+$0x2C00]  }
0x20c: {  	v8 =	vmul.f32 $6.400000000e+01, v9;
	v9 =	vld [tilespmem:s21+$0x2C00]  }
0x20d: {  	[tilespmem:s14+$0x8420] =	vst v6;
	v6 =	vmul.f32 $6.400000000e+01, v10  }
0x20e: {  	[tilespmem:s14+$0x84A0] =	vst v8;
	v8 =	vmul.f32 $6.400000000e+01, v11  }
0x20f: {  	s12 =	sadd.s32 $0x20, s0;
	v7 =	vmul.f32 $6.400000000e+01, v7;
	[tilespmem:s14+$0x8520] =	vst v6  }
0x210: {  	s22 =	sor.u32 $0x200, s12;
	[tilespmem:s14+$0x85A0] =	vst v8;
	v5 =	vmul.f32 $6.400000000e+01, v5  }
0x211: {  	s23 =	sor.u32 $0x280, s0;
	[tilespmem:s19+$0x8400] =	vst v7;
	v6 =	vld [tilespmem:s22+$0x2C00];
	v7 =	vmul.f32 $6.400000000e+01, v9  }
0x212: {  	s25 =	simm.s32 $0x40;
	s8 =	simm.s32 $0x200;
	s24 =	sor.u32 $0x300, s15;
	v8 =	vld [tilespmem:s23+$0x2C00];
	[tilespmem:s20+$0x8400] =	vst v5  }
0x213: {  	s31 =	sand.u32 $0x3C00, s8;
	s3 =	sand.u32 $0x40, s25;
	s26 =	sor.u32 $0x280, s6;
	[tilespmem:s21+$0x8400] =	vst v7;
	v5 =	vld [tilespmem:s24+$0x2C00]  }
0x214: {  	s8 =	sor.u32 s3, s31;
	v7 =	vld [tilespmem:s26+$0x2C00]  }
0x215: {  	v9 =	vld [tilespmem:s8+$0x2C30]  }
0x216: {  	v10 =	vld [tilespmem:s8+$0x2CB0];
	v6 =	vmul.f32 $6.400000000e+01, v6  }
0x217: {  	v11 =	vld [tilespmem:s8+$0x2D30];
	v8 =	vmul.f32 $6.400000000e+01, v8  }
0x218: {  	[tilespmem:s22+$0x8400] =	vst v6;
	v6 =	vld [tilespmem:s8+$0x2DB0];
	v5 =	vmul.f32 $6.400000000e+01, v5  }
0x219: {  	[tilespmem:s23+$0x8400] =	vst v8;
	v8 =	vld [tilespmem:s8+$0x2C00];
	v7 =	vmul.f32 $6.400000000e+01, v7  }
0x21a: {  	s2 =	simm.s32 $0x1;
	p1 =	por !p1, !p1;
	[tilespmem:s24+$0x8400] =	vst v5;
	v5 =	vmul.f32 $6.400000000e+01, v9;
	v9 =	vld [tilespmem:s8+$0x2C80]  }
0x21b: {  	s2 =	simm.s32 @!p1 $0x0;
	[tilespmem:s26+$0x8400] =	vst v7;
	v7 =	vmul.f32 $6.400000000e+01, v10;
	v10 =	vld [tilespmem:s8+$0x2D00]  }
0x21c: {  	s2 =	sshll.u32 s2, $0x6;
	[tilespmem:s8+$0x8430] =	vst v5;
	v5 =	vmul.f32 $6.400000000e+01, v11;
	v11 =	vld [tilespmem:s8+$0x2D80]  }
0x21d: {  	s16 =	sadd.s32 $0x200, s2;
	v6 =	vmul.f32 $6.400000000e+01, v6;
	[tilespmem:s8+$0x84B0] =	vst v7;
	v7 =	vld [tilespmem:s8+$0x2C10]  }
0x21e: {  	s9 =	sadd.s32 $0x30, s16;
	[tilespmem:s8+$0x8530] =	vst v5;
	v5 =	vmul.f32 $6.400000000e+01, v8;
	v8 =	vld [tilespmem:s8+$0x2C90]  }
0x21f: {  	s4 =	sor.u32 $0x200, s9;
	[tilespmem:s8+$0x85B0] =	vst v6;
	v6 =	vmul.f32 $6.400000000e+01, v9;
	v9 =	vld [tilespmem:s8+$0x2D10]  }
0x220: {  	[tilespmem:s8+$0x8400] =	vst v5;
	v5 =	vmul.f32 $6.400000000e+01, v10;
	v10 =	vld [tilespmem:s4+$0x2C00]  }
0x221: {  	[tilespmem:s8+$0x8480] =	vst v6;
	v6 =	vmul.f32 $6.400000000e+01, v11;
	v11 =	vld [tilespmem:s8+$0x2D90]  }
0x222: {  	[tilespmem:s8+$0x8500] =	vst v5;
	v5 =	vmul.f32 $6.400000000e+01, v7;
	v7 =	vld [tilespmem:s8+$0x2C20]  }
0x223: {  	[tilespmem:s8+$0x8580] =	vst v6;
	v6 =	vmul.f32 $6.400000000e+01, v8;
	v8 =	vld [tilespmem:s8+$0x2CA0]  }
0x224: {  	[tilespmem:s8+$0x8410] =	vst v5;
	v5 =	vmul.f32 $6.400000000e+01, v9;
	v9 =	vld [tilespmem:s8+$0x2D20]  }
0x225: {  	s5 =	sor.u32 $0x200, s16;
	[tilespmem:s8+$0x8490] =	vst v6;
	v6 =	vld [tilespmem:s8+$0x2DA0];
	v10 =	vmul.f32 $6.400000000e+01, v10  }
0x226: {  	s10 =	sor.u32 $0x280, s12;
	v57 =	vld [tilespmem:s5+$0x2C00];
	[tilespmem:s8+$0x8510] =	vst v5;
	v5 =	vmul.f32 $6.400000000e+01, v11  }
0x227: {  	s11 =	sor.u32 $0x280, s9;
	s14 =	sadd.s32 $0x10, s16;
	v7 =	vmul.f32 $6.400000000e+01, v7;
	[tilespmem:s4+$0x8400] =	vst v10;
	v10 =	vld [tilespmem:s10+$0x2C00]  }
0x228: {  	s13 =	sor.u32 $0x200, s14;
	[tilespmem:s8+$0x8590] =	vst v5;
	v5 =	vmul.f32 $6.400000000e+01, v8;
	v8 =	vld [tilespmem:s11+$0x2C00]  }
0x229: {  	s17 =	sor.u32 $0x300, s0;
	v11 =	vld [tilespmem:s13+$0x2C00];
	[tilespmem:s8+$0x8420] =	vst v7;
	v7 =	vmul.f32 $6.400000000e+01, v9  }
0x22a: {  	s19 =	sor.u32 $0x300, s6;
	[tilespmem:s8+$0x84A0] =	vst v5;
	v5 =	vmul.f32 $6.400000000e+01, v6;
	v6 =	vld [tilespmem:s17+$0x2C00]  }
0x22b: {  	s24 =	sor.u32 $0x380, s15;
	s15 =	sadd.s32 $0x20, s16;
	v9 =	vmul.f32 $6.400000000e+01, v57;
	[tilespmem:s8+$0x8520] =	vst v7;
	v7 =	vld [tilespmem:s19+$0x2C00]  }
0x22c: {  	v58 =	vld [tilespmem:s24+$0x2C00];
	s25 =	sor.u32 $0x200, s15;
	[tilespmem:s8+$0x85A0] =	vst v5;
	v5 =	vmul.f32 $6.400000000e+01, v10  }
0x22d: {  	s26 =	sor.u32 $0x280, s16;
	[tilespmem:s5+$0x8400] =	vst v9;
	v9 =	vld [tilespmem:s25+$0x2C00];
	v8 =	vmul.f32 $6.400000000e+01, v8  }
0x22e: {  	s31 =	sor.u32 $0x300, s12;
	v10 =	vld [tilespmem:s26+$0x2C00];
	v11 =	vmul.f32 $6.400000000e+01, v11;
	[tilespmem:s10+$0x8400] =	vst v5  }
0x22f: {  	s18 =	sor.u32 $0x300, s9;
	[tilespmem:s11+$0x8400] =	vst v8;
	v5 =	vmul.f32 $6.400000000e+01, v6;
	v6 =	vld [tilespmem:s31+$0x2C00]  }
0x230: {  	s20 =	sor.u32 $0x280, s14;
	[tilespmem:s13+$0x8400] =	vst v11;
	v8 =	vld [tilespmem:s18+$0x2C00];
	v7 =	vmul.f32 $6.400000000e+01, v7  }
0x231: {  	s7 =	simm.s32 $0x80;
	s0 =	sor.u32 $0x380, s0;
	s8 =	simm.s32 $0x400;
	v11 =	vmul.f32 $6.400000000e+01, v58;
	v59 =	vld [tilespmem:s20+$0x2C00];
	[tilespmem:s17+$0x8400] =	vst v5  }
0x232: {  	s21 =	sor.u32 $0x380, s6;
	s22 =	sand.u32 $0x40, s7;
	s23 =	sand.u32 $0x3C00, s8;
	v5 =	vmul.f32 $6.400000000e+01, v9;
	v9 =	vld [tilespmem:s0+$0x2C00];
	[tilespmem:s19+$0x8400] =	vst v7  }
0x233: {  	[tilespmem:s24+$0x8400] =	vst v11;
	s24 =	sor.u32 s22, s23;
	v7 =	vmul.f32 $6.400000000e+01, v10;
	v10 =	vld [tilespmem:s21+$0x2C00]  }
0x234: {  	v11 =	vld [tilespmem:s24+$0x2C30];
	[tilespmem:s25+$0x8400] =	vst v5;
	v5 =	vmul.f32 $6.400000000e+01, v6  }
0x235: {  	v6 =	vld [tilespmem:s24+$0x2CB0];
	[tilespmem:s26+$0x8400] =	vst v7;
	v7 =	vmul.f32 $6.400000000e+01, v8  }
0x236: {  	v8 =	vld [tilespmem:s24+$0x2D30];
	v12 =	vmul.f32 $6.400000000e+01, v59;
	[tilespmem:s31+$0x8400] =	vst v5  }
0x237: {  	s9 =	sor.u32 $0x380, s9;
	v5 =	vld [tilespmem:s24+$0x2DB0];
	[tilespmem:s18+$0x8400] =	vst v7;
	v7 =	vmul.f32 $6.400000000e+01, v9  }
0x238: {  	[tilespmem:s20+$0x8400] =	vst v12;
	v9 =	vld [tilespmem:s9+$0x2C00];
	v10 =	vmul.f32 $6.400000000e+01, v10  }
0x239: {  	v60 =	vld [tilespmem:s24+$0x2C00];
	v11 =	vmul.f32 $6.400000000e+01, v11;
	[tilespmem:s0+$0x8400] =	vst v7  }
0x23a: {  	p1 =	por !p1, !p1;
	v7 =	vld [tilespmem:s24+$0x2C80];
	v6 =	vmul.f32 $6.400000000e+01, v6;
	s0 =	simm.s32 $0x1;
	[tilespmem:s21+$0x8400] =	vst v10  }
0x23b: {  	s0 =	simm.s32 @!p1 $0x0;
	v10 =	vld [tilespmem:s24+$0x2D00];
	[tilespmem:s24+$0x8430] =	vst v11;
	v8 =	vmul.f32 $6.400000000e+01, v8  }
0x23c: {  	v11 =	vld [tilespmem:s24+$0x2D80];
	s0 =	sshll.u32 s0, $0x6;
	[tilespmem:s24+$0x84B0] =	vst v6;
	v5 =	vmul.f32 $6.400000000e+01, v5  }
0x23d: {  	v6 =	vld [tilespmem:s24+$0x2C10];
	s21 =	sadd.s32 $0x400, s0;
	[tilespmem:s24+$0x8530] =	vst v8;
	v8 =	vmul.f32 $6.400000000e+01, v9  }
0x23e: {  	v61 =	vld [tilespmem:s24+$0x2C90];
	v9 =	vmul.f32 $6.400000000e+01, v60;
	[tilespmem:s24+$0x85B0] =	vst v5;
	s13 =	sadd.s32 $0x30, s21  }
0x23f: {  	v5 =	vmul.f32 $6.400000000e+01, v7;
	v7 =	vld [tilespmem:s24+$0x2D10];
	s10 =	sor.u32 $0x200, s13;
	[tilespmem:s9+$0x8400] =	vst v8  }
0x240: {  	[tilespmem:s24+$0x8400] =	vst v9;
	v8 =	vmul.f32 $6.400000000e+01, v10;
	v9 =	vld [tilespmem:s10+$0x2C00]  }
0x241: {  	v10 =	vld [tilespmem:s24+$0x2D90];
	[tilespmem:s24+$0x8480] =	vst v5;
	v5 =	vmul.f32 $6.400000000e+01, v11  }
0x242: {  	v6 =	vmul.f32 $6.400000000e+01, v6;
	[tilespmem:s24+$0x8500] =	vst v8;
	v8 =	vld [tilespmem:s24+$0x2C20]  }
0x243: {  	v11 =	vld [tilespmem:s24+$0x2CA0];
	[tilespmem:s24+$0x8580] =	vst v5;
	v5 =	vmul.f32 $6.400000000e+01, v61  }
0x244: {  	[tilespmem:s24+$0x8410] =	vst v6;
	v6 =	vmul.f32 $6.400000000e+01, v7;
	v7 =	vld [tilespmem:s24+$0x2D20]  }
0x245: {  	s19 =	sor.u32 $0x200, s21;
	[tilespmem:s24+$0x8490] =	vst v5;
	v5 =	vld [tilespmem:s24+$0x2DA0];
	v9 =	vmul.f32 $6.400000000e+01, v9  }
0x246: {  	s11 =	sor.u32 $0x1, s1;
	s23 =	sor.u32 $0x280, s15;
	v62 =	vld [tilespmem:s19+$0x2C00];
	[tilespmem:s24+$0x8510] =	vst v6;
	v6 =	vmul.f32 $6.400000000e+01, v10  }
0x247: {  	s17 =	smulhi.u32 $0xE6C2B449, s11;
	s22 =	sadd.s32 $0x10, s21;
	s3 =	sor.u32 $0x280, s13;
	v8 =	vmul.f32 $6.400000000e+01, v8;
	[tilespmem:s10+$0x8400] =	vst v9;
	v9 =	vld [tilespmem:s23+$0x2C00]  }
0x248: {  	s28 =	sor.u32 $0x200, s22;
	[tilespmem:s24+$0x8590] =	vst v6;
	v6 =	vmul.f32 $6.400000000e+01, v11;
	v10 =	vld [tilespmem:s3+$0x2C00]  }
0x249: {  	s12 =	sor.u32 $0x380, s12;
	s0 =	sshrl.u32 s17, $0x6;
	s17 =	sor.u32 $0x300, s16;
	v11 =	vld [tilespmem:s28+$0x2C00];
	[tilespmem:s24+$0x8420] =	vst v8;
	v7 =	vmul.f32 $6.400000000e+01, v7  }
0x24a: {  	s6 =	sor.u32 $0x300, s14;
	s14 =	sor.u32 $0x380, s14;
	s25 =	sor.u32 $0x300, s15;
	v8 =	vld [tilespmem:s17+$0x2C00];
	[tilespmem:s24+$0x84A0] =	vst v6;
	v5 =	vmul.f32 $6.400000000e+01, v5  }
0x24b: {  	s15 =	sor.u32 $0x380, s15;
	v63 =	vld [tilespmem:s6+$0x2C00];
	s16 =	sor.u32 $0x380, s16;
	s31 =	sadd.s32 $0x20, s21;
	v6 =	vmul.f32 $6.400000000e+01, v62;
	[tilespmem:s24+$0x8520] =	vst v7  }
0x24c: {  	s26 =	smul.u32 $0x47, s0;
	s18 =	sor.u32 $0x280, s21;
	s20 =	sor.u32 $0x200, s31;
	[tilespmem:s24+$0x85A0] =	vst v5;
	v13 =	vmul.f32 $6.400000000e+01, v9;
	v5 =	vld [tilespmem:s12+$0x2C00]  }
0x24d: {  	s29 =	sor.u32 $0x380, s21;
	s30 =	sor.u32 $0x300, s31;
	s5 =	sor.u32 $0x300, s13;
	[tilespmem:s19+$0x8400] =	vst v6;
	v9 =	vld [tilespmem:s20+$0x2C00];
	v6 =	vmul.f32 $6.400000000e+01, v10  }
0x24e: {  	s9 =	ssub.s32 s11, s26;
	s11 =	sshll.u32 s0, $0x3;
	s26 =	sor.u32 $0x280, s31;
	v7 =	vld [tilespmem:s18+$0x2C00];
	v10 =	vmul.f32 $6.400000000e+01, v11;
	[tilespmem:s23+$0x8400] =	vst v13  }
0x24f: {  	s10 =	smul.u32 $0xFFFFFA80, s9;
	s19 =	sor.u32 $0x280, s22;
	s24 =	sor.u32 $0x300, s22;
	v11 =	vmul.f32 $6.400000000e+01, v8;
	[tilespmem:s3+$0x8400] =	vst v6;
	v6 =	vld [tilespmem:s25+$0x2C00]  }
0x250: {  	s23 =	sor.u32 $0x300, s21;
	[tilespmem:s28+$0x8400] =	vst v10;
	s28 =	sor.u32 $0x380, s22;
	s22 =	sor.u32 $0x380, s31;
	v8 =	vld [tilespmem:s5+$0x2C00];
	v10 =	vmul.f32 $6.400000000e+01, v63  }
.LBB2_5:
0x251: {  	s7 =	sadd.s32 $0x40, s7;
	v12 =	vld [tilespmem:s19+$0x2C00];
	s8 =	sadd.s32 $0x200, s8;
	[tilespmem:s17+$0x8400] =	vst v11;
	v5 =	vmul.f32 $6.400000000e+01, v5;
	s17 =	smov.u32 s23  }
0x252: {  	s2 =	sand.u32 $0x40, s7;
	s3 =	sand.u32 $0x3C00, s8;
	v9 =	vmul.f32 $6.400000000e+01, v9;
	v11 =	vld [tilespmem:s16+$0x2C00];
	[tilespmem:s6+$0x8400] =	vst v10;
	s6 =	smov.u32 s24  }
0x253: {  	s21 =	sor.u32 s2, s3;
	v7 =	vmul.f32 $6.400000000e+01, v7;
	v10 =	vld [tilespmem:s14+$0x2C00];
	[tilespmem:s12+$0x8400] =	vst v5;
	s12 =	smov.u32 s15;
	s15 =	smov.u32 s22  }
0x254: {  	v5 =	vld [tilespmem:s21+$0x2C30];
	[tilespmem:s20+$0x8400] =	vst v9;
	v6 =	vmul.f32 $6.400000000e+01, v6  }
0x255: {  	p2 =	slt.u32 s7, $0x540;
	v9 =	vld [tilespmem:s21+$0x2CB0];
	[tilespmem:s18+$0x8400] =	vst v7;
	v7 =	vmul.f32 $6.400000000e+01, v8  }
0x256: {  	v8 =	vld [tilespmem:s21+$0x2D30];
	v12 =	vmul.f32 $6.400000000e+01, v12;
	[tilespmem:s25+$0x8400] =	vst v6;
	s25 =	smov.u32 s30  }
0x257: {  	s2 =	sor.u32 $0x380, s13;
	v6 =	vld [tilespmem:s21+$0x2DB0];
	[tilespmem:s5+$0x8400] =	vst v7;
	v7 =	vmul.f32 $6.400000000e+01, v11  }
0x258: {  	[tilespmem:s19+$0x8400] =	vst v12;
	v11 =	vld [tilespmem:s2+$0x2C00];
	v10 =	vmul.f32 $6.400000000e+01, v10  }
0x259: {  	v12 =	vld [tilespmem:s21+$0x2C00];
	v5 =	vmul.f32 $6.400000000e+01, v5;
	[tilespmem:s16+$0x8400] =	vst v7;
	s16 =	smov.u32 s29  }
0x25a: {  	p1 =	por !p1, !p1;
	s3 =	simm.s32 $0x1;
	v7 =	vld [tilespmem:s21+$0x2C80];
	v9 =	vmul.f32 $6.400000000e+01, v9;
	[tilespmem:s14+$0x8400] =	vst v10;
	s14 =	smov.u32 s28  }
0x25b: {  	s3 =	simm.s32 @!p1 $0x0;
	v10 =	vld [tilespmem:s21+$0x2D00];
	[tilespmem:s21+$0x8430] =	vst v5;
	v5 =	vmul.f32 $6.400000000e+01, v8  }
0x25c: {  	s3 =	sshll.u32 s3, $0x6;
	v8 =	vld [tilespmem:s21+$0x2D80];
	[tilespmem:s21+$0x84B0] =	vst v9;
	v6 =	vmul.f32 $6.400000000e+01, v6  }
0x25d: {  	s3 =	sadd.s32 s3, s8;
	v9 =	vld [tilespmem:s21+$0x2C10];
	[tilespmem:s21+$0x8530] =	vst v5;
	v5 =	vmul.f32 $6.400000000e+01, v11  }
0x25e: {  	s22 =	sadd.s32 $0x10, s3;
	s13 =	sadd.s32 $0x30, s3;
	s29 =	sadd.s32 $0x20, s3;
	v11 =	vmul.f32 $6.400000000e+01, v12;
	v12 =	vld [tilespmem:s21+$0x2C90];
	[tilespmem:s21+$0x85B0] =	vst v6  }
0x25f: {  	s4 =	sor.u32 $0x200, s22;
	s31 =	sor.u32 $0x200, s13;
	s20 =	sor.u32 $0x200, s29;
	v6 =	vmul.f32 $6.400000000e+01, v7;
	v7 =	vld [tilespmem:s21+$0x2D10];
	[tilespmem:s2+$0x8400] =	vst v5  }
0x260: {  	s19 =	sor.u32 $0x280, s22;
	s5 =	sor.u32 $0x280, s29;
	s2 =	sor.u32 $0x200, s3;
	[tilespmem:s21+$0x8400] =	vst v11;
	v5 =	vmul.f32 $6.400000000e+01, v10;
	v10 =	vld [tilespmem:s31+$0x2C00]  }
0x261: {  	s18 =	sor.u32 $0x280, s3;
	s24 =	sor.u32 $0x300, s22;
	s30 =	sor.u32 $0x300, s29;
	[tilespmem:s21+$0x8480] =	vst v6;
	v6 =	vmul.f32 $6.400000000e+01, v8;
	v8 =	vld [tilespmem:s21+$0x2D90]  }
0x262: {  	s23 =	sor.u32 $0x300, s3;
	s28 =	sor.u32 $0x380, s22;
	s22 =	sor.u32 $0x380, s29;
	[tilespmem:s21+$0x8500] =	vst v5;
	v5 =	vmul.f32 $6.400000000e+01, v9;
	v9 =	vld [tilespmem:s21+$0x2C20]  }
0x263: {  	s29 =	sor.u32 $0x380, s3;
	[tilespmem:s21+$0x8580] =	vst v6;
	v6 =	vmul.f32 $6.400000000e+01, v12;
	v11 =	vld [tilespmem:s21+$0x2CA0]  }
0x264: {  	[tilespmem:s21+$0x8410] =	vst v5;
	v5 =	vmul.f32 $6.400000000e+01, v7;
	v7 =	vld [tilespmem:s21+$0x2D20]  }
0x265: {  	[tilespmem:s21+$0x8490] =	vst v6;
	v6 =	vld [tilespmem:s21+$0x2DA0];
	v10 =	vmul.f32 $6.400000000e+01, v10  }
0x266: {  	v12 =	vld [tilespmem:s2+$0x2C00];
	[tilespmem:s21+$0x8510] =	vst v5;
	v5 =	vmul.f32 $6.400000000e+01, v8  }
0x267: {  	s3 =	sor.u32 $0x280, s13;
	v8 =	vmul.f32 $6.400000000e+01, v9;
	[tilespmem:s31+$0x8400] =	vst v10;
	v9 =	vld [tilespmem:s26+$0x2C00]  }
0x268: {  	[tilespmem:s21+$0x8590] =	vst v5;
	v5 =	vmul.f32 $6.400000000e+01, v11;
	v10 =	vld [tilespmem:s3+$0x2C00]  }
0x269: {  	v11 =	vld [tilespmem:s4+$0x2C00];
	[tilespmem:s21+$0x8420] =	vst v8;
	v7 =	vmul.f32 $6.400000000e+01, v7  }
0x26a: {  	[tilespmem:s21+$0x84A0] =	vst v5;
	v5 =	vmul.f32 $6.400000000e+01, v6;
	v6 =	vld [tilespmem:s17+$0x2C00]  }
0x26b: {  	v8 =	vmul.f32 $6.400000000e+01, v12;
	[tilespmem:s21+$0x8520] =	vst v7;
	v12 =	vld [tilespmem:s6+$0x2C00]  }
.Ltmp3:
0x26c: {  	[tilespmem:s21+$0x85A0] =	vst v5;
	v13 =	vmul.f32 $6.400000000e+01, v9;
	v5 =	vld [tilespmem:s12+$0x2C00];
	(pc) =	sbr.rel @p2 .LBB2_5-.Ltmp3, $4  }
0x26d: {  	[tilespmem:s2+$0x8400] =	vst v8;
	v9 =	vld [tilespmem:s20+$0x2C00];
	v8 =	vmul.f32 $6.400000000e+01, v10  }
0x26e: {  	v7 =	vld [tilespmem:s18+$0x2C00];
	v10 =	vmul.f32 $6.400000000e+01, v11;
	[tilespmem:s26+$0x8400] =	vst v13;
	s26 =	smov.u32 s5  }
0x26f: {  	s5 =	sor.u32 $0x300, s13;
	[tilespmem:s3+$0x8400] =	vst v8;
	v11 =	vmul.f32 $6.400000000e+01, v6;
	v6 =	vld [tilespmem:s25+$0x2C00]  }
0x270: {  	[tilespmem:s4+$0x8400] =	vst v10;
	v8 =	vld [tilespmem:s5+$0x2C00];
	v10 =	vmul.f32 $6.400000000e+01, v12  }
0x271: {  	_ = 	snop  }
0x272: {  	v9 =	vmul.f32 $6.400000000e+01, v9;
	_ =	sdelay $0x1  }
0x273: {  	v49 =	vld [tilespmem:s19+$0x2C00];
	[tilespmem:s20+$0x8400] =	vst v9  }
0x274: {  	v12 =	vld [tilespmem:s26+$0x2C00];
	_ =	sdelay $0x2  }
0x275: {  	v7 =	vmul.f32 $6.400000000e+01, v7  }
0x276: {  	v9 =	vmul.f32 $6.400000000e+01, v49  }
0x277: {  	[tilespmem:s18+$0x8400] =	vst v7;
	v7 =	vmul.f32 $6.400000000e+01, v12  }
0x278: {  	v50 =	vld [tilespmem:s23+$0x2C00];
	[tilespmem:s19+$0x8400] =	vst v9  }
0x279: {  	[tilespmem:s26+$0x8400] =	vst v7;
	v7 =	vld [tilespmem:s24+$0x2C00]  }
0x27a: {  	v51 =	vld [tilespmem:s30+$0x2C00]  }
0x27b: {  	[tilespmem:s17+$0x8400] =	vst v11;
	v8 =	vmul.f32 $6.400000000e+01, v8  }
0x27c: {  	[tilespmem:s6+$0x8400] =	vst v10;
	v52 =	vld [tilespmem:s16+$0x2C00];
	v6 =	vmul.f32 $6.400000000e+01, v6  }
0x27d: {  	s2 =	sor.u32 $0x380, s13;
	v53 =	vld [tilespmem:s14+$0x2C00];
	[tilespmem:s5+$0x8400] =	vst v8;
	v9 =	vmul.f32 $6.400000000e+01, v50  }
0x27e: {  	[tilespmem:s25+$0x8400] =	vst v6;
	v6 =	vld [tilespmem:s2+$0x2C00];
	v7 =	vmul.f32 $6.400000000e+01, v7  }
0x27f: {  	v54 =	vld [tilespmem:s15+$0x2C00];
	[tilespmem:s23+$0x8400] =	vst v9;
	v55 =	vmul.f32 $6.400000000e+01, v51  }
0x280: {  	v5 =	vmul.f32 $6.400000000e+01, v5;
	[tilespmem:s24+$0x8400] =	vst v7;
	v7 =	vld [tilespmem:s29+$0x2C00]  }
0x281: {  	v10 =	vmul.f32 $6.400000000e+01, v52;
	[tilespmem:s30+$0x8400] =	vst v55;
	v56 =	vld [tilespmem:s28+$0x2C00]  }
0x282: {  	[tilespmem:s12+$0x8400] =	vst v5;
	v5 =	vmul.f32 $6.400000000e+01, v53;
	v57 =	vld [tilespmem:s22+$0x2C00]  }
0x283: {  	[tilespmem:s16+$0x8400] =	vst v10;
	v6 =	vmul.f32 $6.400000000e+01, v6  }
0x284: {  	[tilespmem:s14+$0x8400] =	vst v5;
	v5 =	vmul.f32 $6.400000000e+01, v54  }
0x285: {  	[tilespmem:s2+$0x8400] =	vst v6;
	v6 =	vor.u32 s11, v2;
	v7 =	vmul.f32 $6.400000000e+01, v7  }
0x286: {  	[tilespmem:s15+$0x8400] =	vst v5;
	v5 =	vmul.f32 $6.400000000e+01, v56  }
0x287: {  	[tilespmem:s29+$0x8400] =	vst v7;
	v7 =	vmul.f32 $6.400000000e+01, v57  }
0x288: {  	[tilespmem:s28+$0x8400] =	vst v5  }
0x289: {  	s4 =	simm.s32 $0xB800;
	[tilespmem:s22+$0x8400] =	vst v7  }
0x28a: {  	v5 =	vld.idx.msk [tilespmem:v6+s4+$0x0], $0xffff;
	_ =	sdelay $0x4  }
0x28b: {  	v5 =	vadd.s32 s10, v5  }
0x28c: {  	vm1 =	vlt.u32 v5, $0x580  }
0x28d: {  	vm1 =	vmand vm1, vm0  }
0x28e: {  	v5 =	vnsel vm1, $0x0, v5  }
0x28f: {  	v6 =	vshll.u32 v5, $0x3  }
0x290: {  	v5 =	vand.u32 $0x7F, v5;
	v6 =	vand.u32 $0xFFFFFC00, v6  }
0x291: {  	v5 =	vor.u32 v6, v5  }
0x292: {  	v5 =	vor.u32 v1, v5;
	_ =	sdelay $0x3  }
0x293: {  	s5 =	simm.s32 $0x2C00  }
0x294: {  	v6 =	vld.idx.msk [tilespmem:v5+s5+$0x0], $0xffff;
	_ =	sdelay $0x4  }
0x295: {  	v7 =	vmul.f32 v6, v6;
	_ =	sdelay $0x1  }
0x296: {  	v7 =	vsub.f32 $1.000000000e+00, v7;
	_ =	sdelay $0x1  }
0x297: {  	v7 =	vmax.f32 v7, $9.999999680e-21  }
0x298: {  	v58 =	vshra.s32 v7, $0x1  }
0x299: {  	v8 =	vadd.s32 $0x1FBD1DF5, v58  }
0x29a: {  	(erf) = vrcp.f32 v8;
	_ =	sdelay $0x8  }
0x29b: {  	v59 =	vpop (erf)  }
0x29c: {  	v9 =	vmul.f32 v59, v7;
	_ =	sdelay $0x1  }
0x29d: {  	v8 =	vadd.f32 v8, v9;
	_ =	sdelay $0x1  }
0x29e: {  	v8 =	vmul.f32 $5.000000000e-01, v8;
	_ =	sdelay $0x1  }
0x29f: {  	(erf) = vrcp.f32 v8;
	_ =	sdelay $0x8  }
0x2a0: {  	v60 =	vpop (erf)  }
0x2a1: {  	v9 =	vmul.f32 v60, v7;
	_ =	sdelay $0x1  }
0x2a2: {  	v8 =	vadd.f32 v9, v8;
	_ =	sdelay $0x1  }
0x2a3: {  	v8 =	vmul.f32 $5.000000000e-01, v8;
	_ =	sdelay $0x1  }
0x2a4: {  	(erf) = vrcp.f32 v8;
	_ =	sdelay $0x8  }
0x2a5: {  	v61 =	vpop (erf)  }
0x2a6: {  	v7 =	vmul.f32 v61, v7;
	_ =	sdelay $0x1  }
0x2a7: {  	v7 =	vadd.f32 v7, v8;
	_ =	sdelay $0x1  }
0x2a8: {  	v7 =	vmul.f32 $5.000000000e-01, v7;
	_ =	sdelay $0x1  }
0x2a9: {  	v62 =	vmul.f32 $8.775825500e-01, v6;
	v7 =	vmul.f32 $-4.794255500e-01, v7  }
0x2aa: {  	s3 =	rddreg [dreg:$0x3]  }
0x2ab: {  	s29 =	smul.u32 $0x2C00, s9;
	s0 =	sadd.s32 s3, s0;
	v63 =	vadd.f32 $-2.397127750e-01, v6;
	v7 =	vadd.f32 v7, v62  }
0x2ac: {  	s0 =	smul.u32 $0xC3800, s0;
	vm2 =	vgt.f32 v6, $-8.775825500e-01  }
.Ltmp4:
0x2ad: {  	v6 =	vsel vm2, v7, v63;
	(pc) =	sbr.rel @p0 .LBB2_8-.Ltmp4, $4  }
0x2ae: {  	s0 =	sadd.s32 s29, s0;
	v6 =	vmul.f32 $6.400000000e+01, v6  }
0x2af: {  	s30 =	simm.s32 $0x8400;
	s31 =	rddreg [dreg:$0x5];
	s0 =	sshrl.u32 s0, $0x3  }
0x2b0: {  	s7 =	simm.s32 $0x0;
	s0 =	sadd.s32 s31, s0;
	[tilespmem:v5+s30+$0x0] =	vst.idx.msk vm1, v6  }
0x2b1: {  	[hbm4b:s0+s7] =	stream.linear.scatter [tilespmem:s30], [sflag:$0x4], $0x2C00, $0x38;
	[tilespmem:$0xB880] =	vst v63  }
0x2b2: {  	s0 =	sadd.s32 $0x3, s1  }
0x2b3: {  	s1 =	smulhi.u32 $0xE6C2B449, s0;
	_ =	sdelay $0x1  }
0x2b4: {  	s1 =	sshrl.u32 s1, $0x6  }
0x2b5: {  	s2 =	smul.u32 $0x47, s1  }
0x2b6: {  	s1 =	sadd.s32 s3, s1  }
0x2b7: {  	s1 =	smul.u32 $0xC3800, s1;
	s0 =	ssub.s32 s0, s2  }
0x2b8: {  	s0 =	smul.u32 $0x2C00, s0  }
.Ltmp5:
0x2b9: {  	_ = 	snop;
	(pc) =	sbr.rel .LBB2_2-.Ltmp5, $4  }
0x2ba: {  	s30 =	rddreg [dreg:$0x4];
	s0 =	sadd.s32 s0, s1  }
0x2bb: {  	s31 =	rddreg [dreg:$0x13];
	s0 =	sshrl.u32 s0, $0x3  }
0x2bc: {  	s2 =	sadd.s32 $0x1, s31;
	s0 =	sadd.s32 s30, s0  }
0x2bd: {  	[tilespmem:s5], [sflag:$0x2] =	stream.linear.gather [hbm4b:s0+s7], $0x2C00, $0x38;
	[tilespmem:$0xB880] =	vst v63  }
.LBB2_9:
0x2be: {  	_ =	sfence.sel $0x180000  }
0x2bf: {  	[bflag:$0x0] =	sbarrier.arrive $0xFFFF  }
0x2c0: {  	_ =	strace $0x90000047  }
0x2c1: {  	s0 =	stileid.u32;
	[bflag:$0x2] =	sbarrier.arrive $0xFFFF  }
0x2c2: {  	p0 =	sne.s32 s0, $0x0;
	s0 =	rddreg [dreg:$0x2]  }
0x2c3: {  	s0 =	sadd.s32 @!p0 $0x100000, s0  }
0x2c4: {  	[sflag:s0] =	ssyncadd.tile.s32 @!p0 $0x1;
	_ =	shalt  }
.Lfunc_end2:
_tile_overlayer_lowered:
.L_overlay_start_2:
0x2c5: {  	(tag) =	ssettag $0x2  }
0x2c6: {  	s0 =	rddreg [dreg:$0x0];
	s2 =	stileid.u32  }
0x2c7: {  	s1 =	rddreg [dreg:$0x1];
	p0 =	sne.s32 s2, $0x0  }
0x2c8: {  	s3 =	rddreg [dreg:$0x2];
	[bflag:$0x3] =	sbarrier.arrive $0xFFFF;
	s2 =	simm.s32 @!p0 $0x1C05  }
0x2c9: {  	[timem:s3], [sflag:s2] =	dma.local @!p0 [hbm:s0], s1  }
0x2ca: {  	s0 =	simm.s32 @!p0 $0x5  }
0x2cb: {  	_ =	swait.ge @!p0 [sflag:s0], s1  }
0x2cc: {  	s1 =	ssub.s32 @!p0 $0x0, s1;
	[sflag:s0] =	ssyncset.done @!p0 $0x0  }
0x2cd: {  	[sflag:s0] =	ssyncadd.s32 @!p0 s1  }
0x2ce: {  	[bflag:$0x3] =	sbarrier.arrive $0xFFFF  }
0x2cf: {  	_ =	shalt  }

</sc_bundles>
